<compile_context>
chip_gen: v7x
topology: tpu7x:2x2x1
jax: 0.10.2.dev20260603
libtpu: 0.0.44.dev20260713+nightly
codegen_flags: <defaults>
</compile_context>

<pallas_src>
import functools

import jax
import jax.numpy as jnp
from jax import lax
from jax.experimental import pallas as pl
from jax.experimental.pallas import tpu as pltpu
from jax.experimental.pallas import tpu_sc as plsc

V = 1000000
B, L, D, H = 4096, 200, 64, 128
DP = D // 2
NC, NS = 2, 16
NW = NC * NS
RPW = B // NW
NCHUNK = 2
CHUNK = L // NCHUNK
BLANE = 32
G = 4
NGRP = RPW // G

VB = 6400
TGRID = 40
VS4 = TGRID * VB
NVBLK = V // VB

_mesh = plsc.VectorSubcoreMesh(
    core_axis_name="c", subcore_axis_name="s", num_cores=NC, num_subcores=NS
)


def _transpose_body(q0_ref, q1_ref, q2_ref, q3_ref, o_ref):
    for q, ref in enumerate((q0_ref, q1_ref, q2_ref, q3_ref)):
        u = lax.bitcast_convert_type(ref[...], jnp.uint32)
        ub = (u + (((u >> 16) & 1) + 0x7FFF)) >> 16
        packed_u = ub[0:DP, :] | (ub[DP:D, :] << 16)
        packed = lax.bitcast_convert_type(packed_u, jnp.float32)
        o_ref[:, pl.ds(q * DP, DP)] = lax.transpose(packed, (1, 0))


@functools.partial(
    pl.kernel,
    out_type=jax.ShapeDtypeStruct((B, D), jnp.bfloat16),
    mesh=_mesh,
    scratch_types=[
        pltpu.VMEM((RPW, NCHUNK, CHUNK), jnp.int32),
        pltpu.VMEM((2, G, NCHUNK, CHUNK, DP), jnp.float32),
        pltpu.VMEM((RPW, D), jnp.bfloat16),
        pltpu.SemaphoreType.DMA,
        pltpu.SemaphoreType.DMA,
    ],
    compiler_params=pltpu.CompilerParams(
        use_tc_tiling_on_sc=False, needs_layout_passes=False
    ),
)
def _pool_kernel(x_hbm, table_hbm, out_hbm, idx_v, rows_v, out_v, sem0, sem1):
    wid = lax.axis_index("s") * NC + lax.axis_index("c")
    base = wid * RPW
    sems = (sem0, sem1)
    pltpu.sync_copy(x_hbm.at[pl.ds(base, RPW)], idx_v)

    def start(g, p):
        for u in range(G):
            for j in range(NCHUNK):
                pltpu.async_copy(
                    table_hbm.at[idx_v.at[g * G + u, j]],
                    rows_v.at[p, u, j],
                    sems[p],
                )

    def wait(g, p):
        for u in range(G):
            for j in range(NCHUNK):
                pltpu.make_async_copy(
                    table_hbm.at[idx_v.at[g * G + u, j]],
                    rows_v.at[p, u, j],
                    sems[p],
                ).wait()

    def reduce(g, p):
        for u in range(G):
            def red_body(r, accs):
                res = list(accs)
                for j in range(NCHUNK):
                    for c in range(2):
                        v16 = rows_v[p, u, j, r, pl.ds(c * 16, 16)]
                        res[c] = jnp.maximum(
                            res[c], plsc.bitcast(v16, jnp.bfloat16)
                        )
                return tuple(res)

            init = tuple(
                jnp.full((BLANE,), -jnp.inf, jnp.bfloat16) for _ in range(2)
            )
            accs = lax.fori_loop(0, CHUNK, red_body, init)
            for c in range(2):
                out_v[g * G + u, pl.ds(c * BLANE, BLANE)] = accs[c]

    start(0, 0)
    start(1, 1)

    def grp_body(i, carry):
        for p in range(2):
            g = 2 * i + p
            wait(g, p)
            reduce(g, p)
            start(g + 2, p)
        return carry

    lax.fori_loop(0, NGRP // 2 - 1, grp_body, 0)
    for p in range(2):
        g = NGRP - 2 + p
        wait(g, p)
        reduce(g, p)
    pltpu.sync_copy(out_v, out_hbm.at[pl.ds(base, RPW)])


def _head_body(p_ref, w_ref, b_ref, o_ref):
    pooled = p_ref[...].astype(jnp.float32)
    h = lax.dot_general(
        pooled, w_ref[...], (((1,), (1,)), ((), ())),
        preferred_element_type=jnp.float32,
    )
    h = h + b_ref[...]
    s = jnp.sum(h * h, axis=1, keepdims=True)
    o_ref[...] = h * lax.rsqrt(jnp.maximum(s, 1e-24))


def kernel(x, embed_table, W, b):
    xi = x.astype(jnp.int32)
    xg = 4 * jnp.remainder(xi, VS4) + xi // VS4
    x3 = xg.reshape(B, NCHUNK, CHUNK)
    tbT = embed_table.T

    def _qmap(q):
        return lambda i: (0, jnp.minimum(q * TGRID + i, NVBLK))

    tb_lin = pl.pallas_call(
        _transpose_body,
        grid=(TGRID,),
        in_specs=[pl.BlockSpec((D, VB), _qmap(q)) for q in range(4)],
        out_specs=pl.BlockSpec((VB, 4 * DP), lambda i: (i, 0)),
        out_shape=jax.ShapeDtypeStruct((VS4, 4 * DP), jnp.float32),
    )(tbT, tbT, tbT, tbT)
    pooled = _pool_kernel(x3, tb_lin.reshape(4 * VS4, DP))
    k = jnp.arange(D)
    perm = 16 * (k // 32) + (k % 32) // 2 + 32 * (k % 2)
    out = pl.pallas_call(
        _head_body,
        out_shape=jax.ShapeDtypeStruct((B, H), jnp.float32),
    )(pooled, W[:, perm], b.reshape(1, H))
    return out

# --- scband reference (transcript-rebuilt; emitter-appended) ---
"""Pipeline reference for scband-max-pooling-encoder-31353261261244 (READ-ONLY COPY).

The authoritative reference and input builder live on the scoring server;
editing this copy changes nothing except your own understanding.
"""

import jax, jax.numpy as jnp
import numpy as np

VOCAB = 1000000
EMBED_DIM = 64
HIDDEN = 128
BATCH = 4096
SEQ = 200


def setup_inputs(seed: int = 0) -> dict:
    key = jax.random.key(seed)
    k1, k2, k3, k4 = jax.random.split(key, 4)
    x = jax.random.randint(k1, (BATCH, SEQ), 0, VOCAB, dtype=jnp.int64 if jax.config.jax_enable_x64 else jnp.int32)
    embed_table = jax.random.normal(k2, (VOCAB, EMBED_DIM), dtype=jnp.float32) * 0.02
    W = jax.random.normal(k3, (HIDDEN, EMBED_DIM), dtype=jnp.float32) * (1.0 / np.sqrt(EMBED_DIM))
    b = jax.random.normal(k4, (HIDDEN,), dtype=jnp.float32) * 0.01
    return {"x": x, "embed_table": embed_table, "W": W, "b": b}


def reference(x, embed_table, W, b):
    # embedded = self.embed(x)  -> gather rows from (frozen) pretrained table
    embedded = jnp.take(embed_table, x, axis=0)           # [B, L, D]
    # maxpooled, _ = torch.max(embedded, dim=1)
    maxpooled = jnp.max(embedded, axis=1)                 # [B, D]
    # hidden = self.linear(maxpooled)
    hidden = maxpooled @ W.T + b                          # [B, H]
    # F.normalize(hidden)  (p=2, dim=1, eps=1e-12)
    norm = jnp.linalg.norm(hidden, ord=2, axis=1, keepdims=True)
    out = hidden / jnp.maximum(norm, 1e-12)
    return out

if __name__ == "__main__":
    import jax
    _d = setup_inputs()
    print(jax.jit(kernel)(*tuple(_d.values())))

</pallas_src>

<mosaic_0001>
#map = affine_map<(d0, d1) -> (0, 0, 0)>
#map1 = affine_map<(d0, d1) -> (0, 0)>
module attributes {stable_mosaic.version = 14 : i64} {
  func.func @_pool_kernel(%arg0: i32, %arg1: i32, %arg2: memref<4096x2x100xi32, #tpu.memory_space<hbm>>, %arg3: memref<1024000x32xf32, #tpu.memory_space<hbm>>, %arg4: memref<4096x64xbf16, #tpu.memory_space<hbm>>, %arg5: memref<128x2x100xi32, #tpu.memory_space<vmem>>, %arg6: memref<2x4x2x100x32xf32, #tpu.memory_space<vmem>>, %arg7: memref<128x64xbf16, #tpu.memory_space<vmem>>, %arg8: memref<!tpu.dma_semaphore, #tpu.memory_space<semaphore_mem>>, %arg9: memref<!tpu.dma_semaphore, #tpu.memory_space<semaphore_mem>>) attributes {dimension_semantics = [#tpu.dimension_semantics<core_parallel>, #tpu.dimension_semantics<subcore_parallel>], iteration_bounds = array<i64: 2, 16>, scalar_prefetch = 0 : i64, scratch_operands = 5 : i64, tpu.core_type = #tpu.core_type<sc_vector_subcore>, window_params = [{transform_indices = #map}, {transform_indices = #map1}, {transform_indices = #map1}]} {
    %mul3A = arith.constant 2 : i32
    %mul3A_0 = arith.muli %arg1, %mul3A : i32
    %add3A = arith.addi %mul3A_0, %arg0 : i32
    %mul3A_1 = arith.constant 128 : i32
    %mul3A_2 = arith.muli %add3A, %mul3A_1 : i32
    "tpu.region"() ({
      %run_scoped3A = tpu.sem_alloc : memref<!tpu.dma_semaphore, #tpu.memory_space<semaphore_mem>>
      %dma_start3A_628 = arith.constant 0 : i32
      %dma_start3A_629 = arith.constant 0 : i32
      %dma_start3A_630 = tpu.memref_slice %arg2[%mul3A_2, %dma_start3A_628, %dma_start3A_629] : memref<4096x2x100xi32, #tpu.memory_space<hbm>> -> memref<128x2x100xi32, #tpu.memory_space<hbm>>
      %dma_start3A_631 = arith.constant 0 : i32
      %dma_start3A_632 = arith.constant 0 : i32
      %dma_start3A_633 = tpu.memref_slice %arg2[%mul3A_2, %dma_start3A_631, %dma_start3A_632] : memref<4096x2x100xi32, #tpu.memory_space<hbm>> -> memref<128x2x100xi32, #tpu.memory_space<hbm>>
      tpu.enqueue_dma source(%dma_start3A_633 : memref<128x2x100xi32, #tpu.memory_space<hbm>>) target(%arg5 : memref<128x2x100xi32, #tpu.memory_space<vmem>>) target_semaphore(%run_scoped3A : memref<!tpu.dma_semaphore, #tpu.memory_space<semaphore_mem>>)
      %dma_wait3A_634 = arith.constant 0 : i32
      %dma_wait3A_635 = arith.constant 0 : i32
      %dma_wait3A_636 = tpu.memref_slice %arg2[%mul3A_2, %dma_wait3A_634, %dma_wait3A_635] : memref<4096x2x100xi32, #tpu.memory_space<hbm>> -> memref<128x2x100xi32, #tpu.memory_space<hbm>>
      %dma_wait3A_637 = arith.constant 0 : i32
      %dma_wait3A_638 = arith.constant 0 : i32
      %dma_wait3A_639 = tpu.memref_slice %arg2[%mul3A_2, %dma_wait3A_637, %dma_wait3A_638] : memref<4096x2x100xi32, #tpu.memory_space<hbm>> -> memref<128x2x100xi32, #tpu.memory_space<hbm>>
      tpu.wait_dma2 semaphore(%run_scoped3A : memref<!tpu.dma_semaphore, #tpu.memory_space<semaphore_mem>>) src(%dma_wait3A_639 : memref<128x2x100xi32, #tpu.memory_space<hbm>>) dst(%arg5 : memref<128x2x100xi32, #tpu.memory_space<vmem>>)
      tpu.yield
    }) : () -> ()
    %dma_start3A = arith.constant 0 : i32
    %dma_start3A_3 = arith.constant 0 : i32
    %dma_start3A_4 = arith.constant 0 : i32
    %dma_start3A_5 = arith.constant 0 : i32
    %dma_start3A_6 = arith.constant 0 : i32
    %dma_start3A_7 = arith.constant 0 : i32
    %dma_start3A_8 = arith.constant 0 : i32
    %dma_start3A_9 = tpu.memref_slice %arg6[%dma_start3A_4, %dma_start3A_5, %dma_start3A_6, %dma_start3A_7, %dma_start3A_8] : memref<2x4x2x100x32xf32, #tpu.memory_space<vmem>> -> memref<1x1x1x100x32xf32, #tpu.memory_space<vmem>>
    %dma_start3A_10 = tpu.memref_squeeze %dma_start3A_9 : memref<1x1x1x100x32xf32, #tpu.memory_space<vmem>> -> memref<100x32xf32, #tpu.memory_space<vmem>>
    %dma_start3A_11 = arith.constant 0 : i32
    %dma_start3A_12 = tpu.memref_slice %arg5[%dma_start3A, %dma_start3A_3, %dma_start3A_11] : memref<128x2x100xi32, #tpu.memory_space<vmem>> -> memref<1x1x100xi32, #tpu.memory_space<vmem>>
    %dma_start3A_13 = tpu.memref_squeeze %dma_start3A_12 : memref<1x1x100xi32, #tpu.memory_space<vmem>> -> memref<100xi32, #tpu.memory_space<vmem>>
    %dma_start3A_14 = arith.constant 0 : i32
    %dma_start3A_15 = arith.constant 0 : i32
    %dma_start3A_16 = tpu.memref_slice %arg3[%dma_start3A_14, %dma_start3A_15] : memref<1024000x32xf32, #tpu.memory_space<hbm>> -> memref<1024000x32xf32, #tpu.memory_space<hbm>>
    tpu.enqueue_indirect_dma source(%dma_start3A_16 : memref<1024000x32xf32, #tpu.memory_space<hbm>>) target(%dma_start3A_10 : memref<100x32xf32, #tpu.memory_space<vmem>>) offsets(%dma_start3A_13 : memref<100xi32, #tpu.memory_space<vmem>>) semaphore(%arg8 : memref<!tpu.dma_semaphore, #tpu.memory_space<semaphore_mem>>)
    %dma_start3A_17 = arith.constant 0 : i32
    %dma_start3A_18 = arith.constant 1 : i32
    %dma_start3A_19 = arith.constant 0 : i32
    %dma_start3A_20 = arith.constant 0 : i32
    %dma_start3A_21 = arith.constant 1 : i32
    %dma_start3A_22 = arith.constant 0 : i32
    %dma_start3A_23 = arith.constant 0 : i32
    %dma_start3A_24 = tpu.memref_slice %arg6[%dma_start3A_19, %dma_start3A_20, %dma_start3A_21, %dma_start3A_22, %dma_start3A_23] : memref<2x4x2x100x32xf32, #tpu.memory_space<vmem>> -> memref<1x1x1x100x32xf32, #tpu.memory_space<vmem>>
    %dma_start3A_25 = tpu.memref_squeeze %dma_start3A_24 : memref<1x1x1x100x32xf32, #tpu.memory_space<vmem>> -> memref<100x32xf32, #tpu.memory_space<vmem>>
    %dma_start3A_26 = arith.constant 0 : i32
    %dma_start3A_27 = tpu.memref_slice %arg5[%dma_start3A_17, %dma_start3A_18, %dma_start3A_26] : memref<128x2x100xi32, #tpu.memory_space<vmem>> -> memref<1x1x100xi32, #tpu.memory_space<vmem>>
    %dma_start3A_28 = tpu.memref_squeeze %dma_start3A_27 : memref<1x1x100xi32, #tpu.memory_space<vmem>> -> memref<100xi32, #tpu.memory_space<vmem>>
    %dma_start3A_29 = arith.constant 0 : i32
    %dma_start3A_30 = arith.constant 0 : i32
    %dma_start3A_31 = tpu.memref_slice %arg3[%dma_start3A_29, %dma_start3A_30] : memref<1024000x32xf32, #tpu.memory_space<hbm>> -> memref<1024000x32xf32, #tpu.memory_space<hbm>>
    tpu.enqueue_indirect_dma source(%dma_start3A_31 : memref<1024000x32xf32, #tpu.memory_space<hbm>>) target(%dma_start3A_25 : memref<100x32xf32, #tpu.memory_space<vmem>>) offsets(%dma_start3A_28 : memref<100xi32, #tpu.memory_space<vmem>>) semaphore(%arg8 : memref<!tpu.dma_semaphore, #tpu.memory_space<semaphore_mem>>)
    %dma_start3A_32 = arith.constant 1 : i32
    %dma_start3A_33 = arith.constant 0 : i32
    %dma_start3A_34 = arith.constant 0 : i32
    %dma_start3A_35 = arith.constant 1 : i32
    %dma_start3A_36 = arith.constant 0 : i32
    %dma_start3A_37 = arith.constant 0 : i32
    %dma_start3A_38 = arith.constant 0 : i32
    %dma_start3A_39 = tpu.memref_slice %arg6[%dma_start3A_34, %dma_start3A_35, %dma_start3A_36, %dma_start3A_37, %dma_start3A_38] : memref<2x4x2x100x32xf32, #tpu.memory_space<vmem>> -> memref<1x1x1x100x32xf32, #tpu.memory_space<vmem>>
    %dma_start3A_40 = tpu.memref_squeeze %dma_start3A_39 : memref<1x1x1x100x32xf32, #tpu.memory_space<vmem>> -> memref<100x32xf32, #tpu.memory_space<vmem>>
    %dma_start3A_41 = arith.constant 0 : i32
    %dma_start3A_42 = tpu.memref_slice %arg5[%dma_start3A_32, %dma_start3A_33, %dma_start3A_41] : memref<128x2x100xi32, #tpu.memory_space<vmem>> -> memref<1x1x100xi32, #tpu.memory_space<vmem>>
    %dma_start3A_43 = tpu.memref_squeeze %dma_start3A_42 : memref<1x1x100xi32, #tpu.memory_space<vmem>> -> memref<100xi32, #tpu.memory_space<vmem>>
    %dma_start3A_44 = arith.constant 0 : i32
    %dma_start3A_45 = arith.constant 0 : i32
    %dma_start3A_46 = tpu.memref_slice %arg3[%dma_start3A_44, %dma_start3A_45] : memref<1024000x32xf32, #tpu.memory_space<hbm>> -> memref<1024000x32xf32, #tpu.memory_space<hbm>>
    tpu.enqueue_indirect_dma source(%dma_start3A_46 : memref<1024000x32xf32, #tpu.memory_space<hbm>>) target(%dma_start3A_40 : memref<100x32xf32, #tpu.memory_space<vmem>>) offsets(%dma_start3A_43 : memref<100xi32, #tpu.memory_space<vmem>>) semaphore(%arg8 : memref<!tpu.dma_semaphore, #tpu.memory_space<semaphore_mem>>)
    %dma_start3A_47 = arith.constant 1 : i32
    %dma_start3A_48 = arith.constant 1 : i32
    %dma_start3A_49 = arith.constant 0 : i32
    %dma_start3A_50 = arith.constant 1 : i32
    %dma_start3A_51 = arith.constant 1 : i32
    %dma_start3A_52 = arith.constant 0 : i32
    %dma_start3A_53 = arith.constant 0 : i32
    %dma_start3A_54 = tpu.memref_slice %arg6[%dma_start3A_49, %dma_start3A_50, %dma_start3A_51, %dma_start3A_52, %dma_start3A_53] : memref<2x4x2x100x32xf32, #tpu.memory_space<vmem>> -> memref<1x1x1x100x32xf32, #tpu.memory_space<vmem>>
    %dma_start3A_55 = tpu.memref_squeeze %dma_start3A_54 : memref<1x1x1x100x32xf32, #tpu.memory_space<vmem>> -> memref<100x32xf32, #tpu.memory_space<vmem>>
    %dma_start3A_56 = arith.constant 0 : i32
    %dma_start3A_57 = tpu.memref_slice %arg5[%dma_start3A_47, %dma_start3A_48, %dma_start3A_56] : memref<128x2x100xi32, #tpu.memory_space<vmem>> -> memref<1x1x100xi32, #tpu.memory_space<vmem>>
    %dma_start3A_58 = tpu.memref_squeeze %dma_start3A_57 : memref<1x1x100xi32, #tpu.memory_space<vmem>> -> memref<100xi32, #tpu.memory_space<vmem>>
    %dma_start3A_59 = arith.constant 0 : i32
    %dma_start3A_60 = arith.constant 0 : i32
    %dma_start3A_61 = tpu.memref_slice %arg3[%dma_start3A_59, %dma_start3A_60] : memref<1024000x32xf32, #tpu.memory_space<hbm>> -> memref<1024000x32xf32, #tpu.memory_space<hbm>>
    tpu.enqueue_indirect_dma source(%dma_start3A_61 : memref<1024000x32xf32, #tpu.memory_space<hbm>>) target(%dma_start3A_55 : memref<100x32xf32, #tpu.memory_space<vmem>>) offsets(%dma_start3A_58 : memref<100xi32, #tpu.memory_space<vmem>>) semaphore(%arg8 : memref<!tpu.dma_semaphore, #tpu.memory_space<semaphore_mem>>)
    %dma_start3A_62 = arith.constant 2 : i32
    %dma_start3A_63 = arith.constant 0 : i32
    %dma_start3A_64 = arith.constant 0 : i32
    %dma_start3A_65 = arith.constant 2 : i32
    %dma_start3A_66 = arith.constant 0 : i32
    %dma_start3A_67 = arith.constant 0 : i32
    %dma_start3A_68 = arith.constant 0 : i32
    %dma_start3A_69 = tpu.memref_slice %arg6[%dma_start3A_64, %dma_start3A_65, %dma_start3A_66, %dma_start3A_67, %dma_start3A_68] : memref<2x4x2x100x32xf32, #tpu.memory_space<vmem>> -> memref<1x1x1x100x32xf32, #tpu.memory_space<vmem>>
    %dma_start3A_70 = tpu.memref_squeeze %dma_start3A_69 : memref<1x1x1x100x32xf32, #tpu.memory_space<vmem>> -> memref<100x32xf32, #tpu.memory_space<vmem>>
    %dma_start3A_71 = arith.constant 0 : i32
    %dma_start3A_72 = tpu.memref_slice %arg5[%dma_start3A_62, %dma_start3A_63, %dma_start3A_71] : memref<128x2x100xi32, #tpu.memory_space<vmem>> -> memref<1x1x100xi32, #tpu.memory_space<vmem>>
    %dma_start3A_73 = tpu.memref_squeeze %dma_start3A_72 : memref<1x1x100xi32, #tpu.memory_space<vmem>> -> memref<100xi32, #tpu.memory_space<vmem>>
    %dma_start3A_74 = arith.constant 0 : i32
    %dma_start3A_75 = arith.constant 0 : i32
    %dma_start3A_76 = tpu.memref_slice %arg3[%dma_start3A_74, %dma_start3A_75] : memref<1024000x32xf32, #tpu.memory_space<hbm>> -> memref<1024000x32xf32, #tpu.memory_space<hbm>>
    tpu.enqueue_indirect_dma source(%dma_start3A_76 : memref<1024000x32xf32, #tpu.memory_space<hbm>>) target(%dma_start3A_70 : memref<100x32xf32, #tpu.memory_space<vmem>>) offsets(%dma_start3A_73 : memref<100xi32, #tpu.memory_space<vmem>>) semaphore(%arg8 : memref<!tpu.dma_semaphore, #tpu.memory_space<semaphore_mem>>)
    %dma_start3A_77 = arith.constant 2 : i32
    %dma_start3A_78 = arith.constant 1 : i32
    %dma_start3A_79 = arith.constant 0 : i32
    %dma_start3A_80 = arith.constant 2 : i32
    %dma_start3A_81 = arith.constant 1 : i32
    %dma_start3A_82 = arith.constant 0 : i32
    %dma_start3A_83 = arith.constant 0 : i32
    %dma_start3A_84 = tpu.memref_slice %arg6[%dma_start3A_79, %dma_start3A_80, %dma_start3A_81, %dma_start3A_82, %dma_start3A_83] : memref<2x4x2x100x32xf32, #tpu.memory_space<vmem>> -> memref<1x1x1x100x32xf32, #tpu.memory_space<vmem>>
    %dma_start3A_85 = tpu.memref_squeeze %dma_start3A_84 : memref<1x1x1x100x32xf32, #tpu.memory_space<vmem>> -> memref<100x32xf32, #tpu.memory_space<vmem>>
    %dma_start3A_86 = arith.constant 0 : i32
    %dma_start3A_87 = tpu.memref_slice %arg5[%dma_start3A_77, %dma_start3A_78, %dma_start3A_86] : memref<128x2x100xi32, #tpu.memory_space<vmem>> -> memref<1x1x100xi32, #tpu.memory_space<vmem>>
    %dma_start3A_88 = tpu.memref_squeeze %dma_start3A_87 : memref<1x1x100xi32, #tpu.memory_space<vmem>> -> memref<100xi32, #tpu.memory_space<vmem>>
    %dma_start3A_89 = arith.constant 0 : i32
    %dma_start3A_90 = arith.constant 0 : i32
    %dma_start3A_91 = tpu.memref_slice %arg3[%dma_start3A_89, %dma_start3A_90] : memref<1024000x32xf32, #tpu.memory_space<hbm>> -> memref<1024000x32xf32, #tpu.memory_space<hbm>>
    tpu.enqueue_indirect_dma source(%dma_start3A_91 : memref<1024000x32xf32, #tpu.memory_space<hbm>>) target(%dma_start3A_85 : memref<100x32xf32, #tpu.memory_space<vmem>>) offsets(%dma_start3A_88 : memref<100xi32, #tpu.memory_space<vmem>>) semaphore(%arg8 : memref<!tpu.dma_semaphore, #tpu.memory_space<semaphore_mem>>)
    %dma_start3A_92 = arith.constant 3 : i32
    %dma_start3A_93 = arith.constant 0 : i32
    %dma_start3A_94 = arith.constant 0 : i32
    %dma_start3A_95 = arith.constant 3 : i32
    %dma_start3A_96 = arith.constant 0 : i32
    %dma_start3A_97 = arith.constant 0 : i32
    %dma_start3A_98 = arith.constant 0 : i32
    %dma_start3A_99 = tpu.memref_slice %arg6[%dma_start3A_94, %dma_start3A_95, %dma_start3A_96, %dma_start3A_97, %dma_start3A_98] : memref<2x4x2x100x32xf32, #tpu.memory_space<vmem>> -> memref<1x1x1x100x32xf32, #tpu.memory_space<vmem>>
    %dma_start3A_100 = tpu.memref_squeeze %dma_start3A_99 : memref<1x1x1x100x32xf32, #tpu.memory_space<vmem>> -> memref<100x32xf32, #tpu.memory_space<vmem>>
    %dma_start3A_101 = arith.constant 0 : i32
    %dma_start3A_102 = tpu.memref_slice %arg5[%dma_start3A_92, %dma_start3A_93, %dma_start3A_101] : memref<128x2x100xi32, #tpu.memory_space<vmem>> -> memref<1x1x100xi32, #tpu.memory_space<vmem>>
    %dma_start3A_103 = tpu.memref_squeeze %dma_start3A_102 : memref<1x1x100xi32, #tpu.memory_space<vmem>> -> memref<100xi32, #tpu.memory_space<vmem>>
    %dma_start3A_104 = arith.constant 0 : i32
    %dma_start3A_105 = arith.constant 0 : i32
    %dma_start3A_106 = tpu.memref_slice %arg3[%dma_start3A_104, %dma_start3A_105] : memref<1024000x32xf32, #tpu.memory_space<hbm>> -> memref<1024000x32xf32, #tpu.memory_space<hbm>>
    tpu.enqueue_indirect_dma source(%dma_start3A_106 : memref<1024000x32xf32, #tpu.memory_space<hbm>>) target(%dma_start3A_100 : memref<100x32xf32, #tpu.memory_space<vmem>>) offsets(%dma_start3A_103 : memref<100xi32, #tpu.memory_space<vmem>>) semaphore(%arg8 : memref<!tpu.dma_semaphore, #tpu.memory_space<semaphore_mem>>)
    %dma_start3A_107 = arith.constant 3 : i32
    %dma_start3A_108 = arith.constant 1 : i32
    %dma_start3A_109 = arith.constant 0 : i32
    %dma_start3A_110 = arith.constant 3 : i32
    %dma_start3A_111 = arith.constant 1 : i32
    %dma_start3A_112 = arith.constant 0 : i32
    %dma_start3A_113 = arith.constant 0 : i32
    %dma_start3A_114 = tpu.memref_slice %arg6[%dma_start3A_109, %dma_start3A_110, %dma_start3A_111, %dma_start3A_112, %dma_start3A_113] : memref<2x4x2x100x32xf32, #tpu.memory_space<vmem>> -> memref<1x1x1x100x32xf32, #tpu.memory_space<vmem>>
    %dma_start3A_115 = tpu.memref_squeeze %dma_start3A_114 : memref<1x1x1x100x32xf32, #tpu.memory_space<vmem>> -> memref<100x32xf32, #tpu.memory_space<vmem>>
    %dma_start3A_116 = arith.constant 0 : i32
    %dma_start3A_117 = tpu.memref_slice %arg5[%dma_start3A_107, %dma_start3A_108, %dma_start3A_116] : memref<128x2x100xi32, #tpu.memory_space<vmem>> -> memref<1x1x100xi32, #tpu.memory_space<vmem>>
    %dma_start3A_118 = tpu.memref_squeeze %dma_start3A_117 : memref<1x1x100xi32, #tpu.memory_space<vmem>> -> memref<100xi32, #tpu.memory_space<vmem>>
    %dma_start3A_119 = arith.constant 0 : i32
    %dma_start3A_120 = arith.constant 0 : i32
    %dma_start3A_121 = tpu.memref_slice %arg3[%dma_start3A_119, %dma_start3A_120] : memref<1024000x32xf32, #tpu.memory_space<hbm>> -> memref<1024000x32xf32, #tpu.memory_space<hbm>>
    tpu.enqueue_indirect_dma source(%dma_start3A_121 : memref<1024000x32xf32, #tpu.memory_space<hbm>>) target(%dma_start3A_115 : memref<100x32xf32, #tpu.memory_space<vmem>>) offsets(%dma_start3A_118 : memref<100xi32, #tpu.memory_space<vmem>>) semaphore(%arg8 : memref<!tpu.dma_semaphore, #tpu.memory_space<semaphore_mem>>)
    %dma_start3A_122 = arith.constant 4 : i32
    %dma_start3A_123 = arith.constant 0 : i32
    %dma_start3A_124 = arith.constant 1 : i32
    %dma_start3A_125 = arith.constant 0 : i32
    %dma_start3A_126 = arith.constant 0 : i32
    %dma_start3A_127 = arith.constant 0 : i32
    %dma_start3A_128 = arith.constant 0 : i32
    %dma_start3A_129 = tpu.memref_slice %arg6[%dma_start3A_124, %dma_start3A_125, %dma_start3A_126, %dma_start3A_127, %dma_start3A_128] : memref<2x4x2x100x32xf32, #tpu.memory_space<vmem>> -> memref<1x1x1x100x32xf32, #tpu.memory_space<vmem>>
    %dma_start3A_130 = tpu.memref_squeeze %dma_start3A_129 : memref<1x1x1x100x32xf32, #tpu.memory_space<vmem>> -> memref<100x32xf32, #tpu.memory_space<vmem>>
    %dma_start3A_131 = arith.constant 0 : i32
    %dma_start3A_132 = tpu.memref_slice %arg5[%dma_start3A_122, %dma_start3A_123, %dma_start3A_131] : memref<128x2x100xi32, #tpu.memory_space<vmem>> -> memref<1x1x100xi32, #tpu.memory_space<vmem>>
    %dma_start3A_133 = tpu.memref_squeeze %dma_start3A_132 : memref<1x1x100xi32, #tpu.memory_space<vmem>> -> memref<100xi32, #tpu.memory_space<vmem>>
    %dma_start3A_134 = arith.constant 0 : i32
    %dma_start3A_135 = arith.constant 0 : i32
    %dma_start3A_136 = tpu.memref_slice %arg3[%dma_start3A_134, %dma_start3A_135] : memref<1024000x32xf32, #tpu.memory_space<hbm>> -> memref<1024000x32xf32, #tpu.memory_space<hbm>>
    tpu.enqueue_indirect_dma source(%dma_start3A_136 : memref<1024000x32xf32, #tpu.memory_space<hbm>>) target(%dma_start3A_130 : memref<100x32xf32, #tpu.memory_space<vmem>>) offsets(%dma_start3A_133 : memref<100xi32, #tpu.memory_space<vmem>>) semaphore(%arg9 : memref<!tpu.dma_semaphore, #tpu.memory_space<semaphore_mem>>)
    %dma_start3A_137 = arith.constant 4 : i32
    %dma_start3A_138 = arith.constant 1 : i32
    %dma_start3A_139 = arith.constant 1 : i32
    %dma_start3A_140 = arith.constant 0 : i32
    %dma_start3A_141 = arith.constant 1 : i32
    %dma_start3A_142 = arith.constant 0 : i32
    %dma_start3A_143 = arith.constant 0 : i32
    %dma_start3A_144 = tpu.memref_slice %arg6[%dma_start3A_139, %dma_start3A_140, %dma_start3A_141, %dma_start3A_142, %dma_start3A_143] : memref<2x4x2x100x32xf32, #tpu.memory_space<vmem>> -> memref<1x1x1x100x32xf32, #tpu.memory_space<vmem>>
    %dma_start3A_145 = tpu.memref_squeeze %dma_start3A_144 : memref<1x1x1x100x32xf32, #tpu.memory_space<vmem>> -> memref<100x32xf32, #tpu.memory_space<vmem>>
    %dma_start3A_146 = arith.constant 0 : i32
    %dma_start3A_147 = tpu.memref_slice %arg5[%dma_start3A_137, %dma_start3A_138, %dma_start3A_146] : memref<128x2x100xi32, #tpu.memory_space<vmem>> -> memref<1x1x100xi32, #tpu.memory_space<vmem>>
    %dma_start3A_148 = tpu.memref_squeeze %dma_start3A_147 : memref<1x1x100xi32, #tpu.memory_space<vmem>> -> memref<100xi32, #tpu.memory_space<vmem>>
    %dma_start3A_149 = arith.constant 0 : i32
    %dma_start3A_150 = arith.constant 0 : i32
    %dma_start3A_151 = tpu.memref_slice %arg3[%dma_start3A_149, %dma_start3A_150] : memref<1024000x32xf32, #tpu.memory_space<hbm>> -> memref<1024000x32xf32, #tpu.memory_space<hbm>>
    tpu.enqueue_indirect_dma source(%dma_start3A_151 : memref<1024000x32xf32, #tpu.memory_space<hbm>>) target(%dma_start3A_145 : memref<100x32xf32, #tpu.memory_space<vmem>>) offsets(%dma_start3A_148 : memref<100xi32, #tpu.memory_space<vmem>>) semaphore(%arg9 : memref<!tpu.dma_semaphore, #tpu.memory_space<semaphore_mem>>)
    %dma_start3A_152 = arith.constant 5 : i32
    %dma_start3A_153 = arith.constant 0 : i32
    %dma_start3A_154 = arith.constant 1 : i32
    %dma_start3A_155 = arith.constant 1 : i32
    %dma_start3A_156 = arith.constant 0 : i32
    %dma_start3A_157 = arith.constant 0 : i32
    %dma_start3A_158 = arith.constant 0 : i32
    %dma_start3A_159 = tpu.memref_slice %arg6[%dma_start3A_154, %dma_start3A_155, %dma_start3A_156, %dma_start3A_157, %dma_start3A_158] : memref<2x4x2x100x32xf32, #tpu.memory_space<vmem>> -> memref<1x1x1x100x32xf32, #tpu.memory_space<vmem>>
    %dma_start3A_160 = tpu.memref_squeeze %dma_start3A_159 : memref<1x1x1x100x32xf32, #tpu.memory_space<vmem>> -> memref<100x32xf32, #tpu.memory_space<vmem>>
    %dma_start3A_161 = arith.constant 0 : i32
    %dma_start3A_162 = tpu.memref_slice %arg5[%dma_start3A_152, %dma_start3A_153, %dma_start3A_161] : memref<128x2x100xi32, #tpu.memory_space<vmem>> -> memref<1x1x100xi32, #tpu.memory_space<vmem>>
    %dma_start3A_163 = tpu.memref_squeeze %dma_start3A_162 : memref<1x1x100xi32, #tpu.memory_space<vmem>> -> memref<100xi32, #tpu.memory_space<vmem>>
    %dma_start3A_164 = arith.constant 0 : i32
    %dma_start3A_165 = arith.constant 0 : i32
    %dma_start3A_166 = tpu.memref_slice %arg3[%dma_start3A_164, %dma_start3A_165] : memref<1024000x32xf32, #tpu.memory_space<hbm>> -> memref<1024000x32xf32, #tpu.memory_space<hbm>>
    tpu.enqueue_indirect_dma source(%dma_start3A_166 : memref<1024000x32xf32, #tpu.memory_space<hbm>>) target(%dma_start3A_160 : memref<100x32xf32, #tpu.memory_space<vmem>>) offsets(%dma_start3A_163 : memref<100xi32, #tpu.memory_space<vmem>>) semaphore(%arg9 : memref<!tpu.dma_semaphore, #tpu.memory_space<semaphore_mem>>)
    %dma_start3A_167 = arith.constant 5 : i32
    %dma_start3A_168 = arith.constant 1 : i32
    %dma_start3A_169 = arith.constant 1 : i32
    %dma_start3A_170 = arith.constant 1 : i32
    %dma_start3A_171 = arith.constant 1 : i32
    %dma_start3A_172 = arith.constant 0 : i32
    %dma_start3A_173 = arith.constant 0 : i32
    %dma_start3A_174 = tpu.memref_slice %arg6[%dma_start3A_169, %dma_start3A_170, %dma_start3A_171, %dma_start3A_172, %dma_start3A_173] : memref<2x4x2x100x32xf32, #tpu.memory_space<vmem>> -> memref<1x1x1x100x32xf32, #tpu.memory_space<vmem>>
    %dma_start3A_175 = tpu.memref_squeeze %dma_start3A_174 : memref<1x1x1x100x32xf32, #tpu.memory_space<vmem>> -> memref<100x32xf32, #tpu.memory_space<vmem>>
    %dma_start3A_176 = arith.constant 0 : i32
    %dma_start3A_177 = tpu.memref_slice %arg5[%dma_start3A_167, %dma_start3A_168, %dma_start3A_176] : memref<128x2x100xi32, #tpu.memory_space<vmem>> -> memref<1x1x100xi32, #tpu.memory_space<vmem>>
    %dma_start3A_178 = tpu.memref_squeeze %dma_start3A_177 : memref<1x1x100xi32, #tpu.memory_space<vmem>> -> memref<100xi32, #tpu.memory_space<vmem>>
    %dma_start3A_179 = arith.constant 0 : i32
    %dma_start3A_180 = arith.constant 0 : i32
    %dma_start3A_181 = tpu.memref_slice %arg3[%dma_start3A_179, %dma_start3A_180] : memref<1024000x32xf32, #tpu.memory_space<hbm>> -> memref<1024000x32xf32, #tpu.memory_space<hbm>>
    tpu.enqueue_indirect_dma source(%dma_start3A_181 : memref<1024000x32xf32, #tpu.memory_space<hbm>>) target(%dma_start3A_175 : memref<100x32xf32, #tpu.memory_space<vmem>>) offsets(%dma_start3A_178 : memref<100xi32, #tpu.memory_space<vmem>>) semaphore(%arg9 : memref<!tpu.dma_semaphore, #tpu.memory_space<semaphore_mem>>)
    %dma_start3A_182 = arith.constant 6 : i32
    %dma_start3A_183 = arith.constant 0 : i32
    %dma_start3A_184 = arith.constant 1 : i32
    %dma_start3A_185 = arith.constant 2 : i32
    %dma_start3A_186 = arith.constant 0 : i32
    %dma_start3A_187 = arith.constant 0 : i32
    %dma_start3A_188 = arith.constant 0 : i32
    %dma_start3A_189 = tpu.memref_slice %arg6[%dma_start3A_184, %dma_start3A_185, %dma_start3A_186, %dma_start3A_187, %dma_start3A_188] : memref<2x4x2x100x32xf32, #tpu.memory_space<vmem>> -> memref<1x1x1x100x32xf32, #tpu.memory_space<vmem>>
    %dma_start3A_190 = tpu.memref_squeeze %dma_start3A_189 : memref<1x1x1x100x32xf32, #tpu.memory_space<vmem>> -> memref<100x32xf32, #tpu.memory_space<vmem>>
    %dma_start3A_191 = arith.constant 0 : i32
    %dma_start3A_192 = tpu.memref_slice %arg5[%dma_start3A_182, %dma_start3A_183, %dma_start3A_191] : memref<128x2x100xi32, #tpu.memory_space<vmem>> -> memref<1x1x100xi32, #tpu.memory_space<vmem>>
    %dma_start3A_193 = tpu.memref_squeeze %dma_start3A_192 : memref<1x1x100xi32, #tpu.memory_space<vmem>> -> memref<100xi32, #tpu.memory_space<vmem>>
    %dma_start3A_194 = arith.constant 0 : i32
    %dma_start3A_195 = arith.constant 0 : i32
    %dma_start3A_196 = tpu.memref_slice %arg3[%dma_start3A_194, %dma_start3A_195] : memref<1024000x32xf32, #tpu.memory_space<hbm>> -> memref<1024000x32xf32, #tpu.memory_space<hbm>>
    tpu.enqueue_indirect_dma source(%dma_start3A_196 : memref<1024000x32xf32, #tpu.memory_space<hbm>>) target(%dma_start3A_190 : memref<100x32xf32, #tpu.memory_space<vmem>>) offsets(%dma_start3A_193 : memref<100xi32, #tpu.memory_space<vmem>>) semaphore(%arg9 : memref<!tpu.dma_semaphore, #tpu.memory_space<semaphore_mem>>)
    %dma_start3A_197 = arith.constant 6 : i32
    %dma_start3A_198 = arith.constant 1 : i32
    %dma_start3A_199 = arith.constant 1 : i32
    %dma_start3A_200 = arith.constant 2 : i32
    %dma_start3A_201 = arith.constant 1 : i32
    %dma_start3A_202 = arith.constant 0 : i32
    %dma_start3A_203 = arith.constant 0 : i32
    %dma_start3A_204 = tpu.memref_slice %arg6[%dma_start3A_199, %dma_start3A_200, %dma_start3A_201, %dma_start3A_202, %dma_start3A_203] : memref<2x4x2x100x32xf32, #tpu.memory_space<vmem>> -> memref<1x1x1x100x32xf32, #tpu.memory_space<vmem>>
    %dma_start3A_205 = tpu.memref_squeeze %dma_start3A_204 : memref<1x1x1x100x32xf32, #tpu.memory_space<vmem>> -> memref<100x32xf32, #tpu.memory_space<vmem>>
    %dma_start3A_206 = arith.constant 0 : i32
    %dma_start3A_207 = tpu.memref_slice %arg5[%dma_start3A_197, %dma_start3A_198, %dma_start3A_206] : memref<128x2x100xi32, #tpu.memory_space<vmem>> -> memref<1x1x100xi32, #tpu.memory_space<vmem>>
    %dma_start3A_208 = tpu.memref_squeeze %dma_start3A_207 : memref<1x1x100xi32, #tpu.memory_space<vmem>> -> memref<100xi32, #tpu.memory_space<vmem>>
    %dma_start3A_209 = arith.constant 0 : i32
    %dma_start3A_210 = arith.constant 0 : i32
    %dma_start3A_211 = tpu.memref_slice %arg3[%dma_start3A_209, %dma_start3A_210] : memref<1024000x32xf32, #tpu.memory_space<hbm>> -> memref<1024000x32xf32, #tpu.memory_space<hbm>>
    tpu.enqueue_indirect_dma source(%dma_start3A_211 : memref<1024000x32xf32, #tpu.memory_space<hbm>>) target(%dma_start3A_205 : memref<100x32xf32, #tpu.memory_space<vmem>>) offsets(%dma_start3A_208 : memref<100xi32, #tpu.memory_space<vmem>>) semaphore(%arg9 : memref<!tpu.dma_semaphore, #tpu.memory_space<semaphore_mem>>)
    %dma_start3A_212 = arith.constant 7 : i32
    %dma_start3A_213 = arith.constant 0 : i32
    %dma_start3A_214 = arith.constant 1 : i32
    %dma_start3A_215 = arith.constant 3 : i32
    %dma_start3A_216 = arith.constant 0 : i32
    %dma_start3A_217 = arith.constant 0 : i32
    %dma_start3A_218 = arith.constant 0 : i32
    %dma_start3A_219 = tpu.memref_slice %arg6[%dma_start3A_214, %dma_start3A_215, %dma_start3A_216, %dma_start3A_217, %dma_start3A_218] : memref<2x4x2x100x32xf32, #tpu.memory_space<vmem>> -> memref<1x1x1x100x32xf32, #tpu.memory_space<vmem>>
    %dma_start3A_220 = tpu.memref_squeeze %dma_start3A_219 : memref<1x1x1x100x32xf32, #tpu.memory_space<vmem>> -> memref<100x32xf32, #tpu.memory_space<vmem>>
    %dma_start3A_221 = arith.constant 0 : i32
    %dma_start3A_222 = tpu.memref_slice %arg5[%dma_start3A_212, %dma_start3A_213, %dma_start3A_221] : memref<128x2x100xi32, #tpu.memory_space<vmem>> -> memref<1x1x100xi32, #tpu.memory_space<vmem>>
    %dma_start3A_223 = tpu.memref_squeeze %dma_start3A_222 : memref<1x1x100xi32, #tpu.memory_space<vmem>> -> memref<100xi32, #tpu.memory_space<vmem>>
    %dma_start3A_224 = arith.constant 0 : i32
    %dma_start3A_225 = arith.constant 0 : i32
    %dma_start3A_226 = tpu.memref_slice %arg3[%dma_start3A_224, %dma_start3A_225] : memref<1024000x32xf32, #tpu.memory_space<hbm>> -> memref<1024000x32xf32, #tpu.memory_space<hbm>>
    tpu.enqueue_indirect_dma source(%dma_start3A_226 : memref<1024000x32xf32, #tpu.memory_space<hbm>>) target(%dma_start3A_220 : memref<100x32xf32, #tpu.memory_space<vmem>>) offsets(%dma_start3A_223 : memref<100xi32, #tpu.memory_space<vmem>>) semaphore(%arg9 : memref<!tpu.dma_semaphore, #tpu.memory_space<semaphore_mem>>)
    %dma_start3A_227 = arith.constant 7 : i32
    %dma_start3A_228 = arith.constant 1 : i32
    %dma_start3A_229 = arith.constant 1 : i32
    %dma_start3A_230 = arith.constant 3 : i32
    %dma_start3A_231 = arith.constant 1 : i32
    %dma_start3A_232 = arith.constant 0 : i32
    %dma_start3A_233 = arith.constant 0 : i32
    %dma_start3A_234 = tpu.memref_slice %arg6[%dma_start3A_229, %dma_start3A_230, %dma_start3A_231, %dma_start3A_232, %dma_start3A_233] : memref<2x4x2x100x32xf32, #tpu.memory_space<vmem>> -> memref<1x1x1x100x32xf32, #tpu.memory_space<vmem>>
    %dma_start3A_235 = tpu.memref_squeeze %dma_start3A_234 : memref<1x1x1x100x32xf32, #tpu.memory_space<vmem>> -> memref<100x32xf32, #tpu.memory_space<vmem>>
    %dma_start3A_236 = arith.constant 0 : i32
    %dma_start3A_237 = tpu.memref_slice %arg5[%dma_start3A_227, %dma_start3A_228, %dma_start3A_236] : memref<128x2x100xi32, #tpu.memory_space<vmem>> -> memref<1x1x100xi32, #tpu.memory_space<vmem>>
    %dma_start3A_238 = tpu.memref_squeeze %dma_start3A_237 : memref<1x1x100xi32, #tpu.memory_space<vmem>> -> memref<100xi32, #tpu.memory_space<vmem>>
    %dma_start3A_239 = arith.constant 0 : i32
    %dma_start3A_240 = arith.constant 0 : i32
    %dma_start3A_241 = tpu.memref_slice %arg3[%dma_start3A_239, %dma_start3A_240] : memref<1024000x32xf32, #tpu.memory_space<hbm>> -> memref<1024000x32xf32, #tpu.memory_space<hbm>>
    tpu.enqueue_indirect_dma source(%dma_start3A_241 : memref<1024000x32xf32, #tpu.memory_space<hbm>>) target(%dma_start3A_235 : memref<100x32xf32, #tpu.memory_space<vmem>>) offsets(%dma_start3A_238 : memref<100xi32, #tpu.memory_space<vmem>>) semaphore(%arg9 : memref<!tpu.dma_semaphore, #tpu.memory_space<semaphore_mem>>)
    %scan3A = arith.constant 0 : i32
    %scan3A_242 = arith.constant 0 : i32
    %scan3A_243 = arith.constant 15 : i32
    %scan3A_244 = arith.addi %scan3A_242, %scan3A_243 : i32
    %scan3A_245 = arith.constant 1 : i32
    scf.for %scan3A_628 = %scan3A_242 to %scan3A_244 step %scan3A_245  : i32 {
      %mul3A_629 = arith.constant 2 : i32
      %mul3A_630 = arith.muli %mul3A_629, %scan3A_628 : i32
      %add3A_631 = arith.constant 0 : i32
      %add3A_632 = arith.addi %mul3A_630, %add3A_631 : i32
      %mul3A_633 = arith.constant 4 : i32
      %mul3A_634 = arith.muli %add3A_632, %mul3A_633 : i32
      %add3A_635 = arith.constant 0 : i32
      %add3A_636 = arith.addi %mul3A_634, %add3A_635 : i32
      %dma_wait3A_637 = arith.constant 0 : i32
      %dma_wait3A_638 = arith.constant 0 : i32
      %dma_wait3A_639 = arith.constant 0 : i32
      %dma_wait3A_640 = arith.constant 0 : i32
      %dma_wait3A_641 = arith.constant 0 : i32
      %dma_wait3A_642 = arith.constant 0 : i32
      %dma_wait3A_643 = tpu.memref_slice %arg6[%dma_wait3A_638, %dma_wait3A_639, %dma_wait3A_640, %dma_wait3A_641, %dma_wait3A_642] : memref<2x4x2x100x32xf32, #tpu.memory_space<vmem>> -> memref<1x1x1x100x32xf32, #tpu.memory_space<vmem>>
      %dma_wait3A_644 = tpu.memref_squeeze %dma_wait3A_643 : memref<1x1x1x100x32xf32, #tpu.memory_space<vmem>> -> memref<100x32xf32, #tpu.memory_space<vmem>>
      %dma_wait3A_645 = arith.constant 0 : i32
      %dma_wait3A_646 = tpu.memref_slice %arg5[%add3A_636, %dma_wait3A_637, %dma_wait3A_645] : memref<128x2x100xi32, #tpu.memory_space<vmem>> -> memref<1x1x100xi32, #tpu.memory_space<vmem>>
      %dma_wait3A_647 = tpu.memref_squeeze %dma_wait3A_646 : memref<1x1x100xi32, #tpu.memory_space<vmem>> -> memref<100xi32, #tpu.memory_space<vmem>>
      %dma_wait3A_648 = arith.constant 0 : i32
      %dma_wait3A_649 = arith.constant 0 : i32
      %dma_wait3A_650 = tpu.memref_slice %arg3[%dma_wait3A_648, %dma_wait3A_649] : memref<1024000x32xf32, #tpu.memory_space<hbm>> -> memref<1024000x32xf32, #tpu.memory_space<hbm>>
      tpu.wait_indirect_dma semaphore(%arg8 : memref<!tpu.dma_semaphore, #tpu.memory_space<semaphore_mem>>) src(%dma_wait3A_650 : memref<1024000x32xf32, #tpu.memory_space<hbm>>) dst(%dma_wait3A_644 : memref<100x32xf32, #tpu.memory_space<vmem>>)
      %mul3A_651 = arith.constant 4 : i32
      %mul3A_652 = arith.muli %add3A_632, %mul3A_651 : i32
      %add3A_653 = arith.constant 0 : i32
      %add3A_654 = arith.addi %mul3A_652, %add3A_653 : i32
      %dma_wait3A_655 = arith.constant 1 : i32
      %dma_wait3A_656 = arith.constant 0 : i32
      %dma_wait3A_657 = arith.constant 0 : i32
      %dma_wait3A_658 = arith.constant 1 : i32
      %dma_wait3A_659 = arith.constant 0 : i32
      %dma_wait3A_660 = arith.constant 0 : i32
      %dma_wait3A_661 = tpu.memref_slice %arg6[%dma_wait3A_656, %dma_wait3A_657, %dma_wait3A_658, %dma_wait3A_659, %dma_wait3A_660] : memref<2x4x2x100x32xf32, #tpu.memory_space<vmem>> -> memref<1x1x1x100x32xf32, #tpu.memory_space<vmem>>
      %dma_wait3A_662 = tpu.memref_squeeze %dma_wait3A_661 : memref<1x1x1x100x32xf32, #tpu.memory_space<vmem>> -> memref<100x32xf32, #tpu.memory_space<vmem>>
      %dma_wait3A_663 = arith.constant 0 : i32
      %dma_wait3A_664 = tpu.memref_slice %arg5[%add3A_654, %dma_wait3A_655, %dma_wait3A_663] : memref<128x2x100xi32, #tpu.memory_space<vmem>> -> memref<1x1x100xi32, #tpu.memory_space<vmem>>
      %dma_wait3A_665 = tpu.memref_squeeze %dma_wait3A_664 : memref<1x1x100xi32, #tpu.memory_space<vmem>> -> memref<100xi32, #tpu.memory_space<vmem>>
      %dma_wait3A_666 = arith.constant 0 : i32
      %dma_wait3A_667 = arith.constant 0 : i32
      %dma_wait3A_668 = tpu.memref_slice %arg3[%dma_wait3A_666, %dma_wait3A_667] : memref<1024000x32xf32, #tpu.memory_space<hbm>> -> memref<1024000x32xf32, #tpu.memory_space<hbm>>
      tpu.wait_indirect_dma semaphore(%arg8 : memref<!tpu.dma_semaphore, #tpu.memory_space<semaphore_mem>>) src(%dma_wait3A_668 : memref<1024000x32xf32, #tpu.memory_space<hbm>>) dst(%dma_wait3A_662 : memref<100x32xf32, #tpu.memory_space<vmem>>)
      %mul3A_669 = arith.constant 4 : i32
      %mul3A_670 = arith.muli %add3A_632, %mul3A_669 : i32
      %add3A_671 = arith.constant 1 : i32
      %add3A_672 = arith.addi %mul3A_670, %add3A_671 : i32
      %dma_wait3A_673 = arith.constant 0 : i32
      %dma_wait3A_674 = arith.constant 0 : i32
      %dma_wait3A_675 = arith.constant 1 : i32
      %dma_wait3A_676 = arith.constant 0 : i32
      %dma_wait3A_677 = arith.constant 0 : i32
      %dma_wait3A_678 = arith.constant 0 : i32
      %dma_wait3A_679 = tpu.memref_slice %arg6[%dma_wait3A_674, %dma_wait3A_675, %dma_wait3A_676, %dma_wait3A_677, %dma_wait3A_678] : memref<2x4x2x100x32xf32, #tpu.memory_space<vmem>> -> memref<1x1x1x100x32xf32, #tpu.memory_space<vmem>>
      %dma_wait3A_680 = tpu.memref_squeeze %dma_wait3A_679 : memref<1x1x1x100x32xf32, #tpu.memory_space<vmem>> -> memref<100x32xf32, #tpu.memory_space<vmem>>
      %dma_wait3A_681 = arith.constant 0 : i32
      %dma_wait3A_682 = tpu.memref_slice %arg5[%add3A_672, %dma_wait3A_673, %dma_wait3A_681] : memref<128x2x100xi32, #tpu.memory_space<vmem>> -> memref<1x1x100xi32, #tpu.memory_space<vmem>>
      %dma_wait3A_683 = tpu.memref_squeeze %dma_wait3A_682 : memref<1x1x100xi32, #tpu.memory_space<vmem>> -> memref<100xi32, #tpu.memory_space<vmem>>
      %dma_wait3A_684 = arith.constant 0 : i32
      %dma_wait3A_685 = arith.constant 0 : i32
      %dma_wait3A_686 = tpu.memref_slice %arg3[%dma_wait3A_684, %dma_wait3A_685] : memref<1024000x32xf32, #tpu.memory_space<hbm>> -> memref<1024000x32xf32, #tpu.memory_space<hbm>>
      tpu.wait_indirect_dma semaphore(%arg8 : memref<!tpu.dma_semaphore, #tpu.memory_space<semaphore_mem>>) src(%dma_wait3A_686 : memref<1024000x32xf32, #tpu.memory_space<hbm>>) dst(%dma_wait3A_680 : memref<100x32xf32, #tpu.memory_space<vmem>>)
      %mul3A_687 = arith.constant 4 : i32
      %mul3A_688 = arith.muli %add3A_632, %mul3A_687 : i32
      %add3A_689 = arith.constant 1 : i32
      %add3A_690 = arith.addi %mul3A_688, %add3A_689 : i32
      %dma_wait3A_691 = arith.constant 1 : i32
      %dma_wait3A_692 = arith.constant 0 : i32
      %dma_wait3A_693 = arith.constant 1 : i32
      %dma_wait3A_694 = arith.constant 1 : i32
      %dma_wait3A_695 = arith.constant 0 : i32
      %dma_wait3A_696 = arith.constant 0 : i32
      %dma_wait3A_697 = tpu.memref_slice %arg6[%dma_wait3A_692, %dma_wait3A_693, %dma_wait3A_694, %dma_wait3A_695, %dma_wait3A_696] : memref<2x4x2x100x32xf32, #tpu.memory_space<vmem>> -> memref<1x1x1x100x32xf32, #tpu.memory_space<vmem>>
      %dma_wait3A_698 = tpu.memref_squeeze %dma_wait3A_697 : memref<1x1x1x100x32xf32, #tpu.memory_space<vmem>> -> memref<100x32xf32, #tpu.memory_space<vmem>>
      %dma_wait3A_699 = arith.constant 0 : i32
      %dma_wait3A_700 = tpu.memref_slice %arg5[%add3A_690, %dma_wait3A_691, %dma_wait3A_699] : memref<128x2x100xi32, #tpu.memory_space<vmem>> -> memref<1x1x100xi32, #tpu.memory_space<vmem>>
      %dma_wait3A_701 = tpu.memref_squeeze %dma_wait3A_700 : memref<1x1x100xi32, #tpu.memory_space<vmem>> -> memref<100xi32, #tpu.memory_space<vmem>>
      %dma_wait3A_702 = arith.constant 0 : i32
      %dma_wait3A_703 = arith.constant 0 : i32
      %dma_wait3A_704 = tpu.memref_slice %arg3[%dma_wait3A_702, %dma_wait3A_703] : memref<1024000x32xf32, #tpu.memory_space<hbm>> -> memref<1024000x32xf32, #tpu.memory_space<hbm>>
      tpu.wait_indirect_dma semaphore(%arg8 : memref<!tpu.dma_semaphore, #tpu.memory_space<semaphore_mem>>) src(%dma_wait3A_704 : memref<1024000x32xf32, #tpu.memory_space<hbm>>) dst(%dma_wait3A_698 : memref<100x32xf32, #tpu.memory_space<vmem>>)
      %mul3A_705 = arith.constant 4 : i32
      %mul3A_706 = arith.muli %add3A_632, %mul3A_705 : i32
      %add3A_707 = arith.constant 2 : i32
      %add3A_708 = arith.addi %mul3A_706, %add3A_707 : i32
      %dma_wait3A_709 = arith.constant 0 : i32
      %dma_wait3A_710 = arith.constant 0 : i32
      %dma_wait3A_711 = arith.constant 2 : i32
      %dma_wait3A_712 = arith.constant 0 : i32
      %dma_wait3A_713 = arith.constant 0 : i32
      %dma_wait3A_714 = arith.constant 0 : i32
      %dma_wait3A_715 = tpu.memref_slice %arg6[%dma_wait3A_710, %dma_wait3A_711, %dma_wait3A_712, %dma_wait3A_713, %dma_wait3A_714] : memref<2x4x2x100x32xf32, #tpu.memory_space<vmem>> -> memref<1x1x1x100x32xf32, #tpu.memory_space<vmem>>
      %dma_wait3A_716 = tpu.memref_squeeze %dma_wait3A_715 : memref<1x1x1x100x32xf32, #tpu.memory_space<vmem>> -> memref<100x32xf32, #tpu.memory_space<vmem>>
      %dma_wait3A_717 = arith.constant 0 : i32
      %dma_wait3A_718 = tpu.memref_slice %arg5[%add3A_708, %dma_wait3A_709, %dma_wait3A_717] : memref<128x2x100xi32, #tpu.memory_space<vmem>> -> memref<1x1x100xi32, #tpu.memory_space<vmem>>
      %dma_wait3A_719 = tpu.memref_squeeze %dma_wait3A_718 : memref<1x1x100xi32, #tpu.memory_space<vmem>> -> memref<100xi32, #tpu.memory_space<vmem>>
      %dma_wait3A_720 = arith.constant 0 : i32
      %dma_wait3A_721 = arith.constant 0 : i32
      %dma_wait3A_722 = tpu.memref_slice %arg3[%dma_wait3A_720, %dma_wait3A_721] : memref<1024000x32xf32, #tpu.memory_space<hbm>> -> memref<1024000x32xf32, #tpu.memory_space<hbm>>
      tpu.wait_indirect_dma semaphore(%arg8 : memref<!tpu.dma_semaphore, #tpu.memory_space<semaphore_mem>>) src(%dma_wait3A_722 : memref<1024000x32xf32, #tpu.memory_space<hbm>>) dst(%dma_wait3A_716 : memref<100x32xf32, #tpu.memory_space<vmem>>)
      %mul3A_723 = arith.constant 4 : i32
      %mul3A_724 = arith.muli %add3A_632, %mul3A_723 : i32
      %add3A_725 = arith.constant 2 : i32
      %add3A_726 = arith.addi %mul3A_724, %add3A_725 : i32
      %dma_wait3A_727 = arith.constant 1 : i32
      %dma_wait3A_728 = arith.constant 0 : i32
      %dma_wait3A_729 = arith.constant 2 : i32
      %dma_wait3A_730 = arith.constant 1 : i32
      %dma_wait3A_731 = arith.constant 0 : i32
      %dma_wait3A_732 = arith.constant 0 : i32
      %dma_wait3A_733 = tpu.memref_slice %arg6[%dma_wait3A_728, %dma_wait3A_729, %dma_wait3A_730, %dma_wait3A_731, %dma_wait3A_732] : memref<2x4x2x100x32xf32, #tpu.memory_space<vmem>> -> memref<1x1x1x100x32xf32, #tpu.memory_space<vmem>>
      %dma_wait3A_734 = tpu.memref_squeeze %dma_wait3A_733 : memref<1x1x1x100x32xf32, #tpu.memory_space<vmem>> -> memref<100x32xf32, #tpu.memory_space<vmem>>
      %dma_wait3A_735 = arith.constant 0 : i32
      %dma_wait3A_736 = tpu.memref_slice %arg5[%add3A_726, %dma_wait3A_727, %dma_wait3A_735] : memref<128x2x100xi32, #tpu.memory_space<vmem>> -> memref<1x1x100xi32, #tpu.memory_space<vmem>>
      %dma_wait3A_737 = tpu.memref_squeeze %dma_wait3A_736 : memref<1x1x100xi32, #tpu.memory_space<vmem>> -> memref<100xi32, #tpu.memory_space<vmem>>
      %dma_wait3A_738 = arith.constant 0 : i32
      %dma_wait3A_739 = arith.constant 0 : i32
      %dma_wait3A_740 = tpu.memref_slice %arg3[%dma_wait3A_738, %dma_wait3A_739] : memref<1024000x32xf32, #tpu.memory_space<hbm>> -> memref<1024000x32xf32, #tpu.memory_space<hbm>>
      tpu.wait_indirect_dma semaphore(%arg8 : memref<!tpu.dma_semaphore, #tpu.memory_space<semaphore_mem>>) src(%dma_wait3A_740 : memref<1024000x32xf32, #tpu.memory_space<hbm>>) dst(%dma_wait3A_734 : memref<100x32xf32, #tpu.memory_space<vmem>>)
      %mul3A_741 = arith.constant 4 : i32
      %mul3A_742 = arith.muli %add3A_632, %mul3A_741 : i32
      %add3A_743 = arith.constant 3 : i32
      %add3A_744 = arith.addi %mul3A_742, %add3A_743 : i32
      %dma_wait3A_745 = arith.constant 0 : i32
      %dma_wait3A_746 = arith.constant 0 : i32
      %dma_wait3A_747 = arith.constant 3 : i32
      %dma_wait3A_748 = arith.constant 0 : i32
      %dma_wait3A_749 = arith.constant 0 : i32
      %dma_wait3A_750 = arith.constant 0 : i32
      %dma_wait3A_751 = tpu.memref_slice %arg6[%dma_wait3A_746, %dma_wait3A_747, %dma_wait3A_748, %dma_wait3A_749, %dma_wait3A_750] : memref<2x4x2x100x32xf32, #tpu.memory_space<vmem>> -> memref<1x1x1x100x32xf32, #tpu.memory_space<vmem>>
      %dma_wait3A_752 = tpu.memref_squeeze %dma_wait3A_751 : memref<1x1x1x100x32xf32, #tpu.memory_space<vmem>> -> memref<100x32xf32, #tpu.memory_space<vmem>>
      %dma_wait3A_753 = arith.constant 0 : i32
      %dma_wait3A_754 = tpu.memref_slice %arg5[%add3A_744, %dma_wait3A_745, %dma_wait3A_753] : memref<128x2x100xi32, #tpu.memory_space<vmem>> -> memref<1x1x100xi32, #tpu.memory_space<vmem>>
      %dma_wait3A_755 = tpu.memref_squeeze %dma_wait3A_754 : memref<1x1x100xi32, #tpu.memory_space<vmem>> -> memref<100xi32, #tpu.memory_space<vmem>>
      %dma_wait3A_756 = arith.constant 0 : i32
      %dma_wait3A_757 = arith.constant 0 : i32
      %dma_wait3A_758 = tpu.memref_slice %arg3[%dma_wait3A_756, %dma_wait3A_757] : memref<1024000x32xf32, #tpu.memory_space<hbm>> -> memref<1024000x32xf32, #tpu.memory_space<hbm>>
      tpu.wait_indirect_dma semaphore(%arg8 : memref<!tpu.dma_semaphore, #tpu.memory_space<semaphore_mem>>) src(%dma_wait3A_758 : memref<1024000x32xf32, #tpu.memory_space<hbm>>) dst(%dma_wait3A_752 : memref<100x32xf32, #tpu.memory_space<vmem>>)
      %mul3A_759 = arith.constant 4 : i32
      %mul3A_760 = arith.muli %add3A_632, %mul3A_759 : i32
      %add3A_761 = arith.constant 3 : i32
      %add3A_762 = arith.addi %mul3A_760, %add3A_761 : i32
      %dma_wait3A_763 = arith.constant 1 : i32
      %dma_wait3A_764 = arith.constant 0 : i32
      %dma_wait3A_765 = arith.constant 3 : i32
      %dma_wait3A_766 = arith.constant 1 : i32
      %dma_wait3A_767 = arith.constant 0 : i32
      %dma_wait3A_768 = arith.constant 0 : i32
      %dma_wait3A_769 = tpu.memref_slice %arg6[%dma_wait3A_764, %dma_wait3A_765, %dma_wait3A_766, %dma_wait3A_767, %dma_wait3A_768] : memref<2x4x2x100x32xf32, #tpu.memory_space<vmem>> -> memref<1x1x1x100x32xf32, #tpu.memory_space<vmem>>
      %dma_wait3A_770 = tpu.memref_squeeze %dma_wait3A_769 : memref<1x1x1x100x32xf32, #tpu.memory_space<vmem>> -> memref<100x32xf32, #tpu.memory_space<vmem>>
      %dma_wait3A_771 = arith.constant 0 : i32
      %dma_wait3A_772 = tpu.memref_slice %arg5[%add3A_762, %dma_wait3A_763, %dma_wait3A_771] : memref<128x2x100xi32, #tpu.memory_space<vmem>> -> memref<1x1x100xi32, #tpu.memory_space<vmem>>
      %dma_wait3A_773 = tpu.memref_squeeze %dma_wait3A_772 : memref<1x1x100xi32, #tpu.memory_space<vmem>> -> memref<100xi32, #tpu.memory_space<vmem>>
      %dma_wait3A_774 = arith.constant 0 : i32
      %dma_wait3A_775 = arith.constant 0 : i32
      %dma_wait3A_776 = tpu.memref_slice %arg3[%dma_wait3A_774, %dma_wait3A_775] : memref<1024000x32xf32, #tpu.memory_space<hbm>> -> memref<1024000x32xf32, #tpu.memory_space<hbm>>
      tpu.wait_indirect_dma semaphore(%arg8 : memref<!tpu.dma_semaphore, #tpu.memory_space<semaphore_mem>>) src(%dma_wait3A_776 : memref<1024000x32xf32, #tpu.memory_space<hbm>>) dst(%dma_wait3A_770 : memref<100x32xf32, #tpu.memory_space<vmem>>)
      %broadcast_in_dim3A_777 = arith.constant 0xFF80 : bf16
      %broadcast_in_dim3A_778 = vector.broadcast %broadcast_in_dim3A_777 : bf16 to vector<32xbf16>
      %broadcast_in_dim3A_779 = arith.constant 0xFF80 : bf16
      %broadcast_in_dim3A_780 = vector.broadcast %broadcast_in_dim3A_779 : bf16 to vector<32xbf16>
      %scan3A_781 = arith.constant 0 : i32
      %scan3A_782 = arith.constant 100 : i32
      %scan3A_783 = arith.addi %scan3A_781, %scan3A_782 : i32
      %scan3A_784 = arith.constant 1 : i32
      %scan3A_785:2 = scf.for %scan3A_1409 = %scan3A_781 to %scan3A_783 step %scan3A_784 iter_args(%scan3A_1410 = %broadcast_in_dim3A_778, %scan3A_1411 = %broadcast_in_dim3A_780) -> (vector<32xbf16>, vector<32xbf16>)  : i32 {
        %get3A = arith.constant 0 : i32
        %get3A_1412 = arith.constant 0 : i32
        %get3A_1413 = arith.constant 0 : i32
        %get3A_1414 = arith.index_cast %get3A : i32 to index
        %get3A_1415 = arith.index_cast %get3A_1412 : i32 to index
        %get3A_1416 = arith.index_cast %get3A_1413 : i32 to index
        %get3A_1417 = arith.index_cast %scan3A_1409 : i32 to index
        %get3A_1418 = arith.constant 0 : index
        %get3A_1419 = tpu.vector_load %arg6[%get3A_1414, %get3A_1415, %get3A_1416, %get3A_1417, %get3A_1418] {strides = array<i32>} : memref<2x4x2x100x32xf32, #tpu.memory_space<vmem>>, vector<16xf32>,
        %bitcast3A = vector.bitcast %get3A_1419 : vector<16xf32> to vector<32xbf16>
        %max3A = arith.maximumf %scan3A_1410, %bitcast3A : vector<32xbf16>
        %get3A_1420 = arith.constant 0 : i32
        %get3A_1421 = arith.constant 0 : i32
        %get3A_1422 = arith.constant 0 : i32
        %get3A_1423 = arith.index_cast %get3A_1420 : i32 to index
        %get3A_1424 = arith.index_cast %get3A_1421 : i32 to index
        %get3A_1425 = arith.index_cast %get3A_1422 : i32 to index
        %get3A_1426 = arith.index_cast %scan3A_1409 : i32 to index
        %get3A_1427 = arith.constant 16 : index
        %get3A_1428 = tpu.vector_load %arg6[%get3A_1423, %get3A_1424, %get3A_1425, %get3A_1426, %get3A_1427] {strides = array<i32>} : memref<2x4x2x100x32xf32, #tpu.memory_space<vmem>>, vector<16xf32>,
        %bitcast3A_1429 = vector.bitcast %get3A_1428 : vector<16xf32> to vector<32xbf16>
        %max3A_1430 = arith.maximumf %scan3A_1411, %bitcast3A_1429 : vector<32xbf16>
        %get3A_1431 = arith.constant 0 : i32
        %get3A_1432 = arith.constant 0 : i32
        %get3A_1433 = arith.constant 1 : i32
        %get3A_1434 = arith.index_cast %get3A_1431 : i32 to index
        %get3A_1435 = arith.index_cast %get3A_1432 : i32 to index
        %get3A_1436 = arith.index_cast %get3A_1433 : i32 to index
        %get3A_1437 = arith.index_cast %scan3A_1409 : i32 to index
        %get3A_1438 = arith.constant 0 : index
        %get3A_1439 = tpu.vector_load %arg6[%get3A_1434, %get3A_1435, %get3A_1436, %get3A_1437, %get3A_1438] {strides = array<i32>} : memref<2x4x2x100x32xf32, #tpu.memory_space<vmem>>, vector<16xf32>,
        %bitcast3A_1440 = vector.bitcast %get3A_1439 : vector<16xf32> to vector<32xbf16>
        %max3A_1441 = arith.maximumf %max3A, %bitcast3A_1440 : vector<32xbf16>
        %get3A_1442 = arith.constant 0 : i32
        %get3A_1443 = arith.constant 0 : i32
        %get3A_1444 = arith.constant 1 : i32
        %get3A_1445 = arith.index_cast %get3A_1442 : i32 to index
        %get3A_1446 = arith.index_cast %get3A_1443 : i32 to index
        %get3A_1447 = arith.index_cast %get3A_1444 : i32 to index
        %get3A_1448 = arith.index_cast %scan3A_1409 : i32 to index
        %get3A_1449 = arith.constant 16 : index
        %get3A_1450 = tpu.vector_load %arg6[%get3A_1445, %get3A_1446, %get3A_1447, %get3A_1448, %get3A_1449] {strides = array<i32>} : memref<2x4x2x100x32xf32, #tpu.memory_space<vmem>>, vector<16xf32>,
        %bitcast3A_1451 = vector.bitcast %get3A_1450 : vector<16xf32> to vector<32xbf16>
        %max3A_1452 = arith.maximumf %max3A_1430, %bitcast3A_1451 : vector<32xbf16>
        scf.yield %max3A_1441, %max3A_1452 : vector<32xbf16>, vector<32xbf16>
      }
      %scan3A_786 = arith.constant 100 : i32
      %mul3A_787 = arith.constant 4 : i32
      %mul3A_788 = arith.muli %add3A_632, %mul3A_787 : i32
      %add3A_789 = arith.constant 0 : i32
      %add3A_790 = arith.addi %mul3A_788, %add3A_789 : i32
      %swap3A_791 = arith.index_cast %add3A_790 : i32 to index
      %swap3A_792 = arith.constant 0 : index
      %swap3A_793 = tpu.vector_load %arg7[%swap3A_791, %swap3A_792] {strides = array<i32>} : memref<128x64xbf16, #tpu.memory_space<vmem>>, vector<32xbf16>,
      tpu.vector_store %arg7[%swap3A_791, %swap3A_792], %scan3A_785#0 {strides = array<i32>} : memref<128x64xbf16, #tpu.memory_space<vmem>>, vector<32xbf16>,
      %mul3A_794 = arith.constant 4 : i32
      %mul3A_795 = arith.muli %add3A_632, %mul3A_794 : i32
      %add3A_796 = arith.constant 0 : i32
      %add3A_797 = arith.addi %mul3A_795, %add3A_796 : i32
      %swap3A_798 = arith.index_cast %add3A_797 : i32 to index
      %swap3A_799 = arith.constant 32 : index
      %swap3A_800 = tpu.vector_load %arg7[%swap3A_798, %swap3A_799] {strides = array<i32>} : memref<128x64xbf16, #tpu.memory_space<vmem>>, vector<32xbf16>,
      tpu.vector_store %arg7[%swap3A_798, %swap3A_799], %scan3A_785#1 {strides = array<i32>} : memref<128x64xbf16, #tpu.memory_space<vmem>>, vector<32xbf16>,
      %broadcast_in_dim3A_801 = arith.constant 0xFF80 : bf16
      %broadcast_in_dim3A_802 = vector.broadcast %broadcast_in_dim3A_801 : bf16 to vector<32xbf16>
      %broadcast_in_dim3A_803 = arith.constant 0xFF80 : bf16
      %broadcast_in_dim3A_804 = vector.broadcast %broadcast_in_dim3A_803 : bf16 to vector<32xbf16>
      %scan3A_805 = arith.constant 0 : i32
      %scan3A_806 = arith.constant 100 : i32
      %scan3A_807 = arith.addi %scan3A_805, %scan3A_806 : i32
      %scan3A_808 = arith.constant 1 : i32
      %scan3A_809:2 = scf.for %scan3A_1409 = %scan3A_805 to %scan3A_807 step %scan3A_808 iter_args(%scan3A_1410 = %broadcast_in_dim3A_802, %scan3A_1411 = %broadcast_in_dim3A_804) -> (vector<32xbf16>, vector<32xbf16>)  : i32 {
        %get3A = arith.constant 0 : i32
        %get3A_1412 = arith.constant 1 : i32
        %get3A_1413 = arith.constant 0 : i32
        %get3A_1414 = arith.index_cast %get3A : i32 to index
        %get3A_1415 = arith.index_cast %get3A_1412 : i32 to index
        %get3A_1416 = arith.index_cast %get3A_1413 : i32 to index
        %get3A_1417 = arith.index_cast %scan3A_1409 : i32 to index
        %get3A_1418 = arith.constant 0 : index
        %get3A_1419 = tpu.vector_load %arg6[%get3A_1414, %get3A_1415, %get3A_1416, %get3A_1417, %get3A_1418] {strides = array<i32>} : memref<2x4x2x100x32xf32, #tpu.memory_space<vmem>>, vector<16xf32>,
        %bitcast3A = vector.bitcast %get3A_1419 : vector<16xf32> to vector<32xbf16>
        %max3A = arith.maximumf %scan3A_1410, %bitcast3A : vector<32xbf16>
        %get3A_1420 = arith.constant 0 : i32
        %get3A_1421 = arith.constant 1 : i32
        %get3A_1422 = arith.constant 0 : i32
        %get3A_1423 = arith.index_cast %get3A_1420 : i32 to index
        %get3A_1424 = arith.index_cast %get3A_1421 : i32 to index
        %get3A_1425 = arith.index_cast %get3A_1422 : i32 to index
        %get3A_1426 = arith.index_cast %scan3A_1409 : i32 to index
        %get3A_1427 = arith.constant 16 : index
        %get3A_1428 = tpu.vector_load %arg6[%get3A_1423, %get3A_1424, %get3A_1425, %get3A_1426, %get3A_1427] {strides = array<i32>} : memref<2x4x2x100x32xf32, #tpu.memory_space<vmem>>, vector<16xf32>,
        %bitcast3A_1429 = vector.bitcast %get3A_1428 : vector<16xf32> to vector<32xbf16>
        %max3A_1430 = arith.maximumf %scan3A_1411, %bitcast3A_1429 : vector<32xbf16>
        %get3A_1431 = arith.constant 0 : i32
        %get3A_1432 = arith.constant 1 : i32
        %get3A_1433 = arith.constant 1 : i32
        %get3A_1434 = arith.index_cast %get3A_1431 : i32 to index
        %get3A_1435 = arith.index_cast %get3A_1432 : i32 to index
        %get3A_1436 = arith.index_cast %get3A_1433 : i32 to index
        %get3A_1437 = arith.index_cast %scan3A_1409 : i32 to index
        %get3A_1438 = arith.constant 0 : index
        %get3A_1439 = tpu.vector_load %arg6[%get3A_1434, %get3A_1435, %get3A_1436, %get3A_1437, %get3A_1438] {strides = array<i32>} : memref<2x4x2x100x32xf32, #tpu.memory_space<vmem>>, vector<16xf32>,
        %bitcast3A_1440 = vector.bitcast %get3A_1439 : vector<16xf32> to vector<32xbf16>
        %max3A_1441 = arith.maximumf %max3A, %bitcast3A_1440 : vector<32xbf16>
        %get3A_1442 = arith.constant 0 : i32
        %get3A_1443 = arith.constant 1 : i32
        %get3A_1444 = arith.constant 1 : i32
        %get3A_1445 = arith.index_cast %get3A_1442 : i32 to index
        %get3A_1446 = arith.index_cast %get3A_1443 : i32 to index
        %get3A_1447 = arith.index_cast %get3A_1444 : i32 to index
        %get3A_1448 = arith.index_cast %scan3A_1409 : i32 to index
        %get3A_1449 = arith.constant 16 : index
        %get3A_1450 = tpu.vector_load %arg6[%get3A_1445, %get3A_1446, %get3A_1447, %get3A_1448, %get3A_1449] {strides = array<i32>} : memref<2x4x2x100x32xf32, #tpu.memory_space<vmem>>, vector<16xf32>,
        %bitcast3A_1451 = vector.bitcast %get3A_1450 : vector<16xf32> to vector<32xbf16>
        %max3A_1452 = arith.maximumf %max3A_1430, %bitcast3A_1451 : vector<32xbf16>
        scf.yield %max3A_1441, %max3A_1452 : vector<32xbf16>, vector<32xbf16>
      }
      %scan3A_810 = arith.constant 100 : i32
      %mul3A_811 = arith.constant 4 : i32
      %mul3A_812 = arith.muli %add3A_632, %mul3A_811 : i32
      %add3A_813 = arith.constant 1 : i32
      %add3A_814 = arith.addi %mul3A_812, %add3A_813 : i32
      %swap3A_815 = arith.index_cast %add3A_814 : i32 to index
      %swap3A_816 = arith.constant 0 : index
      %swap3A_817 = tpu.vector_load %arg7[%swap3A_815, %swap3A_816] {strides = array<i32>} : memref<128x64xbf16, #tpu.memory_space<vmem>>, vector<32xbf16>,
      tpu.vector_store %arg7[%swap3A_815, %swap3A_816], %scan3A_809#0 {strides = array<i32>} : memref<128x64xbf16, #tpu.memory_space<vmem>>, vector<32xbf16>,
      %mul3A_818 = arith.constant 4 : i32
      %mul3A_819 = arith.muli %add3A_632, %mul3A_818 : i32
      %add3A_820 = arith.constant 1 : i32
      %add3A_821 = arith.addi %mul3A_819, %add3A_820 : i32
      %swap3A_822 = arith.index_cast %add3A_821 : i32 to index
      %swap3A_823 = arith.constant 32 : index
      %swap3A_824 = tpu.vector_load %arg7[%swap3A_822, %swap3A_823] {strides = array<i32>} : memref<128x64xbf16, #tpu.memory_space<vmem>>, vector<32xbf16>,
      tpu.vector_store %arg7[%swap3A_822, %swap3A_823], %scan3A_809#1 {strides = array<i32>} : memref<128x64xbf16, #tpu.memory_space<vmem>>, vector<32xbf16>,
      %broadcast_in_dim3A_825 = arith.constant 0xFF80 : bf16
      %broadcast_in_dim3A_826 = vector.broadcast %broadcast_in_dim3A_825 : bf16 to vector<32xbf16>
      %broadcast_in_dim3A_827 = arith.constant 0xFF80 : bf16
      %broadcast_in_dim3A_828 = vector.broadcast %broadcast_in_dim3A_827 : bf16 to vector<32xbf16>
      %scan3A_829 = arith.constant 0 : i32
      %scan3A_830 = arith.constant 100 : i32
      %scan3A_831 = arith.addi %scan3A_829, %scan3A_830 : i32
      %scan3A_832 = arith.constant 1 : i32
      %scan3A_833:2 = scf.for %scan3A_1409 = %scan3A_829 to %scan3A_831 step %scan3A_832 iter_args(%scan3A_1410 = %broadcast_in_dim3A_826, %scan3A_1411 = %broadcast_in_dim3A_828) -> (vector<32xbf16>, vector<32xbf16>)  : i32 {
        %get3A = arith.constant 0 : i32
        %get3A_1412 = arith.constant 2 : i32
        %get3A_1413 = arith.constant 0 : i32
        %get3A_1414 = arith.index_cast %get3A : i32 to index
        %get3A_1415 = arith.index_cast %get3A_1412 : i32 to index
        %get3A_1416 = arith.index_cast %get3A_1413 : i32 to index
        %get3A_1417 = arith.index_cast %scan3A_1409 : i32 to index
        %get3A_1418 = arith.constant 0 : index
        %get3A_1419 = tpu.vector_load %arg6[%get3A_1414, %get3A_1415, %get3A_1416, %get3A_1417, %get3A_1418] {strides = array<i32>} : memref<2x4x2x100x32xf32, #tpu.memory_space<vmem>>, vector<16xf32>,
        %bitcast3A = vector.bitcast %get3A_1419 : vector<16xf32> to vector<32xbf16>
        %max3A = arith.maximumf %scan3A_1410, %bitcast3A : vector<32xbf16>
        %get3A_1420 = arith.constant 0 : i32
        %get3A_1421 = arith.constant 2 : i32
        %get3A_1422 = arith.constant 0 : i32
        %get3A_1423 = arith.index_cast %get3A_1420 : i32 to index
        %get3A_1424 = arith.index_cast %get3A_1421 : i32 to index
        %get3A_1425 = arith.index_cast %get3A_1422 : i32 to index
        %get3A_1426 = arith.index_cast %scan3A_1409 : i32 to index
        %get3A_1427 = arith.constant 16 : index
        %get3A_1428 = tpu.vector_load %arg6[%get3A_1423, %get3A_1424, %get3A_1425, %get3A_1426, %get3A_1427] {strides = array<i32>} : memref<2x4x2x100x32xf32, #tpu.memory_space<vmem>>, vector<16xf32>,
        %bitcast3A_1429 = vector.bitcast %get3A_1428 : vector<16xf32> to vector<32xbf16>
        %max3A_1430 = arith.maximumf %scan3A_1411, %bitcast3A_1429 : vector<32xbf16>
        %get3A_1431 = arith.constant 0 : i32
        %get3A_1432 = arith.constant 2 : i32
        %get3A_1433 = arith.constant 1 : i32
        %get3A_1434 = arith.index_cast %get3A_1431 : i32 to index
        %get3A_1435 = arith.index_cast %get3A_1432 : i32 to index
        %get3A_1436 = arith.index_cast %get3A_1433 : i32 to index
        %get3A_1437 = arith.index_cast %scan3A_1409 : i32 to index
        %get3A_1438 = arith.constant 0 : index
        %get3A_1439 = tpu.vector_load %arg6[%get3A_1434, %get3A_1435, %get3A_1436, %get3A_1437, %get3A_1438] {strides = array<i32>} : memref<2x4x2x100x32xf32, #tpu.memory_space<vmem>>, vector<16xf32>,
        %bitcast3A_1440 = vector.bitcast %get3A_1439 : vector<16xf32> to vector<32xbf16>
        %max3A_1441 = arith.maximumf %max3A, %bitcast3A_1440 : vector<32xbf16>
        %get3A_1442 = arith.constant 0 : i32
        %get3A_1443 = arith.constant 2 : i32
        %get3A_1444 = arith.constant 1 : i32
        %get3A_1445 = arith.index_cast %get3A_1442 : i32 to index
        %get3A_1446 = arith.index_cast %get3A_1443 : i32 to index
        %get3A_1447 = arith.index_cast %get3A_1444 : i32 to index
        %get3A_1448 = arith.index_cast %scan3A_1409 : i32 to index
        %get3A_1449 = arith.constant 16 : index
        %get3A_1450 = tpu.vector_load %arg6[%get3A_1445, %get3A_1446, %get3A_1447, %get3A_1448, %get3A_1449] {strides = array<i32>} : memref<2x4x2x100x32xf32, #tpu.memory_space<vmem>>, vector<16xf32>,
        %bitcast3A_1451 = vector.bitcast %get3A_1450 : vector<16xf32> to vector<32xbf16>
        %max3A_1452 = arith.maximumf %max3A_1430, %bitcast3A_1451 : vector<32xbf16>
        scf.yield %max3A_1441, %max3A_1452 : vector<32xbf16>, vector<32xbf16>
      }
      %scan3A_834 = arith.constant 100 : i32
      %mul3A_835 = arith.constant 4 : i32
      %mul3A_836 = arith.muli %add3A_632, %mul3A_835 : i32
      %add3A_837 = arith.constant 2 : i32
      %add3A_838 = arith.addi %mul3A_836, %add3A_837 : i32
      %swap3A_839 = arith.index_cast %add3A_838 : i32 to index
      %swap3A_840 = arith.constant 0 : index
      %swap3A_841 = tpu.vector_load %arg7[%swap3A_839, %swap3A_840] {strides = array<i32>} : memref<128x64xbf16, #tpu.memory_space<vmem>>, vector<32xbf16>,
      tpu.vector_store %arg7[%swap3A_839, %swap3A_840], %scan3A_833#0 {strides = array<i32>} : memref<128x64xbf16, #tpu.memory_space<vmem>>, vector<32xbf16>,
      %mul3A_842 = arith.constant 4 : i32
      %mul3A_843 = arith.muli %add3A_632, %mul3A_842 : i32
      %add3A_844 = arith.constant 2 : i32
      %add3A_845 = arith.addi %mul3A_843, %add3A_844 : i32
      %swap3A_846 = arith.index_cast %add3A_845 : i32 to index
      %swap3A_847 = arith.constant 32 : index
      %swap3A_848 = tpu.vector_load %arg7[%swap3A_846, %swap3A_847] {strides = array<i32>} : memref<128x64xbf16, #tpu.memory_space<vmem>>, vector<32xbf16>,
      tpu.vector_store %arg7[%swap3A_846, %swap3A_847], %scan3A_833#1 {strides = array<i32>} : memref<128x64xbf16, #tpu.memory_space<vmem>>, vector<32xbf16>,
      %broadcast_in_dim3A_849 = arith.constant 0xFF80 : bf16
      %broadcast_in_dim3A_850 = vector.broadcast %broadcast_in_dim3A_849 : bf16 to vector<32xbf16>
      %broadcast_in_dim3A_851 = arith.constant 0xFF80 : bf16
      %broadcast_in_dim3A_852 = vector.broadcast %broadcast_in_dim3A_851 : bf16 to vector<32xbf16>
      %scan3A_853 = arith.constant 0 : i32
      %scan3A_854 = arith.constant 100 : i32
      %scan3A_855 = arith.addi %scan3A_853, %scan3A_854 : i32
      %scan3A_856 = arith.constant 1 : i32
      %scan3A_857:2 = scf.for %scan3A_1409 = %scan3A_853 to %scan3A_855 step %scan3A_856 iter_args(%scan3A_1410 = %broadcast_in_dim3A_850, %scan3A_1411 = %broadcast_in_dim3A_852) -> (vector<32xbf16>, vector<32xbf16>)  : i32 {
        %get3A = arith.constant 0 : i32
        %get3A_1412 = arith.constant 3 : i32
        %get3A_1413 = arith.constant 0 : i32
        %get3A_1414 = arith.index_cast %get3A : i32 to index
        %get3A_1415 = arith.index_cast %get3A_1412 : i32 to index
        %get3A_1416 = arith.index_cast %get3A_1413 : i32 to index
        %get3A_1417 = arith.index_cast %scan3A_1409 : i32 to index
        %get3A_1418 = arith.constant 0 : index
        %get3A_1419 = tpu.vector_load %arg6[%get3A_1414, %get3A_1415, %get3A_1416, %get3A_1417, %get3A_1418] {strides = array<i32>} : memref<2x4x2x100x32xf32, #tpu.memory_space<vmem>>, vector<16xf32>,
        %bitcast3A = vector.bitcast %get3A_1419 : vector<16xf32> to vector<32xbf16>
        %max3A = arith.maximumf %scan3A_1410, %bitcast3A : vector<32xbf16>
        %get3A_1420 = arith.constant 0 : i32
        %get3A_1421 = arith.constant 3 : i32
        %get3A_1422 = arith.constant 0 : i32
        %get3A_1423 = arith.index_cast %get3A_1420 : i32 to index
        %get3A_1424 = arith.index_cast %get3A_1421 : i32 to index
        %get3A_1425 = arith.index_cast %get3A_1422 : i32 to index
        %get3A_1426 = arith.index_cast %scan3A_1409 : i32 to index
        %get3A_1427 = arith.constant 16 : index
        %get3A_1428 = tpu.vector_load %arg6[%get3A_1423, %get3A_1424, %get3A_1425, %get3A_1426, %get3A_1427] {strides = array<i32>} : memref<2x4x2x100x32xf32, #tpu.memory_space<vmem>>, vector<16xf32>,
        %bitcast3A_1429 = vector.bitcast %get3A_1428 : vector<16xf32> to vector<32xbf16>
        %max3A_1430 = arith.maximumf %scan3A_1411, %bitcast3A_1429 : vector<32xbf16>
        %get3A_1431 = arith.constant 0 : i32
        %get3A_1432 = arith.constant 3 : i32
        %get3A_1433 = arith.constant 1 : i32
        %get3A_1434 = arith.index_cast %get3A_1431 : i32 to index
        %get3A_1435 = arith.index_cast %get3A_1432 : i32 to index
        %get3A_1436 = arith.index_cast %get3A_1433 : i32 to index
        %get3A_1437 = arith.index_cast %scan3A_1409 : i32 to index
        %get3A_1438 = arith.constant 0 : index
        %get3A_1439 = tpu.vector_load %arg6[%get3A_1434, %get3A_1435, %get3A_1436, %get3A_1437, %get3A_1438] {strides = array<i32>} : memref<2x4x2x100x32xf32, #tpu.memory_space<vmem>>, vector<16xf32>,
        %bitcast3A_1440 = vector.bitcast %get3A_1439 : vector<16xf32> to vector<32xbf16>
        %max3A_1441 = arith.maximumf %max3A, %bitcast3A_1440 : vector<32xbf16>
        %get3A_1442 = arith.constant 0 : i32
        %get3A_1443 = arith.constant 3 : i32
        %get3A_1444 = arith.constant 1 : i32
        %get3A_1445 = arith.index_cast %get3A_1442 : i32 to index
        %get3A_1446 = arith.index_cast %get3A_1443 : i32 to index
        %get3A_1447 = arith.index_cast %get3A_1444 : i32 to index
        %get3A_1448 = arith.index_cast %scan3A_1409 : i32 to index
        %get3A_1449 = arith.constant 16 : index
        %get3A_1450 = tpu.vector_load %arg6[%get3A_1445, %get3A_1446, %get3A_1447, %get3A_1448, %get3A_1449] {strides = array<i32>} : memref<2x4x2x100x32xf32, #tpu.memory_space<vmem>>, vector<16xf32>,
        %bitcast3A_1451 = vector.bitcast %get3A_1450 : vector<16xf32> to vector<32xbf16>
        %max3A_1452 = arith.maximumf %max3A_1430, %bitcast3A_1451 : vector<32xbf16>
        scf.yield %max3A_1441, %max3A_1452 : vector<32xbf16>, vector<32xbf16>
      }
      %scan3A_858 = arith.constant 100 : i32
      %mul3A_859 = arith.constant 4 : i32
      %mul3A_860 = arith.muli %add3A_632, %mul3A_859 : i32
      %add3A_861 = arith.constant 3 : i32
      %add3A_862 = arith.addi %mul3A_860, %add3A_861 : i32
      %swap3A_863 = arith.index_cast %add3A_862 : i32 to index
      %swap3A_864 = arith.constant 0 : index
      %swap3A_865 = tpu.vector_load %arg7[%swap3A_863, %swap3A_864] {strides = array<i32>} : memref<128x64xbf16, #tpu.memory_space<vmem>>, vector<32xbf16>,
      tpu.vector_store %arg7[%swap3A_863, %swap3A_864], %scan3A_857#0 {strides = array<i32>} : memref<128x64xbf16, #tpu.memory_space<vmem>>, vector<32xbf16>,
      %mul3A_866 = arith.constant 4 : i32
      %mul3A_867 = arith.muli %add3A_632, %mul3A_866 : i32
      %add3A_868 = arith.constant 3 : i32
      %add3A_869 = arith.addi %mul3A_867, %add3A_868 : i32
      %swap3A_870 = arith.index_cast %add3A_869 : i32 to index
      %swap3A_871 = arith.constant 32 : index
      %swap3A_872 = tpu.vector_load %arg7[%swap3A_870, %swap3A_871] {strides = array<i32>} : memref<128x64xbf16, #tpu.memory_space<vmem>>, vector<32xbf16>,
      tpu.vector_store %arg7[%swap3A_870, %swap3A_871], %scan3A_857#1 {strides = array<i32>} : memref<128x64xbf16, #tpu.memory_space<vmem>>, vector<32xbf16>,
      %add3A_873 = arith.constant 2 : i32
      %add3A_874 = arith.addi %add3A_632, %add3A_873 : i32
      %mul3A_875 = arith.constant 4 : i32
      %mul3A_876 = arith.muli %add3A_874, %mul3A_875 : i32
      %add3A_877 = arith.constant 0 : i32
      %add3A_878 = arith.addi %mul3A_876, %add3A_877 : i32
      %dma_start3A_879 = arith.constant 0 : i32
      %dma_start3A_880 = arith.constant 0 : i32
      %dma_start3A_881 = arith.constant 0 : i32
      %dma_start3A_882 = arith.constant 0 : i32
      %dma_start3A_883 = arith.constant 0 : i32
      %dma_start3A_884 = arith.constant 0 : i32
      %dma_start3A_885 = tpu.memref_slice %arg6[%dma_start3A_880, %dma_start3A_881, %dma_start3A_882, %dma_start3A_883, %dma_start3A_884] : memref<2x4x2x100x32xf32, #tpu.memory_space<vmem>> -> memref<1x1x1x100x32xf32, #tpu.memory_space<vmem>>
      %dma_start3A_886 = tpu.memref_squeeze %dma_start3A_885 : memref<1x1x1x100x32xf32, #tpu.memory_space<vmem>> -> memref<100x32xf32, #tpu.memory_space<vmem>>
      %dma_start3A_887 = arith.constant 0 : i32
      %dma_start3A_888 = tpu.memref_slice %arg5[%add3A_878, %dma_start3A_879, %dma_start3A_887] : memref<128x2x100xi32, #tpu.memory_space<vmem>> -> memref<1x1x100xi32, #tpu.memory_space<vmem>>
      %dma_start3A_889 = tpu.memref_squeeze %dma_start3A_888 : memref<1x1x100xi32, #tpu.memory_space<vmem>> -> memref<100xi32, #tpu.memory_space<vmem>>
      %dma_start3A_890 = arith.constant 0 : i32
      %dma_start3A_891 = arith.constant 0 : i32
      %dma_start3A_892 = tpu.memref_slice %arg3[%dma_start3A_890, %dma_start3A_891] : memref<1024000x32xf32, #tpu.memory_space<hbm>> -> memref<1024000x32xf32, #tpu.memory_space<hbm>>
      tpu.enqueue_indirect_dma source(%dma_start3A_892 : memref<1024000x32xf32, #tpu.memory_space<hbm>>) target(%dma_start3A_886 : memref<100x32xf32, #tpu.memory_space<vmem>>) offsets(%dma_start3A_889 : memref<100xi32, #tpu.memory_space<vmem>>) semaphore(%arg8 : memref<!tpu.dma_semaphore, #tpu.memory_space<semaphore_mem>>)
      %mul3A_893 = arith.constant 4 : i32
      %mul3A_894 = arith.muli %add3A_874, %mul3A_893 : i32
      %add3A_895 = arith.constant 0 : i32
      %add3A_896 = arith.addi %mul3A_894, %add3A_895 : i32
      %dma_start3A_897 = arith.constant 1 : i32
      %dma_start3A_898 = arith.constant 0 : i32
      %dma_start3A_899 = arith.constant 0 : i32
      %dma_start3A_900 = arith.constant 1 : i32
      %dma_start3A_901 = arith.constant 0 : i32
      %dma_start3A_902 = arith.constant 0 : i32
      %dma_start3A_903 = tpu.memref_slice %arg6[%dma_start3A_898, %dma_start3A_899, %dma_start3A_900, %dma_start3A_901, %dma_start3A_902] : memref<2x4x2x100x32xf32, #tpu.memory_space<vmem>> -> memref<1x1x1x100x32xf32, #tpu.memory_space<vmem>>
      %dma_start3A_904 = tpu.memref_squeeze %dma_start3A_903 : memref<1x1x1x100x32xf32, #tpu.memory_space<vmem>> -> memref<100x32xf32, #tpu.memory_space<vmem>>
      %dma_start3A_905 = arith.constant 0 : i32
      %dma_start3A_906 = tpu.memref_slice %arg5[%add3A_896, %dma_start3A_897, %dma_start3A_905] : memref<128x2x100xi32, #tpu.memory_space<vmem>> -> memref<1x1x100xi32, #tpu.memory_space<vmem>>
      %dma_start3A_907 = tpu.memref_squeeze %dma_start3A_906 : memref<1x1x100xi32, #tpu.memory_space<vmem>> -> memref<100xi32, #tpu.memory_space<vmem>>
      %dma_start3A_908 = arith.constant 0 : i32
      %dma_start3A_909 = arith.constant 0 : i32
      %dma_start3A_910 = tpu.memref_slice %arg3[%dma_start3A_908, %dma_start3A_909] : memref<1024000x32xf32, #tpu.memory_space<hbm>> -> memref<1024000x32xf32, #tpu.memory_space<hbm>>
      tpu.enqueue_indirect_dma source(%dma_start3A_910 : memref<1024000x32xf32, #tpu.memory_space<hbm>>) target(%dma_start3A_904 : memref<100x32xf32, #tpu.memory_space<vmem>>) offsets(%dma_start3A_907 : memref<100xi32, #tpu.memory_space<vmem>>) semaphore(%arg8 : memref<!tpu.dma_semaphore, #tpu.memory_space<semaphore_mem>>)
      %mul3A_911 = arith.constant 4 : i32
      %mul3A_912 = arith.muli %add3A_874, %mul3A_911 : i32
      %add3A_913 = arith.constant 1 : i32
      %add3A_914 = arith.addi %mul3A_912, %add3A_913 : i32
      %dma_start3A_915 = arith.constant 0 : i32
      %dma_start3A_916 = arith.constant 0 : i32
      %dma_start3A_917 = arith.constant 1 : i32
      %dma_start3A_918 = arith.constant 0 : i32
      %dma_start3A_919 = arith.constant 0 : i32
      %dma_start3A_920 = arith.constant 0 : i32
      %dma_start3A_921 = tpu.memref_slice %arg6[%dma_start3A_916, %dma_start3A_917, %dma_start3A_918, %dma_start3A_919, %dma_start3A_920] : memref<2x4x2x100x32xf32, #tpu.memory_space<vmem>> -> memref<1x1x1x100x32xf32, #tpu.memory_space<vmem>>
      %dma_start3A_922 = tpu.memref_squeeze %dma_start3A_921 : memref<1x1x1x100x32xf32, #tpu.memory_space<vmem>> -> memref<100x32xf32, #tpu.memory_space<vmem>>
      %dma_start3A_923 = arith.constant 0 : i32
      %dma_start3A_924 = tpu.memref_slice %arg5[%add3A_914, %dma_start3A_915, %dma_start3A_923] : memref<128x2x100xi32, #tpu.memory_space<vmem>> -> memref<1x1x100xi32, #tpu.memory_space<vmem>>
      %dma_start3A_925 = tpu.memref_squeeze %dma_start3A_924 : memref<1x1x100xi32, #tpu.memory_space<vmem>> -> memref<100xi32, #tpu.memory_space<vmem>>
      %dma_start3A_926 = arith.constant 0 : i32
      %dma_start3A_927 = arith.constant 0 : i32
      %dma_start3A_928 = tpu.memref_slice %arg3[%dma_start3A_926, %dma_start3A_927] : memref<1024000x32xf32, #tpu.memory_space<hbm>> -> memref<1024000x32xf32, #tpu.memory_space<hbm>>
      tpu.enqueue_indirect_dma source(%dma_start3A_928 : memref<1024000x32xf32, #tpu.memory_space<hbm>>) target(%dma_start3A_922 : memref<100x32xf32, #tpu.memory_space<vmem>>) offsets(%dma_start3A_925 : memref<100xi32, #tpu.memory_space<vmem>>) semaphore(%arg8 : memref<!tpu.dma_semaphore, #tpu.memory_space<semaphore_mem>>)
      %mul3A_929 = arith.constant 4 : i32
      %mul3A_930 = arith.muli %add3A_874, %mul3A_929 : i32
      %add3A_931 = arith.constant 1 : i32
      %add3A_932 = arith.addi %mul3A_930, %add3A_931 : i32
      %dma_start3A_933 = arith.constant 1 : i32
      %dma_start3A_934 = arith.constant 0 : i32
      %dma_start3A_935 = arith.constant 1 : i32
      %dma_start3A_936 = arith.constant 1 : i32
      %dma_start3A_937 = arith.constant 0 : i32
      %dma_start3A_938 = arith.constant 0 : i32
      %dma_start3A_939 = tpu.memref_slice %arg6[%dma_start3A_934, %dma_start3A_935, %dma_start3A_936, %dma_start3A_937, %dma_start3A_938] : memref<2x4x2x100x32xf32, #tpu.memory_space<vmem>> -> memref<1x1x1x100x32xf32, #tpu.memory_space<vmem>>
      %dma_start3A_940 = tpu.memref_squeeze %dma_start3A_939 : memref<1x1x1x100x32xf32, #tpu.memory_space<vmem>> -> memref<100x32xf32, #tpu.memory_space<vmem>>
      %dma_start3A_941 = arith.constant 0 : i32
      %dma_start3A_942 = tpu.memref_slice %arg5[%add3A_932, %dma_start3A_933, %dma_start3A_941] : memref<128x2x100xi32, #tpu.memory_space<vmem>> -> memref<1x1x100xi32, #tpu.memory_space<vmem>>
      %dma_start3A_943 = tpu.memref_squeeze %dma_start3A_942 : memref<1x1x100xi32, #tpu.memory_space<vmem>> -> memref<100xi32, #tpu.memory_space<vmem>>
      %dma_start3A_944 = arith.constant 0 : i32
      %dma_start3A_945 = arith.constant 0 : i32
      %dma_start3A_946 = tpu.memref_slice %arg3[%dma_start3A_944, %dma_start3A_945] : memref<1024000x32xf32, #tpu.memory_space<hbm>> -> memref<1024000x32xf32, #tpu.memory_space<hbm>>
      tpu.enqueue_indirect_dma source(%dma_start3A_946 : memref<1024000x32xf32, #tpu.memory_space<hbm>>) target(%dma_start3A_940 : memref<100x32xf32, #tpu.memory_space<vmem>>) offsets(%dma_start3A_943 : memref<100xi32, #tpu.memory_space<vmem>>) semaphore(%arg8 : memref<!tpu.dma_semaphore, #tpu.memory_space<semaphore_mem>>)
      %mul3A_947 = arith.constant 4 : i32
      %mul3A_948 = arith.muli %add3A_874, %mul3A_947 : i32
      %add3A_949 = arith.constant 2 : i32
      %add3A_950 = arith.addi %mul3A_948, %add3A_949 : i32
      %dma_start3A_951 = arith.constant 0 : i32
      %dma_start3A_952 = arith.constant 0 : i32
      %dma_start3A_953 = arith.constant 2 : i32
      %dma_start3A_954 = arith.constant 0 : i32
      %dma_start3A_955 = arith.constant 0 : i32
      %dma_start3A_956 = arith.constant 0 : i32
      %dma_start3A_957 = tpu.memref_slice %arg6[%dma_start3A_952, %dma_start3A_953, %dma_start3A_954, %dma_start3A_955, %dma_start3A_956] : memref<2x4x2x100x32xf32, #tpu.memory_space<vmem>> -> memref<1x1x1x100x32xf32, #tpu.memory_space<vmem>>
      %dma_start3A_958 = tpu.memref_squeeze %dma_start3A_957 : memref<1x1x1x100x32xf32, #tpu.memory_space<vmem>> -> memref<100x32xf32, #tpu.memory_space<vmem>>
      %dma_start3A_959 = arith.constant 0 : i32
      %dma_start3A_960 = tpu.memref_slice %arg5[%add3A_950, %dma_start3A_951, %dma_start3A_959] : memref<128x2x100xi32, #tpu.memory_space<vmem>> -> memref<1x1x100xi32, #tpu.memory_space<vmem>>
      %dma_start3A_961 = tpu.memref_squeeze %dma_start3A_960 : memref<1x1x100xi32, #tpu.memory_space<vmem>> -> memref<100xi32, #tpu.memory_space<vmem>>
      %dma_start3A_962 = arith.constant 0 : i32
      %dma_start3A_963 = arith.constant 0 : i32
      %dma_start3A_964 = tpu.memref_slice %arg3[%dma_start3A_962, %dma_start3A_963] : memref<1024000x32xf32, #tpu.memory_space<hbm>> -> memref<1024000x32xf32, #tpu.memory_space<hbm>>
      tpu.enqueue_indirect_dma source(%dma_start3A_964 : memref<1024000x32xf32, #tpu.memory_space<hbm>>) target(%dma_start3A_958 : memref<100x32xf32, #tpu.memory_space<vmem>>) offsets(%dma_start3A_961 : memref<100xi32, #tpu.memory_space<vmem>>) semaphore(%arg8 : memref<!tpu.dma_semaphore, #tpu.memory_space<semaphore_mem>>)
      %mul3A_965 = arith.constant 4 : i32
      %mul3A_966 = arith.muli %add3A_874, %mul3A_965 : i32
      %add3A_967 = arith.constant 2 : i32
      %add3A_968 = arith.addi %mul3A_966, %add3A_967 : i32
      %dma_start3A_969 = arith.constant 1 : i32
      %dma_start3A_970 = arith.constant 0 : i32
      %dma_start3A_971 = arith.constant 2 : i32
      %dma_start3A_972 = arith.constant 1 : i32
      %dma_start3A_973 = arith.constant 0 : i32
      %dma_start3A_974 = arith.constant 0 : i32
      %dma_start3A_975 = tpu.memref_slice %arg6[%dma_start3A_970, %dma_start3A_971, %dma_start3A_972, %dma_start3A_973, %dma_start3A_974] : memref<2x4x2x100x32xf32, #tpu.memory_space<vmem>> -> memref<1x1x1x100x32xf32, #tpu.memory_space<vmem>>
      %dma_start3A_976 = tpu.memref_squeeze %dma_start3A_975 : memref<1x1x1x100x32xf32, #tpu.memory_space<vmem>> -> memref<100x32xf32, #tpu.memory_space<vmem>>
      %dma_start3A_977 = arith.constant 0 : i32
      %dma_start3A_978 = tpu.memref_slice %arg5[%add3A_968, %dma_start3A_969, %dma_start3A_977] : memref<128x2x100xi32, #tpu.memory_space<vmem>> -> memref<1x1x100xi32, #tpu.memory_space<vmem>>
      %dma_start3A_979 = tpu.memref_squeeze %dma_start3A_978 : memref<1x1x100xi32, #tpu.memory_space<vmem>> -> memref<100xi32, #tpu.memory_space<vmem>>
      %dma_start3A_980 = arith.constant 0 : i32
      %dma_start3A_981 = arith.constant 0 : i32
      %dma_start3A_982 = tpu.memref_slice %arg3[%dma_start3A_980, %dma_start3A_981] : memref<1024000x32xf32, #tpu.memory_space<hbm>> -> memref<1024000x32xf32, #tpu.memory_space<hbm>>
      tpu.enqueue_indirect_dma source(%dma_start3A_982 : memref<1024000x32xf32, #tpu.memory_space<hbm>>) target(%dma_start3A_976 : memref<100x32xf32, #tpu.memory_space<vmem>>) offsets(%dma_start3A_979 : memref<100xi32, #tpu.memory_space<vmem>>) semaphore(%arg8 : memref<!tpu.dma_semaphore, #tpu.memory_space<semaphore_mem>>)
      %mul3A_983 = arith.constant 4 : i32
      %mul3A_984 = arith.muli %add3A_874, %mul3A_983 : i32
      %add3A_985 = arith.constant 3 : i32
      %add3A_986 = arith.addi %mul3A_984, %add3A_985 : i32
      %dma_start3A_987 = arith.constant 0 : i32
      %dma_start3A_988 = arith.constant 0 : i32
      %dma_start3A_989 = arith.constant 3 : i32
      %dma_start3A_990 = arith.constant 0 : i32
      %dma_start3A_991 = arith.constant 0 : i32
      %dma_start3A_992 = arith.constant 0 : i32
      %dma_start3A_993 = tpu.memref_slice %arg6[%dma_start3A_988, %dma_start3A_989, %dma_start3A_990, %dma_start3A_991, %dma_start3A_992] : memref<2x4x2x100x32xf32, #tpu.memory_space<vmem>> -> memref<1x1x1x100x32xf32, #tpu.memory_space<vmem>>
      %dma_start3A_994 = tpu.memref_squeeze %dma_start3A_993 : memref<1x1x1x100x32xf32, #tpu.memory_space<vmem>> -> memref<100x32xf32, #tpu.memory_space<vmem>>
      %dma_start3A_995 = arith.constant 0 : i32
      %dma_start3A_996 = tpu.memref_slice %arg5[%add3A_986, %dma_start3A_987, %dma_start3A_995] : memref<128x2x100xi32, #tpu.memory_space<vmem>> -> memref<1x1x100xi32, #tpu.memory_space<vmem>>
      %dma_start3A_997 = tpu.memref_squeeze %dma_start3A_996 : memref<1x1x100xi32, #tpu.memory_space<vmem>> -> memref<100xi32, #tpu.memory_space<vmem>>
      %dma_start3A_998 = arith.constant 0 : i32
      %dma_start3A_999 = arith.constant 0 : i32
      %dma_start3A_1000 = tpu.memref_slice %arg3[%dma_start3A_998, %dma_start3A_999] : memref<1024000x32xf32, #tpu.memory_space<hbm>> -> memref<1024000x32xf32, #tpu.memory_space<hbm>>
      tpu.enqueue_indirect_dma source(%dma_start3A_1000 : memref<1024000x32xf32, #tpu.memory_space<hbm>>) target(%dma_start3A_994 : memref<100x32xf32, #tpu.memory_space<vmem>>) offsets(%dma_start3A_997 : memref<100xi32, #tpu.memory_space<vmem>>) semaphore(%arg8 : memref<!tpu.dma_semaphore, #tpu.memory_space<semaphore_mem>>)
      %mul3A_1001 = arith.constant 4 : i32
      %mul3A_1002 = arith.muli %add3A_874, %mul3A_1001 : i32
      %add3A_1003 = arith.constant 3 : i32
      %add3A_1004 = arith.addi %mul3A_1002, %add3A_1003 : i32
      %dma_start3A_1005 = arith.constant 1 : i32
      %dma_start3A_1006 = arith.constant 0 : i32
      %dma_start3A_1007 = arith.constant 3 : i32
      %dma_start3A_1008 = arith.constant 1 : i32
      %dma_start3A_1009 = arith.constant 0 : i32
      %dma_start3A_1010 = arith.constant 0 : i32
      %dma_start3A_1011 = tpu.memref_slice %arg6[%dma_start3A_1006, %dma_start3A_1007, %dma_start3A_1008, %dma_start3A_1009, %dma_start3A_1010] : memref<2x4x2x100x32xf32, #tpu.memory_space<vmem>> -> memref<1x1x1x100x32xf32, #tpu.memory_space<vmem>>
      %dma_start3A_1012 = tpu.memref_squeeze %dma_start3A_1011 : memref<1x1x1x100x32xf32, #tpu.memory_space<vmem>> -> memref<100x32xf32, #tpu.memory_space<vmem>>
      %dma_start3A_1013 = arith.constant 0 : i32
      %dma_start3A_1014 = tpu.memref_slice %arg5[%add3A_1004, %dma_start3A_1005, %dma_start3A_1013] : memref<128x2x100xi32, #tpu.memory_space<vmem>> -> memref<1x1x100xi32, #tpu.memory_space<vmem>>
      %dma_start3A_1015 = tpu.memref_squeeze %dma_start3A_1014 : memref<1x1x100xi32, #tpu.memory_space<vmem>> -> memref<100xi32, #tpu.memory_space<vmem>>
      %dma_start3A_1016 = arith.constant 0 : i32
      %dma_start3A_1017 = arith.constant 0 : i32
      %dma_start3A_1018 = tpu.memref_slice %arg3[%dma_start3A_1016, %dma_start3A_1017] : memref<1024000x32xf32, #tpu.memory_space<hbm>> -> memref<1024000x32xf32, #tpu.memory_space<hbm>>
      tpu.enqueue_indirect_dma source(%dma_start3A_1018 : memref<1024000x32xf32, #tpu.memory_space<hbm>>) target(%dma_start3A_1012 : memref<100x32xf32, #tpu.memory_space<vmem>>) offsets(%dma_start3A_1015 : memref<100xi32, #tpu.memory_space<vmem>>) semaphore(%arg8 : memref<!tpu.dma_semaphore, #tpu.memory_space<semaphore_mem>>)
      %mul3A_1019 = arith.constant 2 : i32
      %mul3A_1020 = arith.muli %mul3A_1019, %scan3A_628 : i32
      %add3A_1021 = arith.constant 1 : i32
      %add3A_1022 = arith.addi %mul3A_1020, %add3A_1021 : i32
      %mul3A_1023 = arith.constant 4 : i32
      %mul3A_1024 = arith.muli %add3A_1022, %mul3A_1023 : i32
      %add3A_1025 = arith.constant 0 : i32
      %add3A_1026 = arith.addi %mul3A_1024, %add3A_1025 : i32
      %dma_wait3A_1027 = arith.constant 0 : i32
      %dma_wait3A_1028 = arith.constant 1 : i32
      %dma_wait3A_1029 = arith.constant 0 : i32
      %dma_wait3A_1030 = arith.constant 0 : i32
      %dma_wait3A_1031 = arith.constant 0 : i32
      %dma_wait3A_1032 = arith.constant 0 : i32
      %dma_wait3A_1033 = tpu.memref_slice %arg6[%dma_wait3A_1028, %dma_wait3A_1029, %dma_wait3A_1030, %dma_wait3A_1031, %dma_wait3A_1032] : memref<2x4x2x100x32xf32, #tpu.memory_space<vmem>> -> memref<1x1x1x100x32xf32, #tpu.memory_space<vmem>>
      %dma_wait3A_1034 = tpu.memref_squeeze %dma_wait3A_1033 : memref<1x1x1x100x32xf32, #tpu.memory_space<vmem>> -> memref<100x32xf32, #tpu.memory_space<vmem>>
      %dma_wait3A_1035 = arith.constant 0 : i32
      %dma_wait3A_1036 = tpu.memref_slice %arg5[%add3A_1026, %dma_wait3A_1027, %dma_wait3A_1035] : memref<128x2x100xi32, #tpu.memory_space<vmem>> -> memref<1x1x100xi32, #tpu.memory_space<vmem>>
      %dma_wait3A_1037 = tpu.memref_squeeze %dma_wait3A_1036 : memref<1x1x100xi32, #tpu.memory_space<vmem>> -> memref<100xi32, #tpu.memory_space<vmem>>
      %dma_wait3A_1038 = arith.constant 0 : i32
      %dma_wait3A_1039 = arith.constant 0 : i32
      %dma_wait3A_1040 = tpu.memref_slice %arg3[%dma_wait3A_1038, %dma_wait3A_1039] : memref<1024000x32xf32, #tpu.memory_space<hbm>> -> memref<1024000x32xf32, #tpu.memory_space<hbm>>
      tpu.wait_indirect_dma semaphore(%arg9 : memref<!tpu.dma_semaphore, #tpu.memory_space<semaphore_mem>>) src(%dma_wait3A_1040 : memref<1024000x32xf32, #tpu.memory_space<hbm>>) dst(%dma_wait3A_1034 : memref<100x32xf32, #tpu.memory_space<vmem>>)
      %mul3A_1041 = arith.constant 4 : i32
      %mul3A_1042 = arith.muli %add3A_1022, %mul3A_1041 : i32
      %add3A_1043 = arith.constant 0 : i32
      %add3A_1044 = arith.addi %mul3A_1042, %add3A_1043 : i32
      %dma_wait3A_1045 = arith.constant 1 : i32
      %dma_wait3A_1046 = arith.constant 1 : i32
      %dma_wait3A_1047 = arith.constant 0 : i32
      %dma_wait3A_1048 = arith.constant 1 : i32
      %dma_wait3A_1049 = arith.constant 0 : i32
      %dma_wait3A_1050 = arith.constant 0 : i32
      %dma_wait3A_1051 = tpu.memref_slice %arg6[%dma_wait3A_1046, %dma_wait3A_1047, %dma_wait3A_1048, %dma_wait3A_1049, %dma_wait3A_1050] : memref<2x4x2x100x32xf32, #tpu.memory_space<vmem>> -> memref<1x1x1x100x32xf32, #tpu.memory_space<vmem>>
      %dma_wait3A_1052 = tpu.memref_squeeze %dma_wait3A_1051 : memref<1x1x1x100x32xf32, #tpu.memory_space<vmem>> -> memref<100x32xf32, #tpu.memory_space<vmem>>
      %dma_wait3A_1053 = arith.constant 0 : i32
      %dma_wait3A_1054 = tpu.memref_slice %arg5[%add3A_1044, %dma_wait3A_1045, %dma_wait3A_1053] : memref<128x2x100xi32, #tpu.memory_space<vmem>> -> memref<1x1x100xi32, #tpu.memory_space<vmem>>
      %dma_wait3A_1055 = tpu.memref_squeeze %dma_wait3A_1054 : memref<1x1x100xi32, #tpu.memory_space<vmem>> -> memref<100xi32, #tpu.memory_space<vmem>>
      %dma_wait3A_1056 = arith.constant 0 : i32
      %dma_wait3A_1057 = arith.constant 0 : i32
      %dma_wait3A_1058 = tpu.memref_slice %arg3[%dma_wait3A_1056, %dma_wait3A_1057] : memref<1024000x32xf32, #tpu.memory_space<hbm>> -> memref<1024000x32xf32, #tpu.memory_space<hbm>>
      tpu.wait_indirect_dma semaphore(%arg9 : memref<!tpu.dma_semaphore, #tpu.memory_space<semaphore_mem>>) src(%dma_wait3A_1058 : memref<1024000x32xf32, #tpu.memory_space<hbm>>) dst(%dma_wait3A_1052 : memref<100x32xf32, #tpu.memory_space<vmem>>)
      %mul3A_1059 = arith.constant 4 : i32
      %mul3A_1060 = arith.muli %add3A_1022, %mul3A_1059 : i32
      %add3A_1061 = arith.constant 1 : i32
      %add3A_1062 = arith.addi %mul3A_1060, %add3A_1061 : i32
      %dma_wait3A_1063 = arith.constant 0 : i32
      %dma_wait3A_1064 = arith.constant 1 : i32
      %dma_wait3A_1065 = arith.constant 1 : i32
      %dma_wait3A_1066 = arith.constant 0 : i32
      %dma_wait3A_1067 = arith.constant 0 : i32
      %dma_wait3A_1068 = arith.constant 0 : i32
      %dma_wait3A_1069 = tpu.memref_slice %arg6[%dma_wait3A_1064, %dma_wait3A_1065, %dma_wait3A_1066, %dma_wait3A_1067, %dma_wait3A_1068] : memref<2x4x2x100x32xf32, #tpu.memory_space<vmem>> -> memref<1x1x1x100x32xf32, #tpu.memory_space<vmem>>
      %dma_wait3A_1070 = tpu.memref_squeeze %dma_wait3A_1069 : memref<1x1x1x100x32xf32, #tpu.memory_space<vmem>> -> memref<100x32xf32, #tpu.memory_space<vmem>>
      %dma_wait3A_1071 = arith.constant 0 : i32
      %dma_wait3A_1072 = tpu.memref_slice %arg5[%add3A_1062, %dma_wait3A_1063, %dma_wait3A_1071] : memref<128x2x100xi32, #tpu.memory_space<vmem>> -> memref<1x1x100xi32, #tpu.memory_space<vmem>>
      %dma_wait3A_1073 = tpu.memref_squeeze %dma_wait3A_1072 : memref<1x1x100xi32, #tpu.memory_space<vmem>> -> memref<100xi32, #tpu.memory_space<vmem>>
      %dma_wait3A_1074 = arith.constant 0 : i32
      %dma_wait3A_1075 = arith.constant 0 : i32
      %dma_wait3A_1076 = tpu.memref_slice %arg3[%dma_wait3A_1074, %dma_wait3A_1075] : memref<1024000x32xf32, #tpu.memory_space<hbm>> -> memref<1024000x32xf32, #tpu.memory_space<hbm>>
      tpu.wait_indirect_dma semaphore(%arg9 : memref<!tpu.dma_semaphore, #tpu.memory_space<semaphore_mem>>) src(%dma_wait3A_1076 : memref<1024000x32xf32, #tpu.memory_space<hbm>>) dst(%dma_wait3A_1070 : memref<100x32xf32, #tpu.memory_space<vmem>>)
      %mul3A_1077 = arith.constant 4 : i32
      %mul3A_1078 = arith.muli %add3A_1022, %mul3A_1077 : i32
      %add3A_1079 = arith.constant 1 : i32
      %add3A_1080 = arith.addi %mul3A_1078, %add3A_1079 : i32
      %dma_wait3A_1081 = arith.constant 1 : i32
      %dma_wait3A_1082 = arith.constant 1 : i32
      %dma_wait3A_1083 = arith.constant 1 : i32
      %dma_wait3A_1084 = arith.constant 1 : i32
      %dma_wait3A_1085 = arith.constant 0 : i32
      %dma_wait3A_1086 = arith.constant 0 : i32
      %dma_wait3A_1087 = tpu.memref_slice %arg6[%dma_wait3A_1082, %dma_wait3A_1083, %dma_wait3A_1084, %dma_wait3A_1085, %dma_wait3A_1086] : memref<2x4x2x100x32xf32, #tpu.memory_space<vmem>> -> memref<1x1x1x100x32xf32, #tpu.memory_space<vmem>>
      %dma_wait3A_1088 = tpu.memref_squeeze %dma_wait3A_1087 : memref<1x1x1x100x32xf32, #tpu.memory_space<vmem>> -> memref<100x32xf32, #tpu.memory_space<vmem>>
      %dma_wait3A_1089 = arith.constant 0 : i32
      %dma_wait3A_1090 = tpu.memref_slice %arg5[%add3A_1080, %dma_wait3A_1081, %dma_wait3A_1089] : memref<128x2x100xi32, #tpu.memory_space<vmem>> -> memref<1x1x100xi32, #tpu.memory_space<vmem>>
      %dma_wait3A_1091 = tpu.memref_squeeze %dma_wait3A_1090 : memref<1x1x100xi32, #tpu.memory_space<vmem>> -> memref<100xi32, #tpu.memory_space<vmem>>
      %dma_wait3A_1092 = arith.constant 0 : i32
      %dma_wait3A_1093 = arith.constant 0 : i32
      %dma_wait3A_1094 = tpu.memref_slice %arg3[%dma_wait3A_1092, %dma_wait3A_1093] : memref<1024000x32xf32, #tpu.memory_space<hbm>> -> memref<1024000x32xf32, #tpu.memory_space<hbm>>
      tpu.wait_indirect_dma semaphore(%arg9 : memref<!tpu.dma_semaphore, #tpu.memory_space<semaphore_mem>>) src(%dma_wait3A_1094 : memref<1024000x32xf32, #tpu.memory_space<hbm>>) dst(%dma_wait3A_1088 : memref<100x32xf32, #tpu.memory_space<vmem>>)
      %mul3A_1095 = arith.constant 4 : i32
      %mul3A_1096 = arith.muli %add3A_1022, %mul3A_1095 : i32
      %add3A_1097 = arith.constant 2 : i32
      %add3A_1098 = arith.addi %mul3A_1096, %add3A_1097 : i32
      %dma_wait3A_1099 = arith.constant 0 : i32
      %dma_wait3A_1100 = arith.constant 1 : i32
      %dma_wait3A_1101 = arith.constant 2 : i32
      %dma_wait3A_1102 = arith.constant 0 : i32
      %dma_wait3A_1103 = arith.constant 0 : i32
      %dma_wait3A_1104 = arith.constant 0 : i32
      %dma_wait3A_1105 = tpu.memref_slice %arg6[%dma_wait3A_1100, %dma_wait3A_1101, %dma_wait3A_1102, %dma_wait3A_1103, %dma_wait3A_1104] : memref<2x4x2x100x32xf32, #tpu.memory_space<vmem>> -> memref<1x1x1x100x32xf32, #tpu.memory_space<vmem>>
      %dma_wait3A_1106 = tpu.memref_squeeze %dma_wait3A_1105 : memref<1x1x1x100x32xf32, #tpu.memory_space<vmem>> -> memref<100x32xf32, #tpu.memory_space<vmem>>
      %dma_wait3A_1107 = arith.constant 0 : i32
      %dma_wait3A_1108 = tpu.memref_slice %arg5[%add3A_1098, %dma_wait3A_1099, %dma_wait3A_1107] : memref<128x2x100xi32, #tpu.memory_space<vmem>> -> memref<1x1x100xi32, #tpu.memory_space<vmem>>
      %dma_wait3A_1109 = tpu.memref_squeeze %dma_wait3A_1108 : memref<1x1x100xi32, #tpu.memory_space<vmem>> -> memref<100xi32, #tpu.memory_space<vmem>>
      %dma_wait3A_1110 = arith.constant 0 : i32
      %dma_wait3A_1111 = arith.constant 0 : i32
      %dma_wait3A_1112 = tpu.memref_slice %arg3[%dma_wait3A_1110, %dma_wait3A_1111] : memref<1024000x32xf32, #tpu.memory_space<hbm>> -> memref<1024000x32xf32, #tpu.memory_space<hbm>>
      tpu.wait_indirect_dma semaphore(%arg9 : memref<!tpu.dma_semaphore, #tpu.memory_space<semaphore_mem>>) src(%dma_wait3A_1112 : memref<1024000x32xf32, #tpu.memory_space<hbm>>) dst(%dma_wait3A_1106 : memref<100x32xf32, #tpu.memory_space<vmem>>)
      %mul3A_1113 = arith.constant 4 : i32
      %mul3A_1114 = arith.muli %add3A_1022, %mul3A_1113 : i32
      %add3A_1115 = arith.constant 2 : i32
      %add3A_1116 = arith.addi %mul3A_1114, %add3A_1115 : i32
      %dma_wait3A_1117 = arith.constant 1 : i32
      %dma_wait3A_1118 = arith.constant 1 : i32
      %dma_wait3A_1119 = arith.constant 2 : i32
      %dma_wait3A_1120 = arith.constant 1 : i32
      %dma_wait3A_1121 = arith.constant 0 : i32
      %dma_wait3A_1122 = arith.constant 0 : i32
      %dma_wait3A_1123 = tpu.memref_slice %arg6[%dma_wait3A_1118, %dma_wait3A_1119, %dma_wait3A_1120, %dma_wait3A_1121, %dma_wait3A_1122] : memref<2x4x2x100x32xf32, #tpu.memory_space<vmem>> -> memref<1x1x1x100x32xf32, #tpu.memory_space<vmem>>
      %dma_wait3A_1124 = tpu.memref_squeeze %dma_wait3A_1123 : memref<1x1x1x100x32xf32, #tpu.memory_space<vmem>> -> memref<100x32xf32, #tpu.memory_space<vmem>>
      %dma_wait3A_1125 = arith.constant 0 : i32
      %dma_wait3A_1126 = tpu.memref_slice %arg5[%add3A_1116, %dma_wait3A_1117, %dma_wait3A_1125] : memref<128x2x100xi32, #tpu.memory_space<vmem>> -> memref<1x1x100xi32, #tpu.memory_space<vmem>>
      %dma_wait3A_1127 = tpu.memref_squeeze %dma_wait3A_1126 : memref<1x1x100xi32, #tpu.memory_space<vmem>> -> memref<100xi32, #tpu.memory_space<vmem>>
      %dma_wait3A_1128 = arith.constant 0 : i32
      %dma_wait3A_1129 = arith.constant 0 : i32
      %dma_wait3A_1130 = tpu.memref_slice %arg3[%dma_wait3A_1128, %dma_wait3A_1129] : memref<1024000x32xf32, #tpu.memory_space<hbm>> -> memref<1024000x32xf32, #tpu.memory_space<hbm>>
      tpu.wait_indirect_dma semaphore(%arg9 : memref<!tpu.dma_semaphore, #tpu.memory_space<semaphore_mem>>) src(%dma_wait3A_1130 : memref<1024000x32xf32, #tpu.memory_space<hbm>>) dst(%dma_wait3A_1124 : memref<100x32xf32, #tpu.memory_space<vmem>>)
      %mul3A_1131 = arith.constant 4 : i32
      %mul3A_1132 = arith.muli %add3A_1022, %mul3A_1131 : i32
      %add3A_1133 = arith.constant 3 : i32
      %add3A_1134 = arith.addi %mul3A_1132, %add3A_1133 : i32
      %dma_wait3A_1135 = arith.constant 0 : i32
      %dma_wait3A_1136 = arith.constant 1 : i32
      %dma_wait3A_1137 = arith.constant 3 : i32
      %dma_wait3A_1138 = arith.constant 0 : i32
      %dma_wait3A_1139 = arith.constant 0 : i32
      %dma_wait3A_1140 = arith.constant 0 : i32
      %dma_wait3A_1141 = tpu.memref_slice %arg6[%dma_wait3A_1136, %dma_wait3A_1137, %dma_wait3A_1138, %dma_wait3A_1139, %dma_wait3A_1140] : memref<2x4x2x100x32xf32, #tpu.memory_space<vmem>> -> memref<1x1x1x100x32xf32, #tpu.memory_space<vmem>>
      %dma_wait3A_1142 = tpu.memref_squeeze %dma_wait3A_1141 : memref<1x1x1x100x32xf32, #tpu.memory_space<vmem>> -> memref<100x32xf32, #tpu.memory_space<vmem>>
      %dma_wait3A_1143 = arith.constant 0 : i32
      %dma_wait3A_1144 = tpu.memref_slice %arg5[%add3A_1134, %dma_wait3A_1135, %dma_wait3A_1143] : memref<128x2x100xi32, #tpu.memory_space<vmem>> -> memref<1x1x100xi32, #tpu.memory_space<vmem>>
      %dma_wait3A_1145 = tpu.memref_squeeze %dma_wait3A_1144 : memref<1x1x100xi32, #tpu.memory_space<vmem>> -> memref<100xi32, #tpu.memory_space<vmem>>
      %dma_wait3A_1146 = arith.constant 0 : i32
      %dma_wait3A_1147 = arith.constant 0 : i32
      %dma_wait3A_1148 = tpu.memref_slice %arg3[%dma_wait3A_1146, %dma_wait3A_1147] : memref<1024000x32xf32, #tpu.memory_space<hbm>> -> memref<1024000x32xf32, #tpu.memory_space<hbm>>
      tpu.wait_indirect_dma semaphore(%arg9 : memref<!tpu.dma_semaphore, #tpu.memory_space<semaphore_mem>>) src(%dma_wait3A_1148 : memref<1024000x32xf32, #tpu.memory_space<hbm>>) dst(%dma_wait3A_1142 : memref<100x32xf32, #tpu.memory_space<vmem>>)
      %mul3A_1149 = arith.constant 4 : i32
      %mul3A_1150 = arith.muli %add3A_1022, %mul3A_1149 : i32
      %add3A_1151 = arith.constant 3 : i32
      %add3A_1152 = arith.addi %mul3A_1150, %add3A_1151 : i32
      %dma_wait3A_1153 = arith.constant 1 : i32
      %dma_wait3A_1154 = arith.constant 1 : i32
      %dma_wait3A_1155 = arith.constant 3 : i32
      %dma_wait3A_1156 = arith.constant 1 : i32
      %dma_wait3A_1157 = arith.constant 0 : i32
      %dma_wait3A_1158 = arith.constant 0 : i32
      %dma_wait3A_1159 = tpu.memref_slice %arg6[%dma_wait3A_1154, %dma_wait3A_1155, %dma_wait3A_1156, %dma_wait3A_1157, %dma_wait3A_1158] : memref<2x4x2x100x32xf32, #tpu.memory_space<vmem>> -> memref<1x1x1x100x32xf32, #tpu.memory_space<vmem>>
      %dma_wait3A_1160 = tpu.memref_squeeze %dma_wait3A_1159 : memref<1x1x1x100x32xf32, #tpu.memory_space<vmem>> -> memref<100x32xf32, #tpu.memory_space<vmem>>
      %dma_wait3A_1161 = arith.constant 0 : i32
      %dma_wait3A_1162 = tpu.memref_slice %arg5[%add3A_1152, %dma_wait3A_1153, %dma_wait3A_1161] : memref<128x2x100xi32, #tpu.memory_space<vmem>> -> memref<1x1x100xi32, #tpu.memory_space<vmem>>
      %dma_wait3A_1163 = tpu.memref_squeeze %dma_wait3A_1162 : memref<1x1x100xi32, #tpu.memory_space<vmem>> -> memref<100xi32, #tpu.memory_space<vmem>>
      %dma_wait3A_1164 = arith.constant 0 : i32
      %dma_wait3A_1165 = arith.constant 0 : i32
      %dma_wait3A_1166 = tpu.memref_slice %arg3[%dma_wait3A_1164, %dma_wait3A_1165] : memref<1024000x32xf32, #tpu.memory_space<hbm>> -> memref<1024000x32xf32, #tpu.memory_space<hbm>>
      tpu.wait_indirect_dma semaphore(%arg9 : memref<!tpu.dma_semaphore, #tpu.memory_space<semaphore_mem>>) src(%dma_wait3A_1166 : memref<1024000x32xf32, #tpu.memory_space<hbm>>) dst(%dma_wait3A_1160 : memref<100x32xf32, #tpu.memory_space<vmem>>)
      %broadcast_in_dim3A_1167 = arith.constant 0xFF80 : bf16
      %broadcast_in_dim3A_1168 = vector.broadcast %broadcast_in_dim3A_1167 : bf16 to vector<32xbf16>
      %broadcast_in_dim3A_1169 = arith.constant 0xFF80 : bf16
      %broadcast_in_dim3A_1170 = vector.broadcast %broadcast_in_dim3A_1169 : bf16 to vector<32xbf16>
      %scan3A_1171 = arith.constant 0 : i32
      %scan3A_1172 = arith.constant 100 : i32
      %scan3A_1173 = arith.addi %scan3A_1171, %scan3A_1172 : i32
      %scan3A_1174 = arith.constant 1 : i32
      %scan3A_1175:2 = scf.for %scan3A_1409 = %scan3A_1171 to %scan3A_1173 step %scan3A_1174 iter_args(%scan3A_1410 = %broadcast_in_dim3A_1168, %scan3A_1411 = %broadcast_in_dim3A_1170) -> (vector<32xbf16>, vector<32xbf16>)  : i32 {
        %get3A = arith.constant 1 : i32
        %get3A_1412 = arith.constant 0 : i32
        %get3A_1413 = arith.constant 0 : i32
        %get3A_1414 = arith.index_cast %get3A : i32 to index
        %get3A_1415 = arith.index_cast %get3A_1412 : i32 to index
        %get3A_1416 = arith.index_cast %get3A_1413 : i32 to index
        %get3A_1417 = arith.index_cast %scan3A_1409 : i32 to index
        %get3A_1418 = arith.constant 0 : index
        %get3A_1419 = tpu.vector_load %arg6[%get3A_1414, %get3A_1415, %get3A_1416, %get3A_1417, %get3A_1418] {strides = array<i32>} : memref<2x4x2x100x32xf32, #tpu.memory_space<vmem>>, vector<16xf32>,
        %bitcast3A = vector.bitcast %get3A_1419 : vector<16xf32> to vector<32xbf16>
        %max3A = arith.maximumf %scan3A_1410, %bitcast3A : vector<32xbf16>
        %get3A_1420 = arith.constant 1 : i32
        %get3A_1421 = arith.constant 0 : i32
        %get3A_1422 = arith.constant 0 : i32
        %get3A_1423 = arith.index_cast %get3A_1420 : i32 to index
        %get3A_1424 = arith.index_cast %get3A_1421 : i32 to index
        %get3A_1425 = arith.index_cast %get3A_1422 : i32 to index
        %get3A_1426 = arith.index_cast %scan3A_1409 : i32 to index
        %get3A_1427 = arith.constant 16 : index
        %get3A_1428 = tpu.vector_load %arg6[%get3A_1423, %get3A_1424, %get3A_1425, %get3A_1426, %get3A_1427] {strides = array<i32>} : memref<2x4x2x100x32xf32, #tpu.memory_space<vmem>>, vector<16xf32>,
        %bitcast3A_1429 = vector.bitcast %get3A_1428 : vector<16xf32> to vector<32xbf16>
        %max3A_1430 = arith.maximumf %scan3A_1411, %bitcast3A_1429 : vector<32xbf16>
        %get3A_1431 = arith.constant 1 : i32
        %get3A_1432 = arith.constant 0 : i32
        %get3A_1433 = arith.constant 1 : i32
        %get3A_1434 = arith.index_cast %get3A_1431 : i32 to index
        %get3A_1435 = arith.index_cast %get3A_1432 : i32 to index
        %get3A_1436 = arith.index_cast %get3A_1433 : i32 to index
        %get3A_1437 = arith.index_cast %scan3A_1409 : i32 to index
        %get3A_1438 = arith.constant 0 : index
        %get3A_1439 = tpu.vector_load %arg6[%get3A_1434, %get3A_1435, %get3A_1436, %get3A_1437, %get3A_1438] {strides = array<i32>} : memref<2x4x2x100x32xf32, #tpu.memory_space<vmem>>, vector<16xf32>,
        %bitcast3A_1440 = vector.bitcast %get3A_1439 : vector<16xf32> to vector<32xbf16>
        %max3A_1441 = arith.maximumf %max3A, %bitcast3A_1440 : vector<32xbf16>
        %get3A_1442 = arith.constant 1 : i32
        %get3A_1443 = arith.constant 0 : i32
        %get3A_1444 = arith.constant 1 : i32
        %get3A_1445 = arith.index_cast %get3A_1442 : i32 to index
        %get3A_1446 = arith.index_cast %get3A_1443 : i32 to index
        %get3A_1447 = arith.index_cast %get3A_1444 : i32 to index
        %get3A_1448 = arith.index_cast %scan3A_1409 : i32 to index
        %get3A_1449 = arith.constant 16 : index
        %get3A_1450 = tpu.vector_load %arg6[%get3A_1445, %get3A_1446, %get3A_1447, %get3A_1448, %get3A_1449] {strides = array<i32>} : memref<2x4x2x100x32xf32, #tpu.memory_space<vmem>>, vector<16xf32>,
        %bitcast3A_1451 = vector.bitcast %get3A_1450 : vector<16xf32> to vector<32xbf16>
        %max3A_1452 = arith.maximumf %max3A_1430, %bitcast3A_1451 : vector<32xbf16>
        scf.yield %max3A_1441, %max3A_1452 : vector<32xbf16>, vector<32xbf16>
      }
      %scan3A_1176 = arith.constant 100 : i32
      %mul3A_1177 = arith.constant 4 : i32
      %mul3A_1178 = arith.muli %add3A_1022, %mul3A_1177 : i32
      %add3A_1179 = arith.constant 0 : i32
      %add3A_1180 = arith.addi %mul3A_1178, %add3A_1179 : i32
      %swap3A_1181 = arith.index_cast %add3A_1180 : i32 to index
      %swap3A_1182 = arith.constant 0 : index
      %swap3A_1183 = tpu.vector_load %arg7[%swap3A_1181, %swap3A_1182] {strides = array<i32>} : memref<128x64xbf16, #tpu.memory_space<vmem>>, vector<32xbf16>,
      tpu.vector_store %arg7[%swap3A_1181, %swap3A_1182], %scan3A_1175#0 {strides = array<i32>} : memref<128x64xbf16, #tpu.memory_space<vmem>>, vector<32xbf16>,
      %mul3A_1184 = arith.constant 4 : i32
      %mul3A_1185 = arith.muli %add3A_1022, %mul3A_1184 : i32
      %add3A_1186 = arith.constant 0 : i32
      %add3A_1187 = arith.addi %mul3A_1185, %add3A_1186 : i32
      %swap3A_1188 = arith.index_cast %add3A_1187 : i32 to index
      %swap3A_1189 = arith.constant 32 : index
      %swap3A_1190 = tpu.vector_load %arg7[%swap3A_1188, %swap3A_1189] {strides = array<i32>} : memref<128x64xbf16, #tpu.memory_space<vmem>>, vector<32xbf16>,
      tpu.vector_store %arg7[%swap3A_1188, %swap3A_1189], %scan3A_1175#1 {strides = array<i32>} : memref<128x64xbf16, #tpu.memory_space<vmem>>, vector<32xbf16>,
      %broadcast_in_dim3A_1191 = arith.constant 0xFF80 : bf16
      %broadcast_in_dim3A_1192 = vector.broadcast %broadcast_in_dim3A_1191 : bf16 to vector<32xbf16>
      %broadcast_in_dim3A_1193 = arith.constant 0xFF80 : bf16
      %broadcast_in_dim3A_1194 = vector.broadcast %broadcast_in_dim3A_1193 : bf16 to vector<32xbf16>
      %scan3A_1195 = arith.constant 0 : i32
      %scan3A_1196 = arith.constant 100 : i32
      %scan3A_1197 = arith.addi %scan3A_1195, %scan3A_1196 : i32
      %scan3A_1198 = arith.constant 1 : i32
      %scan3A_1199:2 = scf.for %scan3A_1409 = %scan3A_1195 to %scan3A_1197 step %scan3A_1198 iter_args(%scan3A_1410 = %broadcast_in_dim3A_1192, %scan3A_1411 = %broadcast_in_dim3A_1194) -> (vector<32xbf16>, vector<32xbf16>)  : i32 {
        %get3A = arith.constant 1 : i32
        %get3A_1412 = arith.constant 1 : i32
        %get3A_1413 = arith.constant 0 : i32
        %get3A_1414 = arith.index_cast %get3A : i32 to index
        %get3A_1415 = arith.index_cast %get3A_1412 : i32 to index
        %get3A_1416 = arith.index_cast %get3A_1413 : i32 to index
        %get3A_1417 = arith.index_cast %scan3A_1409 : i32 to index
        %get3A_1418 = arith.constant 0 : index
        %get3A_1419 = tpu.vector_load %arg6[%get3A_1414, %get3A_1415, %get3A_1416, %get3A_1417, %get3A_1418] {strides = array<i32>} : memref<2x4x2x100x32xf32, #tpu.memory_space<vmem>>, vector<16xf32>,
        %bitcast3A = vector.bitcast %get3A_1419 : vector<16xf32> to vector<32xbf16>
        %max3A = arith.maximumf %scan3A_1410, %bitcast3A : vector<32xbf16>
        %get3A_1420 = arith.constant 1 : i32
        %get3A_1421 = arith.constant 1 : i32
        %get3A_1422 = arith.constant 0 : i32
        %get3A_1423 = arith.index_cast %get3A_1420 : i32 to index
        %get3A_1424 = arith.index_cast %get3A_1421 : i32 to index
        %get3A_1425 = arith.index_cast %get3A_1422 : i32 to index
        %get3A_1426 = arith.index_cast %scan3A_1409 : i32 to index
        %get3A_1427 = arith.constant 16 : index
        %get3A_1428 = tpu.vector_load %arg6[%get3A_1423, %get3A_1424, %get3A_1425, %get3A_1426, %get3A_1427] {strides = array<i32>} : memref<2x4x2x100x32xf32, #tpu.memory_space<vmem>>, vector<16xf32>,
        %bitcast3A_1429 = vector.bitcast %get3A_1428 : vector<16xf32> to vector<32xbf16>
        %max3A_1430 = arith.maximumf %scan3A_1411, %bitcast3A_1429 : vector<32xbf16>
        %get3A_1431 = arith.constant 1 : i32
        %get3A_1432 = arith.constant 1 : i32
        %get3A_1433 = arith.constant 1 : i32
        %get3A_1434 = arith.index_cast %get3A_1431 : i32 to index
        %get3A_1435 = arith.index_cast %get3A_1432 : i32 to index
        %get3A_1436 = arith.index_cast %get3A_1433 : i32 to index
        %get3A_1437 = arith.index_cast %scan3A_1409 : i32 to index
        %get3A_1438 = arith.constant 0 : index
        %get3A_1439 = tpu.vector_load %arg6[%get3A_1434, %get3A_1435, %get3A_1436, %get3A_1437, %get3A_1438] {strides = array<i32>} : memref<2x4x2x100x32xf32, #tpu.memory_space<vmem>>, vector<16xf32>,
        %bitcast3A_1440 = vector.bitcast %get3A_1439 : vector<16xf32> to vector<32xbf16>
        %max3A_1441 = arith.maximumf %max3A, %bitcast3A_1440 : vector<32xbf16>
        %get3A_1442 = arith.constant 1 : i32
        %get3A_1443 = arith.constant 1 : i32
        %get3A_1444 = arith.constant 1 : i32
        %get3A_1445 = arith.index_cast %get3A_1442 : i32 to index
        %get3A_1446 = arith.index_cast %get3A_1443 : i32 to index
        %get3A_1447 = arith.index_cast %get3A_1444 : i32 to index
        %get3A_1448 = arith.index_cast %scan3A_1409 : i32 to index
        %get3A_1449 = arith.constant 16 : index
        %get3A_1450 = tpu.vector_load %arg6[%get3A_1445, %get3A_1446, %get3A_1447, %get3A_1448, %get3A_1449] {strides = array<i32>} : memref<2x4x2x100x32xf32, #tpu.memory_space<vmem>>, vector<16xf32>,
        %bitcast3A_1451 = vector.bitcast %get3A_1450 : vector<16xf32> to vector<32xbf16>
        %max3A_1452 = arith.maximumf %max3A_1430, %bitcast3A_1451 : vector<32xbf16>
        scf.yield %max3A_1441, %max3A_1452 : vector<32xbf16>, vector<32xbf16>
      }
      %scan3A_1200 = arith.constant 100 : i32
      %mul3A_1201 = arith.constant 4 : i32
      %mul3A_1202 = arith.muli %add3A_1022, %mul3A_1201 : i32
      %add3A_1203 = arith.constant 1 : i32
      %add3A_1204 = arith.addi %mul3A_1202, %add3A_1203 : i32
      %swap3A_1205 = arith.index_cast %add3A_1204 : i32 to index
      %swap3A_1206 = arith.constant 0 : index
      %swap3A_1207 = tpu.vector_load %arg7[%swap3A_1205, %swap3A_1206] {strides = array<i32>} : memref<128x64xbf16, #tpu.memory_space<vmem>>, vector<32xbf16>,
      tpu.vector_store %arg7[%swap3A_1205, %swap3A_1206], %scan3A_1199#0 {strides = array<i32>} : memref<128x64xbf16, #tpu.memory_space<vmem>>, vector<32xbf16>,
      %mul3A_1208 = arith.constant 4 : i32
      %mul3A_1209 = arith.muli %add3A_1022, %mul3A_1208 : i32
      %add3A_1210 = arith.constant 1 : i32
      %add3A_1211 = arith.addi %mul3A_1209, %add3A_1210 : i32
      %swap3A_1212 = arith.index_cast %add3A_1211 : i32 to index
      %swap3A_1213 = arith.constant 32 : index
      %swap3A_1214 = tpu.vector_load %arg7[%swap3A_1212, %swap3A_1213] {strides = array<i32>} : memref<128x64xbf16, #tpu.memory_space<vmem>>, vector<32xbf16>,
      tpu.vector_store %arg7[%swap3A_1212, %swap3A_1213], %scan3A_1199#1 {strides = array<i32>} : memref<128x64xbf16, #tpu.memory_space<vmem>>, vector<32xbf16>,
      %broadcast_in_dim3A_1215 = arith.constant 0xFF80 : bf16
      %broadcast_in_dim3A_1216 = vector.broadcast %broadcast_in_dim3A_1215 : bf16 to vector<32xbf16>
      %broadcast_in_dim3A_1217 = arith.constant 0xFF80 : bf16
      %broadcast_in_dim3A_1218 = vector.broadcast %broadcast_in_dim3A_1217 : bf16 to vector<32xbf16>
      %scan3A_1219 = arith.constant 0 : i32
      %scan3A_1220 = arith.constant 100 : i32
      %scan3A_1221 = arith.addi %scan3A_1219, %scan3A_1220 : i32
      %scan3A_1222 = arith.constant 1 : i32
      %scan3A_1223:2 = scf.for %scan3A_1409 = %scan3A_1219 to %scan3A_1221 step %scan3A_1222 iter_args(%scan3A_1410 = %broadcast_in_dim3A_1216, %scan3A_1411 = %broadcast_in_dim3A_1218) -> (vector<32xbf16>, vector<32xbf16>)  : i32 {
        %get3A = arith.constant 1 : i32
        %get3A_1412 = arith.constant 2 : i32
        %get3A_1413 = arith.constant 0 : i32
        %get3A_1414 = arith.index_cast %get3A : i32 to index
        %get3A_1415 = arith.index_cast %get3A_1412 : i32 to index
        %get3A_1416 = arith.index_cast %get3A_1413 : i32 to index
        %get3A_1417 = arith.index_cast %scan3A_1409 : i32 to index
        %get3A_1418 = arith.constant 0 : index
        %get3A_1419 = tpu.vector_load %arg6[%get3A_1414, %get3A_1415, %get3A_1416, %get3A_1417, %get3A_1418] {strides = array<i32>} : memref<2x4x2x100x32xf32, #tpu.memory_space<vmem>>, vector<16xf32>,
        %bitcast3A = vector.bitcast %get3A_1419 : vector<16xf32> to vector<32xbf16>
        %max3A = arith.maximumf %scan3A_1410, %bitcast3A : vector<32xbf16>
        %get3A_1420 = arith.constant 1 : i32
        %get3A_1421 = arith.constant 2 : i32
        %get3A_1422 = arith.constant 0 : i32
        %get3A_1423 = arith.index_cast %get3A_1420 : i32 to index
        %get3A_1424 = arith.index_cast %get3A_1421 : i32 to index
        %get3A_1425 = arith.index_cast %get3A_1422 : i32 to index
        %get3A_1426 = arith.index_cast %scan3A_1409 : i32 to index
        %get3A_1427 = arith.constant 16 : index
        %get3A_1428 = tpu.vector_load %arg6[%get3A_1423, %get3A_1424, %get3A_1425, %get3A_1426, %get3A_1427] {strides = array<i32>} : memref<2x4x2x100x32xf32, #tpu.memory_space<vmem>>, vector<16xf32>,
        %bitcast3A_1429 = vector.bitcast %get3A_1428 : vector<16xf32> to vector<32xbf16>
        %max3A_1430 = arith.maximumf %scan3A_1411, %bitcast3A_1429 : vector<32xbf16>
        %get3A_1431 = arith.constant 1 : i32
        %get3A_1432 = arith.constant 2 : i32
        %get3A_1433 = arith.constant 1 : i32
        %get3A_1434 = arith.index_cast %get3A_1431 : i32 to index
        %get3A_1435 = arith.index_cast %get3A_1432 : i32 to index
        %get3A_1436 = arith.index_cast %get3A_1433 : i32 to index
        %get3A_1437 = arith.index_cast %scan3A_1409 : i32 to index
        %get3A_1438 = arith.constant 0 : index
        %get3A_1439 = tpu.vector_load %arg6[%get3A_1434, %get3A_1435, %get3A_1436, %get3A_1437, %get3A_1438] {strides = array<i32>} : memref<2x4x2x100x32xf32, #tpu.memory_space<vmem>>, vector<16xf32>,
        %bitcast3A_1440 = vector.bitcast %get3A_1439 : vector<16xf32> to vector<32xbf16>
        %max3A_1441 = arith.maximumf %max3A, %bitcast3A_1440 : vector<32xbf16>
        %get3A_1442 = arith.constant 1 : i32
        %get3A_1443 = arith.constant 2 : i32
        %get3A_1444 = arith.constant 1 : i32
        %get3A_1445 = arith.index_cast %get3A_1442 : i32 to index
        %get3A_1446 = arith.index_cast %get3A_1443 : i32 to index
        %get3A_1447 = arith.index_cast %get3A_1444 : i32 to index
        %get3A_1448 = arith.index_cast %scan3A_1409 : i32 to index
        %get3A_1449 = arith.constant 16 : index
        %get3A_1450 = tpu.vector_load %arg6[%get3A_1445, %get3A_1446, %get3A_1447, %get3A_1448, %get3A_1449] {strides = array<i32>} : memref<2x4x2x100x32xf32, #tpu.memory_space<vmem>>, vector<16xf32>,
        %bitcast3A_1451 = vector.bitcast %get3A_1450 : vector<16xf32> to vector<32xbf16>
        %max3A_1452 = arith.maximumf %max3A_1430, %bitcast3A_1451 : vector<32xbf16>
        scf.yield %max3A_1441, %max3A_1452 : vector<32xbf16>, vector<32xbf16>
      }
      %scan3A_1224 = arith.constant 100 : i32
      %mul3A_1225 = arith.constant 4 : i32
      %mul3A_1226 = arith.muli %add3A_1022, %mul3A_1225 : i32
      %add3A_1227 = arith.constant 2 : i32
      %add3A_1228 = arith.addi %mul3A_1226, %add3A_1227 : i32
      %swap3A_1229 = arith.index_cast %add3A_1228 : i32 to index
      %swap3A_1230 = arith.constant 0 : index
      %swap3A_1231 = tpu.vector_load %arg7[%swap3A_1229, %swap3A_1230] {strides = array<i32>} : memref<128x64xbf16, #tpu.memory_space<vmem>>, vector<32xbf16>,
      tpu.vector_store %arg7[%swap3A_1229, %swap3A_1230], %scan3A_1223#0 {strides = array<i32>} : memref<128x64xbf16, #tpu.memory_space<vmem>>, vector<32xbf16>,
      %mul3A_1232 = arith.constant 4 : i32
      %mul3A_1233 = arith.muli %add3A_1022, %mul3A_1232 : i32
      %add3A_1234 = arith.constant 2 : i32
      %add3A_1235 = arith.addi %mul3A_1233, %add3A_1234 : i32
      %swap3A_1236 = arith.index_cast %add3A_1235 : i32 to index
      %swap3A_1237 = arith.constant 32 : index
      %swap3A_1238 = tpu.vector_load %arg7[%swap3A_1236, %swap3A_1237] {strides = array<i32>} : memref<128x64xbf16, #tpu.memory_space<vmem>>, vector<32xbf16>,
      tpu.vector_store %arg7[%swap3A_1236, %swap3A_1237], %scan3A_1223#1 {strides = array<i32>} : memref<128x64xbf16, #tpu.memory_space<vmem>>, vector<32xbf16>,
      %broadcast_in_dim3A_1239 = arith.constant 0xFF80 : bf16
      %broadcast_in_dim3A_1240 = vector.broadcast %broadcast_in_dim3A_1239 : bf16 to vector<32xbf16>
      %broadcast_in_dim3A_1241 = arith.constant 0xFF80 : bf16
      %broadcast_in_dim3A_1242 = vector.broadcast %broadcast_in_dim3A_1241 : bf16 to vector<32xbf16>
      %scan3A_1243 = arith.constant 0 : i32
      %scan3A_1244 = arith.constant 100 : i32
      %scan3A_1245 = arith.addi %scan3A_1243, %scan3A_1244 : i32
      %scan3A_1246 = arith.constant 1 : i32
      %scan3A_1247:2 = scf.for %scan3A_1409 = %scan3A_1243 to %scan3A_1245 step %scan3A_1246 iter_args(%scan3A_1410 = %broadcast_in_dim3A_1240, %scan3A_1411 = %broadcast_in_dim3A_1242) -> (vector<32xbf16>, vector<32xbf16>)  : i32 {
        %get3A = arith.constant 1 : i32
        %get3A_1412 = arith.constant 3 : i32
        %get3A_1413 = arith.constant 0 : i32
        %get3A_1414 = arith.index_cast %get3A : i32 to index
        %get3A_1415 = arith.index_cast %get3A_1412 : i32 to index
        %get3A_1416 = arith.index_cast %get3A_1413 : i32 to index
        %get3A_1417 = arith.index_cast %scan3A_1409 : i32 to index
        %get3A_1418 = arith.constant 0 : index
        %get3A_1419 = tpu.vector_load %arg6[%get3A_1414, %get3A_1415, %get3A_1416, %get3A_1417, %get3A_1418] {strides = array<i32>} : memref<2x4x2x100x32xf32, #tpu.memory_space<vmem>>, vector<16xf32>,
        %bitcast3A = vector.bitcast %get3A_1419 : vector<16xf32> to vector<32xbf16>
        %max3A = arith.maximumf %scan3A_1410, %bitcast3A : vector<32xbf16>
        %get3A_1420 = arith.constant 1 : i32
        %get3A_1421 = arith.constant 3 : i32
        %get3A_1422 = arith.constant 0 : i32
        %get3A_1423 = arith.index_cast %get3A_1420 : i32 to index
        %get3A_1424 = arith.index_cast %get3A_1421 : i32 to index
        %get3A_1425 = arith.index_cast %get3A_1422 : i32 to index
        %get3A_1426 = arith.index_cast %scan3A_1409 : i32 to index
        %get3A_1427 = arith.constant 16 : index
        %get3A_1428 = tpu.vector_load %arg6[%get3A_1423, %get3A_1424, %get3A_1425, %get3A_1426, %get3A_1427] {strides = array<i32>} : memref<2x4x2x100x32xf32, #tpu.memory_space<vmem>>, vector<16xf32>,
        %bitcast3A_1429 = vector.bitcast %get3A_1428 : vector<16xf32> to vector<32xbf16>
        %max3A_1430 = arith.maximumf %scan3A_1411, %bitcast3A_1429 : vector<32xbf16>
        %get3A_1431 = arith.constant 1 : i32
        %get3A_1432 = arith.constant 3 : i32
        %get3A_1433 = arith.constant 1 : i32
        %get3A_1434 = arith.index_cast %get3A_1431 : i32 to index
        %get3A_1435 = arith.index_cast %get3A_1432 : i32 to index
        %get3A_1436 = arith.index_cast %get3A_1433 : i32 to index
        %get3A_1437 = arith.index_cast %scan3A_1409 : i32 to index
        %get3A_1438 = arith.constant 0 : index
        %get3A_1439 = tpu.vector_load %arg6[%get3A_1434, %get3A_1435, %get3A_1436, %get3A_1437, %get3A_1438] {strides = array<i32>} : memref<2x4x2x100x32xf32, #tpu.memory_space<vmem>>, vector<16xf32>,
        %bitcast3A_1440 = vector.bitcast %get3A_1439 : vector<16xf32> to vector<32xbf16>
        %max3A_1441 = arith.maximumf %max3A, %bitcast3A_1440 : vector<32xbf16>
        %get3A_1442 = arith.constant 1 : i32
        %get3A_1443 = arith.constant 3 : i32
        %get3A_1444 = arith.constant 1 : i32
        %get3A_1445 = arith.index_cast %get3A_1442 : i32 to index
        %get3A_1446 = arith.index_cast %get3A_1443 : i32 to index
        %get3A_1447 = arith.index_cast %get3A_1444 : i32 to index
        %get3A_1448 = arith.index_cast %scan3A_1409 : i32 to index
        %get3A_1449 = arith.constant 16 : index
        %get3A_1450 = tpu.vector_load %arg6[%get3A_1445, %get3A_1446, %get3A_1447, %get3A_1448, %get3A_1449] {strides = array<i32>} : memref<2x4x2x100x32xf32, #tpu.memory_space<vmem>>, vector<16xf32>,
        %bitcast3A_1451 = vector.bitcast %get3A_1450 : vector<16xf32> to vector<32xbf16>
        %max3A_1452 = arith.maximumf %max3A_1430, %bitcast3A_1451 : vector<32xbf16>
        scf.yield %max3A_1441, %max3A_1452 : vector<32xbf16>, vector<32xbf16>
      }
      %scan3A_1248 = arith.constant 100 : i32
      %mul3A_1249 = arith.constant 4 : i32
      %mul3A_1250 = arith.muli %add3A_1022, %mul3A_1249 : i32
      %add3A_1251 = arith.constant 3 : i32
      %add3A_1252 = arith.addi %mul3A_1250, %add3A_1251 : i32
      %swap3A_1253 = arith.index_cast %add3A_1252 : i32 to index
      %swap3A_1254 = arith.constant 0 : index
      %swap3A_1255 = tpu.vector_load %arg7[%swap3A_1253, %swap3A_1254] {strides = array<i32>} : memref<128x64xbf16, #tpu.memory_space<vmem>>, vector<32xbf16>,
      tpu.vector_store %arg7[%swap3A_1253, %swap3A_1254], %scan3A_1247#0 {strides = array<i32>} : memref<128x64xbf16, #tpu.memory_space<vmem>>, vector<32xbf16>,
      %mul3A_1256 = arith.constant 4 : i32
      %mul3A_1257 = arith.muli %add3A_1022, %mul3A_1256 : i32
      %add3A_1258 = arith.constant 3 : i32
      %add3A_1259 = arith.addi %mul3A_1257, %add3A_1258 : i32
      %swap3A_1260 = arith.index_cast %add3A_1259 : i32 to index
      %swap3A_1261 = arith.constant 32 : index
      %swap3A_1262 = tpu.vector_load %arg7[%swap3A_1260, %swap3A_1261] {strides = array<i32>} : memref<128x64xbf16, #tpu.memory_space<vmem>>, vector<32xbf16>,
      tpu.vector_store %arg7[%swap3A_1260, %swap3A_1261], %scan3A_1247#1 {strides = array<i32>} : memref<128x64xbf16, #tpu.memory_space<vmem>>, vector<32xbf16>,
      %add3A_1263 = arith.constant 2 : i32
      %add3A_1264 = arith.addi %add3A_1022, %add3A_1263 : i32
      %mul3A_1265 = arith.constant 4 : i32
      %mul3A_1266 = arith.muli %add3A_1264, %mul3A_1265 : i32
      %add3A_1267 = arith.constant 0 : i32
      %add3A_1268 = arith.addi %mul3A_1266, %add3A_1267 : i32
      %dma_start3A_1269 = arith.constant 0 : i32
      %dma_start3A_1270 = arith.constant 1 : i32
      %dma_start3A_1271 = arith.constant 0 : i32
      %dma_start3A_1272 = arith.constant 0 : i32
      %dma_start3A_1273 = arith.constant 0 : i32
      %dma_start3A_1274 = arith.constant 0 : i32
      %dma_start3A_1275 = tpu.memref_slice %arg6[%dma_start3A_1270, %dma_start3A_1271, %dma_start3A_1272, %dma_start3A_1273, %dma_start3A_1274] : memref<2x4x2x100x32xf32, #tpu.memory_space<vmem>> -> memref<1x1x1x100x32xf32, #tpu.memory_space<vmem>>
      %dma_start3A_1276 = tpu.memref_squeeze %dma_start3A_1275 : memref<1x1x1x100x32xf32, #tpu.memory_space<vmem>> -> memref<100x32xf32, #tpu.memory_space<vmem>>
      %dma_start3A_1277 = arith.constant 0 : i32
      %dma_start3A_1278 = tpu.memref_slice %arg5[%add3A_1268, %dma_start3A_1269, %dma_start3A_1277] : memref<128x2x100xi32, #tpu.memory_space<vmem>> -> memref<1x1x100xi32, #tpu.memory_space<vmem>>
      %dma_start3A_1279 = tpu.memref_squeeze %dma_start3A_1278 : memref<1x1x100xi32, #tpu.memory_space<vmem>> -> memref<100xi32, #tpu.memory_space<vmem>>
      %dma_start3A_1280 = arith.constant 0 : i32
      %dma_start3A_1281 = arith.constant 0 : i32
      %dma_start3A_1282 = tpu.memref_slice %arg3[%dma_start3A_1280, %dma_start3A_1281] : memref<1024000x32xf32, #tpu.memory_space<hbm>> -> memref<1024000x32xf32, #tpu.memory_space<hbm>>
      tpu.enqueue_indirect_dma source(%dma_start3A_1282 : memref<1024000x32xf32, #tpu.memory_space<hbm>>) target(%dma_start3A_1276 : memref<100x32xf32, #tpu.memory_space<vmem>>) offsets(%dma_start3A_1279 : memref<100xi32, #tpu.memory_space<vmem>>) semaphore(%arg9 : memref<!tpu.dma_semaphore, #tpu.memory_space<semaphore_mem>>)
      %mul3A_1283 = arith.constant 4 : i32
      %mul3A_1284 = arith.muli %add3A_1264, %mul3A_1283 : i32
      %add3A_1285 = arith.constant 0 : i32
      %add3A_1286 = arith.addi %mul3A_1284, %add3A_1285 : i32
      %dma_start3A_1287 = arith.constant 1 : i32
      %dma_start3A_1288 = arith.constant 1 : i32
      %dma_start3A_1289 = arith.constant 0 : i32
      %dma_start3A_1290 = arith.constant 1 : i32
      %dma_start3A_1291 = arith.constant 0 : i32
      %dma_start3A_1292 = arith.constant 0 : i32
      %dma_start3A_1293 = tpu.memref_slice %arg6[%dma_start3A_1288, %dma_start3A_1289, %dma_start3A_1290, %dma_start3A_1291, %dma_start3A_1292] : memref<2x4x2x100x32xf32, #tpu.memory_space<vmem>> -> memref<1x1x1x100x32xf32, #tpu.memory_space<vmem>>
      %dma_start3A_1294 = tpu.memref_squeeze %dma_start3A_1293 : memref<1x1x1x100x32xf32, #tpu.memory_space<vmem>> -> memref<100x32xf32, #tpu.memory_space<vmem>>
      %dma_start3A_1295 = arith.constant 0 : i32
      %dma_start3A_1296 = tpu.memref_slice %arg5[%add3A_1286, %dma_start3A_1287, %dma_start3A_1295] : memref<128x2x100xi32, #tpu.memory_space<vmem>> -> memref<1x1x100xi32, #tpu.memory_space<vmem>>
      %dma_start3A_1297 = tpu.memref_squeeze %dma_start3A_1296 : memref<1x1x100xi32, #tpu.memory_space<vmem>> -> memref<100xi32, #tpu.memory_space<vmem>>
      %dma_start3A_1298 = arith.constant 0 : i32
      %dma_start3A_1299 = arith.constant 0 : i32
      %dma_start3A_1300 = tpu.memref_slice %arg3[%dma_start3A_1298, %dma_start3A_1299] : memref<1024000x32xf32, #tpu.memory_space<hbm>> -> memref<1024000x32xf32, #tpu.memory_space<hbm>>
      tpu.enqueue_indirect_dma source(%dma_start3A_1300 : memref<1024000x32xf32, #tpu.memory_space<hbm>>) target(%dma_start3A_1294 : memref<100x32xf32, #tpu.memory_space<vmem>>) offsets(%dma_start3A_1297 : memref<100xi32, #tpu.memory_space<vmem>>) semaphore(%arg9 : memref<!tpu.dma_semaphore, #tpu.memory_space<semaphore_mem>>)
      %mul3A_1301 = arith.constant 4 : i32
      %mul3A_1302 = arith.muli %add3A_1264, %mul3A_1301 : i32
      %add3A_1303 = arith.constant 1 : i32
      %add3A_1304 = arith.addi %mul3A_1302, %add3A_1303 : i32
      %dma_start3A_1305 = arith.constant 0 : i32
      %dma_start3A_1306 = arith.constant 1 : i32
      %dma_start3A_1307 = arith.constant 1 : i32
      %dma_start3A_1308 = arith.constant 0 : i32
      %dma_start3A_1309 = arith.constant 0 : i32
      %dma_start3A_1310 = arith.constant 0 : i32
      %dma_start3A_1311 = tpu.memref_slice %arg6[%dma_start3A_1306, %dma_start3A_1307, %dma_start3A_1308, %dma_start3A_1309, %dma_start3A_1310] : memref<2x4x2x100x32xf32, #tpu.memory_space<vmem>> -> memref<1x1x1x100x32xf32, #tpu.memory_space<vmem>>
      %dma_start3A_1312 = tpu.memref_squeeze %dma_start3A_1311 : memref<1x1x1x100x32xf32, #tpu.memory_space<vmem>> -> memref<100x32xf32, #tpu.memory_space<vmem>>
      %dma_start3A_1313 = arith.constant 0 : i32
      %dma_start3A_1314 = tpu.memref_slice %arg5[%add3A_1304, %dma_start3A_1305, %dma_start3A_1313] : memref<128x2x100xi32, #tpu.memory_space<vmem>> -> memref<1x1x100xi32, #tpu.memory_space<vmem>>
      %dma_start3A_1315 = tpu.memref_squeeze %dma_start3A_1314 : memref<1x1x100xi32, #tpu.memory_space<vmem>> -> memref<100xi32, #tpu.memory_space<vmem>>
      %dma_start3A_1316 = arith.constant 0 : i32
      %dma_start3A_1317 = arith.constant 0 : i32
      %dma_start3A_1318 = tpu.memref_slice %arg3[%dma_start3A_1316, %dma_start3A_1317] : memref<1024000x32xf32, #tpu.memory_space<hbm>> -> memref<1024000x32xf32, #tpu.memory_space<hbm>>
      tpu.enqueue_indirect_dma source(%dma_start3A_1318 : memref<1024000x32xf32, #tpu.memory_space<hbm>>) target(%dma_start3A_1312 : memref<100x32xf32, #tpu.memory_space<vmem>>) offsets(%dma_start3A_1315 : memref<100xi32, #tpu.memory_space<vmem>>) semaphore(%arg9 : memref<!tpu.dma_semaphore, #tpu.memory_space<semaphore_mem>>)
      %mul3A_1319 = arith.constant 4 : i32
      %mul3A_1320 = arith.muli %add3A_1264, %mul3A_1319 : i32
      %add3A_1321 = arith.constant 1 : i32
      %add3A_1322 = arith.addi %mul3A_1320, %add3A_1321 : i32
      %dma_start3A_1323 = arith.constant 1 : i32
      %dma_start3A_1324 = arith.constant 1 : i32
      %dma_start3A_1325 = arith.constant 1 : i32
      %dma_start3A_1326 = arith.constant 1 : i32
      %dma_start3A_1327 = arith.constant 0 : i32
      %dma_start3A_1328 = arith.constant 0 : i32
      %dma_start3A_1329 = tpu.memref_slice %arg6[%dma_start3A_1324, %dma_start3A_1325, %dma_start3A_1326, %dma_start3A_1327, %dma_start3A_1328] : memref<2x4x2x100x32xf32, #tpu.memory_space<vmem>> -> memref<1x1x1x100x32xf32, #tpu.memory_space<vmem>>
      %dma_start3A_1330 = tpu.memref_squeeze %dma_start3A_1329 : memref<1x1x1x100x32xf32, #tpu.memory_space<vmem>> -> memref<100x32xf32, #tpu.memory_space<vmem>>
      %dma_start3A_1331 = arith.constant 0 : i32
      %dma_start3A_1332 = tpu.memref_slice %arg5[%add3A_1322, %dma_start3A_1323, %dma_start3A_1331] : memref<128x2x100xi32, #tpu.memory_space<vmem>> -> memref<1x1x100xi32, #tpu.memory_space<vmem>>
      %dma_start3A_1333 = tpu.memref_squeeze %dma_start3A_1332 : memref<1x1x100xi32, #tpu.memory_space<vmem>> -> memref<100xi32, #tpu.memory_space<vmem>>
      %dma_start3A_1334 = arith.constant 0 : i32
      %dma_start3A_1335 = arith.constant 0 : i32
      %dma_start3A_1336 = tpu.memref_slice %arg3[%dma_start3A_1334, %dma_start3A_1335] : memref<1024000x32xf32, #tpu.memory_space<hbm>> -> memref<1024000x32xf32, #tpu.memory_space<hbm>>
      tpu.enqueue_indirect_dma source(%dma_start3A_1336 : memref<1024000x32xf32, #tpu.memory_space<hbm>>) target(%dma_start3A_1330 : memref<100x32xf32, #tpu.memory_space<vmem>>) offsets(%dma_start3A_1333 : memref<100xi32, #tpu.memory_space<vmem>>) semaphore(%arg9 : memref<!tpu.dma_semaphore, #tpu.memory_space<semaphore_mem>>)
      %mul3A_1337 = arith.constant 4 : i32
      %mul3A_1338 = arith.muli %add3A_1264, %mul3A_1337 : i32
      %add3A_1339 = arith.constant 2 : i32
      %add3A_1340 = arith.addi %mul3A_1338, %add3A_1339 : i32
      %dma_start3A_1341 = arith.constant 0 : i32
      %dma_start3A_1342 = arith.constant 1 : i32
      %dma_start3A_1343 = arith.constant 2 : i32
      %dma_start3A_1344 = arith.constant 0 : i32
      %dma_start3A_1345 = arith.constant 0 : i32
      %dma_start3A_1346 = arith.constant 0 : i32
      %dma_start3A_1347 = tpu.memref_slice %arg6[%dma_start3A_1342, %dma_start3A_1343, %dma_start3A_1344, %dma_start3A_1345, %dma_start3A_1346] : memref<2x4x2x100x32xf32, #tpu.memory_space<vmem>> -> memref<1x1x1x100x32xf32, #tpu.memory_space<vmem>>
      %dma_start3A_1348 = tpu.memref_squeeze %dma_start3A_1347 : memref<1x1x1x100x32xf32, #tpu.memory_space<vmem>> -> memref<100x32xf32, #tpu.memory_space<vmem>>
      %dma_start3A_1349 = arith.constant 0 : i32
      %dma_start3A_1350 = tpu.memref_slice %arg5[%add3A_1340, %dma_start3A_1341, %dma_start3A_1349] : memref<128x2x100xi32, #tpu.memory_space<vmem>> -> memref<1x1x100xi32, #tpu.memory_space<vmem>>
      %dma_start3A_1351 = tpu.memref_squeeze %dma_start3A_1350 : memref<1x1x100xi32, #tpu.memory_space<vmem>> -> memref<100xi32, #tpu.memory_space<vmem>>
      %dma_start3A_1352 = arith.constant 0 : i32
      %dma_start3A_1353 = arith.constant 0 : i32
      %dma_start3A_1354 = tpu.memref_slice %arg3[%dma_start3A_1352, %dma_start3A_1353] : memref<1024000x32xf32, #tpu.memory_space<hbm>> -> memref<1024000x32xf32, #tpu.memory_space<hbm>>
      tpu.enqueue_indirect_dma source(%dma_start3A_1354 : memref<1024000x32xf32, #tpu.memory_space<hbm>>) target(%dma_start3A_1348 : memref<100x32xf32, #tpu.memory_space<vmem>>) offsets(%dma_start3A_1351 : memref<100xi32, #tpu.memory_space<vmem>>) semaphore(%arg9 : memref<!tpu.dma_semaphore, #tpu.memory_space<semaphore_mem>>)
      %mul3A_1355 = arith.constant 4 : i32
      %mul3A_1356 = arith.muli %add3A_1264, %mul3A_1355 : i32
      %add3A_1357 = arith.constant 2 : i32
      %add3A_1358 = arith.addi %mul3A_1356, %add3A_1357 : i32
      %dma_start3A_1359 = arith.constant 1 : i32
      %dma_start3A_1360 = arith.constant 1 : i32
      %dma_start3A_1361 = arith.constant 2 : i32
      %dma_start3A_1362 = arith.constant 1 : i32
      %dma_start3A_1363 = arith.constant 0 : i32
      %dma_start3A_1364 = arith.constant 0 : i32
      %dma_start3A_1365 = tpu.memref_slice %arg6[%dma_start3A_1360, %dma_start3A_1361, %dma_start3A_1362, %dma_start3A_1363, %dma_start3A_1364] : memref<2x4x2x100x32xf32, #tpu.memory_space<vmem>> -> memref<1x1x1x100x32xf32, #tpu.memory_space<vmem>>
      %dma_start3A_1366 = tpu.memref_squeeze %dma_start3A_1365 : memref<1x1x1x100x32xf32, #tpu.memory_space<vmem>> -> memref<100x32xf32, #tpu.memory_space<vmem>>
      %dma_start3A_1367 = arith.constant 0 : i32
      %dma_start3A_1368 = tpu.memref_slice %arg5[%add3A_1358, %dma_start3A_1359, %dma_start3A_1367] : memref<128x2x100xi32, #tpu.memory_space<vmem>> -> memref<1x1x100xi32, #tpu.memory_space<vmem>>
      %dma_start3A_1369 = tpu.memref_squeeze %dma_start3A_1368 : memref<1x1x100xi32, #tpu.memory_space<vmem>> -> memref<100xi32, #tpu.memory_space<vmem>>
      %dma_start3A_1370 = arith.constant 0 : i32
      %dma_start3A_1371 = arith.constant 0 : i32
      %dma_start3A_1372 = tpu.memref_slice %arg3[%dma_start3A_1370, %dma_start3A_1371] : memref<1024000x32xf32, #tpu.memory_space<hbm>> -> memref<1024000x32xf32, #tpu.memory_space<hbm>>
      tpu.enqueue_indirect_dma source(%dma_start3A_1372 : memref<1024000x32xf32, #tpu.memory_space<hbm>>) target(%dma_start3A_1366 : memref<100x32xf32, #tpu.memory_space<vmem>>) offsets(%dma_start3A_1369 : memref<100xi32, #tpu.memory_space<vmem>>) semaphore(%arg9 : memref<!tpu.dma_semaphore, #tpu.memory_space<semaphore_mem>>)
      %mul3A_1373 = arith.constant 4 : i32
      %mul3A_1374 = arith.muli %add3A_1264, %mul3A_1373 : i32
      %add3A_1375 = arith.constant 3 : i32
      %add3A_1376 = arith.addi %mul3A_1374, %add3A_1375 : i32
      %dma_start3A_1377 = arith.constant 0 : i32
      %dma_start3A_1378 = arith.constant 1 : i32
      %dma_start3A_1379 = arith.constant 3 : i32
      %dma_start3A_1380 = arith.constant 0 : i32
      %dma_start3A_1381 = arith.constant 0 : i32
      %dma_start3A_1382 = arith.constant 0 : i32
      %dma_start3A_1383 = tpu.memref_slice %arg6[%dma_start3A_1378, %dma_start3A_1379, %dma_start3A_1380, %dma_start3A_1381, %dma_start3A_1382] : memref<2x4x2x100x32xf32, #tpu.memory_space<vmem>> -> memref<1x1x1x100x32xf32, #tpu.memory_space<vmem>>
      %dma_start3A_1384 = tpu.memref_squeeze %dma_start3A_1383 : memref<1x1x1x100x32xf32, #tpu.memory_space<vmem>> -> memref<100x32xf32, #tpu.memory_space<vmem>>
      %dma_start3A_1385 = arith.constant 0 : i32
      %dma_start3A_1386 = tpu.memref_slice %arg5[%add3A_1376, %dma_start3A_1377, %dma_start3A_1385] : memref<128x2x100xi32, #tpu.memory_space<vmem>> -> memref<1x1x100xi32, #tpu.memory_space<vmem>>
      %dma_start3A_1387 = tpu.memref_squeeze %dma_start3A_1386 : memref<1x1x100xi32, #tpu.memory_space<vmem>> -> memref<100xi32, #tpu.memory_space<vmem>>
      %dma_start3A_1388 = arith.constant 0 : i32
      %dma_start3A_1389 = arith.constant 0 : i32
      %dma_start3A_1390 = tpu.memref_slice %arg3[%dma_start3A_1388, %dma_start3A_1389] : memref<1024000x32xf32, #tpu.memory_space<hbm>> -> memref<1024000x32xf32, #tpu.memory_space<hbm>>
      tpu.enqueue_indirect_dma source(%dma_start3A_1390 : memref<1024000x32xf32, #tpu.memory_space<hbm>>) target(%dma_start3A_1384 : memref<100x32xf32, #tpu.memory_space<vmem>>) offsets(%dma_start3A_1387 : memref<100xi32, #tpu.memory_space<vmem>>) semaphore(%arg9 : memref<!tpu.dma_semaphore, #tpu.memory_space<semaphore_mem>>)
      %mul3A_1391 = arith.constant 4 : i32
      %mul3A_1392 = arith.muli %add3A_1264, %mul3A_1391 : i32
      %add3A_1393 = arith.constant 3 : i32
      %add3A_1394 = arith.addi %mul3A_1392, %add3A_1393 : i32
      %dma_start3A_1395 = arith.constant 1 : i32
      %dma_start3A_1396 = arith.constant 1 : i32
      %dma_start3A_1397 = arith.constant 3 : i32
      %dma_start3A_1398 = arith.constant 1 : i32
      %dma_start3A_1399 = arith.constant 0 : i32
      %dma_start3A_1400 = arith.constant 0 : i32
      %dma_start3A_1401 = tpu.memref_slice %arg6[%dma_start3A_1396, %dma_start3A_1397, %dma_start3A_1398, %dma_start3A_1399, %dma_start3A_1400] : memref<2x4x2x100x32xf32, #tpu.memory_space<vmem>> -> memref<1x1x1x100x32xf32, #tpu.memory_space<vmem>>
      %dma_start3A_1402 = tpu.memref_squeeze %dma_start3A_1401 : memref<1x1x1x100x32xf32, #tpu.memory_space<vmem>> -> memref<100x32xf32, #tpu.memory_space<vmem>>
      %dma_start3A_1403 = arith.constant 0 : i32
      %dma_start3A_1404 = tpu.memref_slice %arg5[%add3A_1394, %dma_start3A_1395, %dma_start3A_1403] : memref<128x2x100xi32, #tpu.memory_space<vmem>> -> memref<1x1x100xi32, #tpu.memory_space<vmem>>
      %dma_start3A_1405 = tpu.memref_squeeze %dma_start3A_1404 : memref<1x1x100xi32, #tpu.memory_space<vmem>> -> memref<100xi32, #tpu.memory_space<vmem>>
      %dma_start3A_1406 = arith.constant 0 : i32
      %dma_start3A_1407 = arith.constant 0 : i32
      %dma_start3A_1408 = tpu.memref_slice %arg3[%dma_start3A_1406, %dma_start3A_1407] : memref<1024000x32xf32, #tpu.memory_space<hbm>> -> memref<1024000x32xf32, #tpu.memory_space<hbm>>
      tpu.enqueue_indirect_dma source(%dma_start3A_1408 : memref<1024000x32xf32, #tpu.memory_space<hbm>>) target(%dma_start3A_1402 : memref<100x32xf32, #tpu.memory_space<vmem>>) offsets(%dma_start3A_1405 : memref<100xi32, #tpu.memory_space<vmem>>) semaphore(%arg9 : memref<!tpu.dma_semaphore, #tpu.memory_space<semaphore_mem>>)
    }
    %scan3A_246 = arith.constant 15 : i32
    %dma_wait3A = arith.constant 120 : i32
    %dma_wait3A_247 = arith.constant 0 : i32
    %dma_wait3A_248 = arith.constant 0 : i32
    %dma_wait3A_249 = arith.constant 0 : i32
    %dma_wait3A_250 = arith.constant 0 : i32
    %dma_wait3A_251 = arith.constant 0 : i32
    %dma_wait3A_252 = arith.constant 0 : i32
    %dma_wait3A_253 = tpu.memref_slice %arg6[%dma_wait3A_248, %dma_wait3A_249, %dma_wait3A_250, %dma_wait3A_251, %dma_wait3A_252] : memref<2x4x2x100x32xf32, #tpu.memory_space<vmem>> -> memref<1x1x1x100x32xf32, #tpu.memory_space<vmem>>
    %dma_wait3A_254 = tpu.memref_squeeze %dma_wait3A_253 : memref<1x1x1x100x32xf32, #tpu.memory_space<vmem>> -> memref<100x32xf32, #tpu.memory_space<vmem>>
    %dma_wait3A_255 = arith.constant 0 : i32
    %dma_wait3A_256 = tpu.memref_slice %arg5[%dma_wait3A, %dma_wait3A_247, %dma_wait3A_255] : memref<128x2x100xi32, #tpu.memory_space<vmem>> -> memref<1x1x100xi32, #tpu.memory_space<vmem>>
    %dma_wait3A_257 = tpu.memref_squeeze %dma_wait3A_256 : memref<1x1x100xi32, #tpu.memory_space<vmem>> -> memref<100xi32, #tpu.memory_space<vmem>>
    %dma_wait3A_258 = arith.constant 0 : i32
    %dma_wait3A_259 = arith.constant 0 : i32
    %dma_wait3A_260 = tpu.memref_slice %arg3[%dma_wait3A_258, %dma_wait3A_259] : memref<1024000x32xf32, #tpu.memory_space<hbm>> -> memref<1024000x32xf32, #tpu.memory_space<hbm>>
    tpu.wait_indirect_dma semaphore(%arg8 : memref<!tpu.dma_semaphore, #tpu.memory_space<semaphore_mem>>) src(%dma_wait3A_260 : memref<1024000x32xf32, #tpu.memory_space<hbm>>) dst(%dma_wait3A_254 : memref<100x32xf32, #tpu.memory_space<vmem>>)
    %dma_wait3A_261 = arith.constant 120 : i32
    %dma_wait3A_262 = arith.constant 1 : i32
    %dma_wait3A_263 = arith.constant 0 : i32
    %dma_wait3A_264 = arith.constant 0 : i32
    %dma_wait3A_265 = arith.constant 1 : i32
    %dma_wait3A_266 = arith.constant 0 : i32
    %dma_wait3A_267 = arith.constant 0 : i32
    %dma_wait3A_268 = tpu.memref_slice %arg6[%dma_wait3A_263, %dma_wait3A_264, %dma_wait3A_265, %dma_wait3A_266, %dma_wait3A_267] : memref<2x4x2x100x32xf32, #tpu.memory_space<vmem>> -> memref<1x1x1x100x32xf32, #tpu.memory_space<vmem>>
    %dma_wait3A_269 = tpu.memref_squeeze %dma_wait3A_268 : memref<1x1x1x100x32xf32, #tpu.memory_space<vmem>> -> memref<100x32xf32, #tpu.memory_space<vmem>>
    %dma_wait3A_270 = arith.constant 0 : i32
    %dma_wait3A_271 = tpu.memref_slice %arg5[%dma_wait3A_261, %dma_wait3A_262, %dma_wait3A_270] : memref<128x2x100xi32, #tpu.memory_space<vmem>> -> memref<1x1x100xi32, #tpu.memory_space<vmem>>
    %dma_wait3A_272 = tpu.memref_squeeze %dma_wait3A_271 : memref<1x1x100xi32, #tpu.memory_space<vmem>> -> memref<100xi32, #tpu.memory_space<vmem>>
    %dma_wait3A_273 = arith.constant 0 : i32
    %dma_wait3A_274 = arith.constant 0 : i32
    %dma_wait3A_275 = tpu.memref_slice %arg3[%dma_wait3A_273, %dma_wait3A_274] : memref<1024000x32xf32, #tpu.memory_space<hbm>> -> memref<1024000x32xf32, #tpu.memory_space<hbm>>
    tpu.wait_indirect_dma semaphore(%arg8 : memref<!tpu.dma_semaphore, #tpu.memory_space<semaphore_mem>>) src(%dma_wait3A_275 : memref<1024000x32xf32, #tpu.memory_space<hbm>>) dst(%dma_wait3A_269 : memref<100x32xf32, #tpu.memory_space<vmem>>)
    %dma_wait3A_276 = arith.constant 121 : i32
    %dma_wait3A_277 = arith.constant 0 : i32
    %dma_wait3A_278 = arith.constant 0 : i32
    %dma_wait3A_279 = arith.constant 1 : i32
    %dma_wait3A_280 = arith.constant 0 : i32
    %dma_wait3A_281 = arith.constant 0 : i32
    %dma_wait3A_282 = arith.constant 0 : i32
    %dma_wait3A_283 = tpu.memref_slice %arg6[%dma_wait3A_278, %dma_wait3A_279, %dma_wait3A_280, %dma_wait3A_281, %dma_wait3A_282] : memref<2x4x2x100x32xf32, #tpu.memory_space<vmem>> -> memref<1x1x1x100x32xf32, #tpu.memory_space<vmem>>
    %dma_wait3A_284 = tpu.memref_squeeze %dma_wait3A_283 : memref<1x1x1x100x32xf32, #tpu.memory_space<vmem>> -> memref<100x32xf32, #tpu.memory_space<vmem>>
    %dma_wait3A_285 = arith.constant 0 : i32
    %dma_wait3A_286 = tpu.memref_slice %arg5[%dma_wait3A_276, %dma_wait3A_277, %dma_wait3A_285] : memref<128x2x100xi32, #tpu.memory_space<vmem>> -> memref<1x1x100xi32, #tpu.memory_space<vmem>>
    %dma_wait3A_287 = tpu.memref_squeeze %dma_wait3A_286 : memref<1x1x100xi32, #tpu.memory_space<vmem>> -> memref<100xi32, #tpu.memory_space<vmem>>
    %dma_wait3A_288 = arith.constant 0 : i32
    %dma_wait3A_289 = arith.constant 0 : i32
    %dma_wait3A_290 = tpu.memref_slice %arg3[%dma_wait3A_288, %dma_wait3A_289] : memref<1024000x32xf32, #tpu.memory_space<hbm>> -> memref<1024000x32xf32, #tpu.memory_space<hbm>>
    tpu.wait_indirect_dma semaphore(%arg8 : memref<!tpu.dma_semaphore, #tpu.memory_space<semaphore_mem>>) src(%dma_wait3A_290 : memref<1024000x32xf32, #tpu.memory_space<hbm>>) dst(%dma_wait3A_284 : memref<100x32xf32, #tpu.memory_space<vmem>>)
    %dma_wait3A_291 = arith.constant 121 : i32
    %dma_wait3A_292 = arith.constant 1 : i32
    %dma_wait3A_293 = arith.constant 0 : i32
    %dma_wait3A_294 = arith.constant 1 : i32
    %dma_wait3A_295 = arith.constant 1 : i32
    %dma_wait3A_296 = arith.constant 0 : i32
    %dma_wait3A_297 = arith.constant 0 : i32
    %dma_wait3A_298 = tpu.memref_slice %arg6[%dma_wait3A_293, %dma_wait3A_294, %dma_wait3A_295, %dma_wait3A_296, %dma_wait3A_297] : memref<2x4x2x100x32xf32, #tpu.memory_space<vmem>> -> memref<1x1x1x100x32xf32, #tpu.memory_space<vmem>>
    %dma_wait3A_299 = tpu.memref_squeeze %dma_wait3A_298 : memref<1x1x1x100x32xf32, #tpu.memory_space<vmem>> -> memref<100x32xf32, #tpu.memory_space<vmem>>
    %dma_wait3A_300 = arith.constant 0 : i32
    %dma_wait3A_301 = tpu.memref_slice %arg5[%dma_wait3A_291, %dma_wait3A_292, %dma_wait3A_300] : memref<128x2x100xi32, #tpu.memory_space<vmem>> -> memref<1x1x100xi32, #tpu.memory_space<vmem>>
    %dma_wait3A_302 = tpu.memref_squeeze %dma_wait3A_301 : memref<1x1x100xi32, #tpu.memory_space<vmem>> -> memref<100xi32, #tpu.memory_space<vmem>>
    %dma_wait3A_303 = arith.constant 0 : i32
    %dma_wait3A_304 = arith.constant 0 : i32
    %dma_wait3A_305 = tpu.memref_slice %arg3[%dma_wait3A_303, %dma_wait3A_304] : memref<1024000x32xf32, #tpu.memory_space<hbm>> -> memref<1024000x32xf32, #tpu.memory_space<hbm>>
    tpu.wait_indirect_dma semaphore(%arg8 : memref<!tpu.dma_semaphore, #tpu.memory_space<semaphore_mem>>) src(%dma_wait3A_305 : memref<1024000x32xf32, #tpu.memory_space<hbm>>) dst(%dma_wait3A_299 : memref<100x32xf32, #tpu.memory_space<vmem>>)
    %dma_wait3A_306 = arith.constant 122 : i32
    %dma_wait3A_307 = arith.constant 0 : i32
    %dma_wait3A_308 = arith.constant 0 : i32
    %dma_wait3A_309 = arith.constant 2 : i32
    %dma_wait3A_310 = arith.constant 0 : i32
    %dma_wait3A_311 = arith.constant 0 : i32
    %dma_wait3A_312 = arith.constant 0 : i32
    %dma_wait3A_313 = tpu.memref_slice %arg6[%dma_wait3A_308, %dma_wait3A_309, %dma_wait3A_310, %dma_wait3A_311, %dma_wait3A_312] : memref<2x4x2x100x32xf32, #tpu.memory_space<vmem>> -> memref<1x1x1x100x32xf32, #tpu.memory_space<vmem>>
    %dma_wait3A_314 = tpu.memref_squeeze %dma_wait3A_313 : memref<1x1x1x100x32xf32, #tpu.memory_space<vmem>> -> memref<100x32xf32, #tpu.memory_space<vmem>>
    %dma_wait3A_315 = arith.constant 0 : i32
    %dma_wait3A_316 = tpu.memref_slice %arg5[%dma_wait3A_306, %dma_wait3A_307, %dma_wait3A_315] : memref<128x2x100xi32, #tpu.memory_space<vmem>> -> memref<1x1x100xi32, #tpu.memory_space<vmem>>
    %dma_wait3A_317 = tpu.memref_squeeze %dma_wait3A_316 : memref<1x1x100xi32, #tpu.memory_space<vmem>> -> memref<100xi32, #tpu.memory_space<vmem>>
    %dma_wait3A_318 = arith.constant 0 : i32
    %dma_wait3A_319 = arith.constant 0 : i32
    %dma_wait3A_320 = tpu.memref_slice %arg3[%dma_wait3A_318, %dma_wait3A_319] : memref<1024000x32xf32, #tpu.memory_space<hbm>> -> memref<1024000x32xf32, #tpu.memory_space<hbm>>
    tpu.wait_indirect_dma semaphore(%arg8 : memref<!tpu.dma_semaphore, #tpu.memory_space<semaphore_mem>>) src(%dma_wait3A_320 : memref<1024000x32xf32, #tpu.memory_space<hbm>>) dst(%dma_wait3A_314 : memref<100x32xf32, #tpu.memory_space<vmem>>)
    %dma_wait3A_321 = arith.constant 122 : i32
    %dma_wait3A_322 = arith.constant 1 : i32
    %dma_wait3A_323 = arith.constant 0 : i32
    %dma_wait3A_324 = arith.constant 2 : i32
    %dma_wait3A_325 = arith.constant 1 : i32
    %dma_wait3A_326 = arith.constant 0 : i32
    %dma_wait3A_327 = arith.constant 0 : i32
    %dma_wait3A_328 = tpu.memref_slice %arg6[%dma_wait3A_323, %dma_wait3A_324, %dma_wait3A_325, %dma_wait3A_326, %dma_wait3A_327] : memref<2x4x2x100x32xf32, #tpu.memory_space<vmem>> -> memref<1x1x1x100x32xf32, #tpu.memory_space<vmem>>
    %dma_wait3A_329 = tpu.memref_squeeze %dma_wait3A_328 : memref<1x1x1x100x32xf32, #tpu.memory_space<vmem>> -> memref<100x32xf32, #tpu.memory_space<vmem>>
    %dma_wait3A_330 = arith.constant 0 : i32
    %dma_wait3A_331 = tpu.memref_slice %arg5[%dma_wait3A_321, %dma_wait3A_322, %dma_wait3A_330] : memref<128x2x100xi32, #tpu.memory_space<vmem>> -> memref<1x1x100xi32, #tpu.memory_space<vmem>>
    %dma_wait3A_332 = tpu.memref_squeeze %dma_wait3A_331 : memref<1x1x100xi32, #tpu.memory_space<vmem>> -> memref<100xi32, #tpu.memory_space<vmem>>
    %dma_wait3A_333 = arith.constant 0 : i32
    %dma_wait3A_334 = arith.constant 0 : i32
    %dma_wait3A_335 = tpu.memref_slice %arg3[%dma_wait3A_333, %dma_wait3A_334] : memref<1024000x32xf32, #tpu.memory_space<hbm>> -> memref<1024000x32xf32, #tpu.memory_space<hbm>>
    tpu.wait_indirect_dma semaphore(%arg8 : memref<!tpu.dma_semaphore, #tpu.memory_space<semaphore_mem>>) src(%dma_wait3A_335 : memref<1024000x32xf32, #tpu.memory_space<hbm>>) dst(%dma_wait3A_329 : memref<100x32xf32, #tpu.memory_space<vmem>>)
    %dma_wait3A_336 = arith.constant 123 : i32
    %dma_wait3A_337 = arith.constant 0 : i32
    %dma_wait3A_338 = arith.constant 0 : i32
    %dma_wait3A_339 = arith.constant 3 : i32
    %dma_wait3A_340 = arith.constant 0 : i32
    %dma_wait3A_341 = arith.constant 0 : i32
    %dma_wait3A_342 = arith.constant 0 : i32
    %dma_wait3A_343 = tpu.memref_slice %arg6[%dma_wait3A_338, %dma_wait3A_339, %dma_wait3A_340, %dma_wait3A_341, %dma_wait3A_342] : memref<2x4x2x100x32xf32, #tpu.memory_space<vmem>> -> memref<1x1x1x100x32xf32, #tpu.memory_space<vmem>>
    %dma_wait3A_344 = tpu.memref_squeeze %dma_wait3A_343 : memref<1x1x1x100x32xf32, #tpu.memory_space<vmem>> -> memref<100x32xf32, #tpu.memory_space<vmem>>
    %dma_wait3A_345 = arith.constant 0 : i32
    %dma_wait3A_346 = tpu.memref_slice %arg5[%dma_wait3A_336, %dma_wait3A_337, %dma_wait3A_345] : memref<128x2x100xi32, #tpu.memory_space<vmem>> -> memref<1x1x100xi32, #tpu.memory_space<vmem>>
    %dma_wait3A_347 = tpu.memref_squeeze %dma_wait3A_346 : memref<1x1x100xi32, #tpu.memory_space<vmem>> -> memref<100xi32, #tpu.memory_space<vmem>>
    %dma_wait3A_348 = arith.constant 0 : i32
    %dma_wait3A_349 = arith.constant 0 : i32
    %dma_wait3A_350 = tpu.memref_slice %arg3[%dma_wait3A_348, %dma_wait3A_349] : memref<1024000x32xf32, #tpu.memory_space<hbm>> -> memref<1024000x32xf32, #tpu.memory_space<hbm>>
    tpu.wait_indirect_dma semaphore(%arg8 : memref<!tpu.dma_semaphore, #tpu.memory_space<semaphore_mem>>) src(%dma_wait3A_350 : memref<1024000x32xf32, #tpu.memory_space<hbm>>) dst(%dma_wait3A_344 : memref<100x32xf32, #tpu.memory_space<vmem>>)
    %dma_wait3A_351 = arith.constant 123 : i32
    %dma_wait3A_352 = arith.constant 1 : i32
    %dma_wait3A_353 = arith.constant 0 : i32
    %dma_wait3A_354 = arith.constant 3 : i32
    %dma_wait3A_355 = arith.constant 1 : i32
    %dma_wait3A_356 = arith.constant 0 : i32
    %dma_wait3A_357 = arith.constant 0 : i32
    %dma_wait3A_358 = tpu.memref_slice %arg6[%dma_wait3A_353, %dma_wait3A_354, %dma_wait3A_355, %dma_wait3A_356, %dma_wait3A_357] : memref<2x4x2x100x32xf32, #tpu.memory_space<vmem>> -> memref<1x1x1x100x32xf32, #tpu.memory_space<vmem>>
    %dma_wait3A_359 = tpu.memref_squeeze %dma_wait3A_358 : memref<1x1x1x100x32xf32, #tpu.memory_space<vmem>> -> memref<100x32xf32, #tpu.memory_space<vmem>>
    %dma_wait3A_360 = arith.constant 0 : i32
    %dma_wait3A_361 = tpu.memref_slice %arg5[%dma_wait3A_351, %dma_wait3A_352, %dma_wait3A_360] : memref<128x2x100xi32, #tpu.memory_space<vmem>> -> memref<1x1x100xi32, #tpu.memory_space<vmem>>
    %dma_wait3A_362 = tpu.memref_squeeze %dma_wait3A_361 : memref<1x1x100xi32, #tpu.memory_space<vmem>> -> memref<100xi32, #tpu.memory_space<vmem>>
    %dma_wait3A_363 = arith.constant 0 : i32
    %dma_wait3A_364 = arith.constant 0 : i32
    %dma_wait3A_365 = tpu.memref_slice %arg3[%dma_wait3A_363, %dma_wait3A_364] : memref<1024000x32xf32, #tpu.memory_space<hbm>> -> memref<1024000x32xf32, #tpu.memory_space<hbm>>
    tpu.wait_indirect_dma semaphore(%arg8 : memref<!tpu.dma_semaphore, #tpu.memory_space<semaphore_mem>>) src(%dma_wait3A_365 : memref<1024000x32xf32, #tpu.memory_space<hbm>>) dst(%dma_wait3A_359 : memref<100x32xf32, #tpu.memory_space<vmem>>)
    %broadcast_in_dim3A = arith.constant 0xFF80 : bf16
    %broadcast_in_dim3A_366 = vector.broadcast %broadcast_in_dim3A : bf16 to vector<32xbf16>
    %broadcast_in_dim3A_367 = arith.constant 0xFF80 : bf16
    %broadcast_in_dim3A_368 = vector.broadcast %broadcast_in_dim3A_367 : bf16 to vector<32xbf16>
    %scan3A_369 = arith.constant 0 : i32
    %scan3A_370 = arith.constant 100 : i32
    %scan3A_371 = arith.addi %scan3A_369, %scan3A_370 : i32
    %scan3A_372 = arith.constant 1 : i32
    %scan3A_373:2 = scf.for %scan3A_628 = %scan3A_369 to %scan3A_371 step %scan3A_372 iter_args(%scan3A_629 = %broadcast_in_dim3A_366, %scan3A_630 = %broadcast_in_dim3A_368) -> (vector<32xbf16>, vector<32xbf16>)  : i32 {
      %get3A = arith.constant 0 : i32
      %get3A_631 = arith.constant 0 : i32
      %get3A_632 = arith.constant 0 : i32
      %get3A_633 = arith.index_cast %get3A : i32 to index
      %get3A_634 = arith.index_cast %get3A_631 : i32 to index
      %get3A_635 = arith.index_cast %get3A_632 : i32 to index
      %get3A_636 = arith.index_cast %scan3A_628 : i32 to index
      %get3A_637 = arith.constant 0 : index
      %get3A_638 = tpu.vector_load %arg6[%get3A_633, %get3A_634, %get3A_635, %get3A_636, %get3A_637] {strides = array<i32>} : memref<2x4x2x100x32xf32, #tpu.memory_space<vmem>>, vector<16xf32>,
      %bitcast3A = vector.bitcast %get3A_638 : vector<16xf32> to vector<32xbf16>
      %max3A = arith.maximumf %scan3A_629, %bitcast3A : vector<32xbf16>
      %get3A_639 = arith.constant 0 : i32
      %get3A_640 = arith.constant 0 : i32
      %get3A_641 = arith.constant 0 : i32
      %get3A_642 = arith.index_cast %get3A_639 : i32 to index
      %get3A_643 = arith.index_cast %get3A_640 : i32 to index
      %get3A_644 = arith.index_cast %get3A_641 : i32 to index
      %get3A_645 = arith.index_cast %scan3A_628 : i32 to index
      %get3A_646 = arith.constant 16 : index
      %get3A_647 = tpu.vector_load %arg6[%get3A_642, %get3A_643, %get3A_644, %get3A_645, %get3A_646] {strides = array<i32>} : memref<2x4x2x100x32xf32, #tpu.memory_space<vmem>>, vector<16xf32>,
      %bitcast3A_648 = vector.bitcast %get3A_647 : vector<16xf32> to vector<32xbf16>
      %max3A_649 = arith.maximumf %scan3A_630, %bitcast3A_648 : vector<32xbf16>
      %get3A_650 = arith.constant 0 : i32
      %get3A_651 = arith.constant 0 : i32
      %get3A_652 = arith.constant 1 : i32
      %get3A_653 = arith.index_cast %get3A_650 : i32 to index
      %get3A_654 = arith.index_cast %get3A_651 : i32 to index
      %get3A_655 = arith.index_cast %get3A_652 : i32 to index
      %get3A_656 = arith.index_cast %scan3A_628 : i32 to index
      %get3A_657 = arith.constant 0 : index
      %get3A_658 = tpu.vector_load %arg6[%get3A_653, %get3A_654, %get3A_655, %get3A_656, %get3A_657] {strides = array<i32>} : memref<2x4x2x100x32xf32, #tpu.memory_space<vmem>>, vector<16xf32>,
      %bitcast3A_659 = vector.bitcast %get3A_658 : vector<16xf32> to vector<32xbf16>
      %max3A_660 = arith.maximumf %max3A, %bitcast3A_659 : vector<32xbf16>
      %get3A_661 = arith.constant 0 : i32
      %get3A_662 = arith.constant 0 : i32
      %get3A_663 = arith.constant 1 : i32
      %get3A_664 = arith.index_cast %get3A_661 : i32 to index
      %get3A_665 = arith.index_cast %get3A_662 : i32 to index
      %get3A_666 = arith.index_cast %get3A_663 : i32 to index
      %get3A_667 = arith.index_cast %scan3A_628 : i32 to index
      %get3A_668 = arith.constant 16 : index
      %get3A_669 = tpu.vector_load %arg6[%get3A_664, %get3A_665, %get3A_666, %get3A_667, %get3A_668] {strides = array<i32>} : memref<2x4x2x100x32xf32, #tpu.memory_space<vmem>>, vector<16xf32>,
      %bitcast3A_670 = vector.bitcast %get3A_669 : vector<16xf32> to vector<32xbf16>
      %max3A_671 = arith.maximumf %max3A_649, %bitcast3A_670 : vector<32xbf16>
      scf.yield %max3A_660, %max3A_671 : vector<32xbf16>, vector<32xbf16>
    }
    %scan3A_374 = arith.constant 100 : i32
    %swap3A = arith.constant 120 : i32
    %swap3A_375 = arith.index_cast %swap3A : i32 to index
    %swap3A_376 = arith.constant 0 : index
    %swap3A_377 = tpu.vector_load %arg7[%swap3A_375, %swap3A_376] {strides = array<i32>} : memref<128x64xbf16, #tpu.memory_space<vmem>>, vector<32xbf16>,
    tpu.vector_store %arg7[%swap3A_375, %swap3A_376], %scan3A_373#0 {strides = array<i32>} : memref<128x64xbf16, #tpu.memory_space<vmem>>, vector<32xbf16>,
    %swap3A_378 = arith.constant 120 : i32
    %swap3A_379 = arith.index_cast %swap3A_378 : i32 to index
    %swap3A_380 = arith.constant 32 : index
    %swap3A_381 = tpu.vector_load %arg7[%swap3A_379, %swap3A_380] {strides = array<i32>} : memref<128x64xbf16, #tpu.memory_space<vmem>>, vector<32xbf16>,
    tpu.vector_store %arg7[%swap3A_379, %swap3A_380], %scan3A_373#1 {strides = array<i32>} : memref<128x64xbf16, #tpu.memory_space<vmem>>, vector<32xbf16>,
    %broadcast_in_dim3A_382 = arith.constant 0xFF80 : bf16
    %broadcast_in_dim3A_383 = vector.broadcast %broadcast_in_dim3A_382 : bf16 to vector<32xbf16>
    %broadcast_in_dim3A_384 = arith.constant 0xFF80 : bf16
    %broadcast_in_dim3A_385 = vector.broadcast %broadcast_in_dim3A_384 : bf16 to vector<32xbf16>
    %scan3A_386 = arith.constant 0 : i32
    %scan3A_387 = arith.constant 100 : i32
    %scan3A_388 = arith.addi %scan3A_386, %scan3A_387 : i32
    %scan3A_389 = arith.constant 1 : i32
    %scan3A_390:2 = scf.for %scan3A_628 = %scan3A_386 to %scan3A_388 step %scan3A_389 iter_args(%scan3A_629 = %broadcast_in_dim3A_383, %scan3A_630 = %broadcast_in_dim3A_385) -> (vector<32xbf16>, vector<32xbf16>)  : i32 {
      %get3A = arith.constant 0 : i32
      %get3A_631 = arith.constant 1 : i32
      %get3A_632 = arith.constant 0 : i32
      %get3A_633 = arith.index_cast %get3A : i32 to index
      %get3A_634 = arith.index_cast %get3A_631 : i32 to index
      %get3A_635 = arith.index_cast %get3A_632 : i32 to index
      %get3A_636 = arith.index_cast %scan3A_628 : i32 to index
      %get3A_637 = arith.constant 0 : index
      %get3A_638 = tpu.vector_load %arg6[%get3A_633, %get3A_634, %get3A_635, %get3A_636, %get3A_637] {strides = array<i32>} : memref<2x4x2x100x32xf32, #tpu.memory_space<vmem>>, vector<16xf32>,
      %bitcast3A = vector.bitcast %get3A_638 : vector<16xf32> to vector<32xbf16>
      %max3A = arith.maximumf %scan3A_629, %bitcast3A : vector<32xbf16>
      %get3A_639 = arith.constant 0 : i32
      %get3A_640 = arith.constant 1 : i32
      %get3A_641 = arith.constant 0 : i32
      %get3A_642 = arith.index_cast %get3A_639 : i32 to index
      %get3A_643 = arith.index_cast %get3A_640 : i32 to index
      %get3A_644 = arith.index_cast %get3A_641 : i32 to index
      %get3A_645 = arith.index_cast %scan3A_628 : i32 to index
      %get3A_646 = arith.constant 16 : index
      %get3A_647 = tpu.vector_load %arg6[%get3A_642, %get3A_643, %get3A_644, %get3A_645, %get3A_646] {strides = array<i32>} : memref<2x4x2x100x32xf32, #tpu.memory_space<vmem>>, vector<16xf32>,
      %bitcast3A_648 = vector.bitcast %get3A_647 : vector<16xf32> to vector<32xbf16>
      %max3A_649 = arith.maximumf %scan3A_630, %bitcast3A_648 : vector<32xbf16>
      %get3A_650 = arith.constant 0 : i32
      %get3A_651 = arith.constant 1 : i32
      %get3A_652 = arith.constant 1 : i32
      %get3A_653 = arith.index_cast %get3A_650 : i32 to index
      %get3A_654 = arith.index_cast %get3A_651 : i32 to index
      %get3A_655 = arith.index_cast %get3A_652 : i32 to index
      %get3A_656 = arith.index_cast %scan3A_628 : i32 to index
      %get3A_657 = arith.constant 0 : index
      %get3A_658 = tpu.vector_load %arg6[%get3A_653, %get3A_654, %get3A_655, %get3A_656, %get3A_657] {strides = array<i32>} : memref<2x4x2x100x32xf32, #tpu.memory_space<vmem>>, vector<16xf32>,
      %bitcast3A_659 = vector.bitcast %get3A_658 : vector<16xf32> to vector<32xbf16>
      %max3A_660 = arith.maximumf %max3A, %bitcast3A_659 : vector<32xbf16>
      %get3A_661 = arith.constant 0 : i32
      %get3A_662 = arith.constant 1 : i32
      %get3A_663 = arith.constant 1 : i32
      %get3A_664 = arith.index_cast %get3A_661 : i32 to index
      %get3A_665 = arith.index_cast %get3A_662 : i32 to index
      %get3A_666 = arith.index_cast %get3A_663 : i32 to index
      %get3A_667 = arith.index_cast %scan3A_628 : i32 to index
      %get3A_668 = arith.constant 16 : index
      %get3A_669 = tpu.vector_load %arg6[%get3A_664, %get3A_665, %get3A_666, %get3A_667, %get3A_668] {strides = array<i32>} : memref<2x4x2x100x32xf32, #tpu.memory_space<vmem>>, vector<16xf32>,
      %bitcast3A_670 = vector.bitcast %get3A_669 : vector<16xf32> to vector<32xbf16>
      %max3A_671 = arith.maximumf %max3A_649, %bitcast3A_670 : vector<32xbf16>
      scf.yield %max3A_660, %max3A_671 : vector<32xbf16>, vector<32xbf16>
    }
    %scan3A_391 = arith.constant 100 : i32
    %swap3A_392 = arith.constant 121 : i32
    %swap3A_393 = arith.index_cast %swap3A_392 : i32 to index
    %swap3A_394 = arith.constant 0 : index
    %swap3A_395 = tpu.vector_load %arg7[%swap3A_393, %swap3A_394] {strides = array<i32>} : memref<128x64xbf16, #tpu.memory_space<vmem>>, vector<32xbf16>,
    tpu.vector_store %arg7[%swap3A_393, %swap3A_394], %scan3A_390#0 {strides = array<i32>} : memref<128x64xbf16, #tpu.memory_space<vmem>>, vector<32xbf16>,
    %swap3A_396 = arith.constant 121 : i32
    %swap3A_397 = arith.index_cast %swap3A_396 : i32 to index
    %swap3A_398 = arith.constant 32 : index
    %swap3A_399 = tpu.vector_load %arg7[%swap3A_397, %swap3A_398] {strides = array<i32>} : memref<128x64xbf16, #tpu.memory_space<vmem>>, vector<32xbf16>,
    tpu.vector_store %arg7[%swap3A_397, %swap3A_398], %scan3A_390#1 {strides = array<i32>} : memref<128x64xbf16, #tpu.memory_space<vmem>>, vector<32xbf16>,
    %broadcast_in_dim3A_400 = arith.constant 0xFF80 : bf16
    %broadcast_in_dim3A_401 = vector.broadcast %broadcast_in_dim3A_400 : bf16 to vector<32xbf16>
    %broadcast_in_dim3A_402 = arith.constant 0xFF80 : bf16
    %broadcast_in_dim3A_403 = vector.broadcast %broadcast_in_dim3A_402 : bf16 to vector<32xbf16>
    %scan3A_404 = arith.constant 0 : i32
    %scan3A_405 = arith.constant 100 : i32
    %scan3A_406 = arith.addi %scan3A_404, %scan3A_405 : i32
    %scan3A_407 = arith.constant 1 : i32
    %scan3A_408:2 = scf.for %scan3A_628 = %scan3A_404 to %scan3A_406 step %scan3A_407 iter_args(%scan3A_629 = %broadcast_in_dim3A_401, %scan3A_630 = %broadcast_in_dim3A_403) -> (vector<32xbf16>, vector<32xbf16>)  : i32 {
      %get3A = arith.constant 0 : i32
      %get3A_631 = arith.constant 2 : i32
      %get3A_632 = arith.constant 0 : i32
      %get3A_633 = arith.index_cast %get3A : i32 to index
      %get3A_634 = arith.index_cast %get3A_631 : i32 to index
      %get3A_635 = arith.index_cast %get3A_632 : i32 to index
      %get3A_636 = arith.index_cast %scan3A_628 : i32 to index
      %get3A_637 = arith.constant 0 : index
      %get3A_638 = tpu.vector_load %arg6[%get3A_633, %get3A_634, %get3A_635, %get3A_636, %get3A_637] {strides = array<i32>} : memref<2x4x2x100x32xf32, #tpu.memory_space<vmem>>, vector<16xf32>,
      %bitcast3A = vector.bitcast %get3A_638 : vector<16xf32> to vector<32xbf16>
      %max3A = arith.maximumf %scan3A_629, %bitcast3A : vector<32xbf16>
      %get3A_639 = arith.constant 0 : i32
      %get3A_640 = arith.constant 2 : i32
      %get3A_641 = arith.constant 0 : i32
      %get3A_642 = arith.index_cast %get3A_639 : i32 to index
      %get3A_643 = arith.index_cast %get3A_640 : i32 to index
      %get3A_644 = arith.index_cast %get3A_641 : i32 to index
      %get3A_645 = arith.index_cast %scan3A_628 : i32 to index
      %get3A_646 = arith.constant 16 : index
      %get3A_647 = tpu.vector_load %arg6[%get3A_642, %get3A_643, %get3A_644, %get3A_645, %get3A_646] {strides = array<i32>} : memref<2x4x2x100x32xf32, #tpu.memory_space<vmem>>, vector<16xf32>,
      %bitcast3A_648 = vector.bitcast %get3A_647 : vector<16xf32> to vector<32xbf16>
      %max3A_649 = arith.maximumf %scan3A_630, %bitcast3A_648 : vector<32xbf16>
      %get3A_650 = arith.constant 0 : i32
      %get3A_651 = arith.constant 2 : i32
      %get3A_652 = arith.constant 1 : i32
      %get3A_653 = arith.index_cast %get3A_650 : i32 to index
      %get3A_654 = arith.index_cast %get3A_651 : i32 to index
      %get3A_655 = arith.index_cast %get3A_652 : i32 to index
      %get3A_656 = arith.index_cast %scan3A_628 : i32 to index
      %get3A_657 = arith.constant 0 : index
      %get3A_658 = tpu.vector_load %arg6[%get3A_653, %get3A_654, %get3A_655, %get3A_656, %get3A_657] {strides = array<i32>} : memref<2x4x2x100x32xf32, #tpu.memory_space<vmem>>, vector<16xf32>,
      %bitcast3A_659 = vector.bitcast %get3A_658 : vector<16xf32> to vector<32xbf16>
      %max3A_660 = arith.maximumf %max3A, %bitcast3A_659 : vector<32xbf16>
      %get3A_661 = arith.constant 0 : i32
      %get3A_662 = arith.constant 2 : i32
      %get3A_663 = arith.constant 1 : i32
      %get3A_664 = arith.index_cast %get3A_661 : i32 to index
      %get3A_665 = arith.index_cast %get3A_662 : i32 to index
      %get3A_666 = arith.index_cast %get3A_663 : i32 to index
      %get3A_667 = arith.index_cast %scan3A_628 : i32 to index
      %get3A_668 = arith.constant 16 : index
      %get3A_669 = tpu.vector_load %arg6[%get3A_664, %get3A_665, %get3A_666, %get3A_667, %get3A_668] {strides = array<i32>} : memref<2x4x2x100x32xf32, #tpu.memory_space<vmem>>, vector<16xf32>,
      %bitcast3A_670 = vector.bitcast %get3A_669 : vector<16xf32> to vector<32xbf16>
      %max3A_671 = arith.maximumf %max3A_649, %bitcast3A_670 : vector<32xbf16>
      scf.yield %max3A_660, %max3A_671 : vector<32xbf16>, vector<32xbf16>
    }
    %scan3A_409 = arith.constant 100 : i32
    %swap3A_410 = arith.constant 122 : i32
    %swap3A_411 = arith.index_cast %swap3A_410 : i32 to index
    %swap3A_412 = arith.constant 0 : index
    %swap3A_413 = tpu.vector_load %arg7[%swap3A_411, %swap3A_412] {strides = array<i32>} : memref<128x64xbf16, #tpu.memory_space<vmem>>, vector<32xbf16>,
    tpu.vector_store %arg7[%swap3A_411, %swap3A_412], %scan3A_408#0 {strides = array<i32>} : memref<128x64xbf16, #tpu.memory_space<vmem>>, vector<32xbf16>,
    %swap3A_414 = arith.constant 122 : i32
    %swap3A_415 = arith.index_cast %swap3A_414 : i32 to index
    %swap3A_416 = arith.constant 32 : index
    %swap3A_417 = tpu.vector_load %arg7[%swap3A_415, %swap3A_416] {strides = array<i32>} : memref<128x64xbf16, #tpu.memory_space<vmem>>, vector<32xbf16>,
    tpu.vector_store %arg7[%swap3A_415, %swap3A_416], %scan3A_408#1 {strides = array<i32>} : memref<128x64xbf16, #tpu.memory_space<vmem>>, vector<32xbf16>,
    %broadcast_in_dim3A_418 = arith.constant 0xFF80 : bf16
    %broadcast_in_dim3A_419 = vector.broadcast %broadcast_in_dim3A_418 : bf16 to vector<32xbf16>
    %broadcast_in_dim3A_420 = arith.constant 0xFF80 : bf16
    %broadcast_in_dim3A_421 = vector.broadcast %broadcast_in_dim3A_420 : bf16 to vector<32xbf16>
    %scan3A_422 = arith.constant 0 : i32
    %scan3A_423 = arith.constant 100 : i32
    %scan3A_424 = arith.addi %scan3A_422, %scan3A_423 : i32
    %scan3A_425 = arith.constant 1 : i32
    %scan3A_426:2 = scf.for %scan3A_628 = %scan3A_422 to %scan3A_424 step %scan3A_425 iter_args(%scan3A_629 = %broadcast_in_dim3A_419, %scan3A_630 = %broadcast_in_dim3A_421) -> (vector<32xbf16>, vector<32xbf16>)  : i32 {
      %get3A = arith.constant 0 : i32
      %get3A_631 = arith.constant 3 : i32
      %get3A_632 = arith.constant 0 : i32
      %get3A_633 = arith.index_cast %get3A : i32 to index
      %get3A_634 = arith.index_cast %get3A_631 : i32 to index
      %get3A_635 = arith.index_cast %get3A_632 : i32 to index
      %get3A_636 = arith.index_cast %scan3A_628 : i32 to index
      %get3A_637 = arith.constant 0 : index
      %get3A_638 = tpu.vector_load %arg6[%get3A_633, %get3A_634, %get3A_635, %get3A_636, %get3A_637] {strides = array<i32>} : memref<2x4x2x100x32xf32, #tpu.memory_space<vmem>>, vector<16xf32>,
      %bitcast3A = vector.bitcast %get3A_638 : vector<16xf32> to vector<32xbf16>
      %max3A = arith.maximumf %scan3A_629, %bitcast3A : vector<32xbf16>
      %get3A_639 = arith.constant 0 : i32
      %get3A_640 = arith.constant 3 : i32
      %get3A_641 = arith.constant 0 : i32
      %get3A_642 = arith.index_cast %get3A_639 : i32 to index
      %get3A_643 = arith.index_cast %get3A_640 : i32 to index
      %get3A_644 = arith.index_cast %get3A_641 : i32 to index
      %get3A_645 = arith.index_cast %scan3A_628 : i32 to index
      %get3A_646 = arith.constant 16 : index
      %get3A_647 = tpu.vector_load %arg6[%get3A_642, %get3A_643, %get3A_644, %get3A_645, %get3A_646] {strides = array<i32>} : memref<2x4x2x100x32xf32, #tpu.memory_space<vmem>>, vector<16xf32>,
      %bitcast3A_648 = vector.bitcast %get3A_647 : vector<16xf32> to vector<32xbf16>
      %max3A_649 = arith.maximumf %scan3A_630, %bitcast3A_648 : vector<32xbf16>
      %get3A_650 = arith.constant 0 : i32
      %get3A_651 = arith.constant 3 : i32
      %get3A_652 = arith.constant 1 : i32
      %get3A_653 = arith.index_cast %get3A_650 : i32 to index
      %get3A_654 = arith.index_cast %get3A_651 : i32 to index
      %get3A_655 = arith.index_cast %get3A_652 : i32 to index
      %get3A_656 = arith.index_cast %scan3A_628 : i32 to index
      %get3A_657 = arith.constant 0 : index
      %get3A_658 = tpu.vector_load %arg6[%get3A_653, %get3A_654, %get3A_655, %get3A_656, %get3A_657] {strides = array<i32>} : memref<2x4x2x100x32xf32, #tpu.memory_space<vmem>>, vector<16xf32>,
      %bitcast3A_659 = vector.bitcast %get3A_658 : vector<16xf32> to vector<32xbf16>
      %max3A_660 = arith.maximumf %max3A, %bitcast3A_659 : vector<32xbf16>
      %get3A_661 = arith.constant 0 : i32
      %get3A_662 = arith.constant 3 : i32
      %get3A_663 = arith.constant 1 : i32
      %get3A_664 = arith.index_cast %get3A_661 : i32 to index
      %get3A_665 = arith.index_cast %get3A_662 : i32 to index
      %get3A_666 = arith.index_cast %get3A_663 : i32 to index
      %get3A_667 = arith.index_cast %scan3A_628 : i32 to index
      %get3A_668 = arith.constant 16 : index
      %get3A_669 = tpu.vector_load %arg6[%get3A_664, %get3A_665, %get3A_666, %get3A_667, %get3A_668] {strides = array<i32>} : memref<2x4x2x100x32xf32, #tpu.memory_space<vmem>>, vector<16xf32>,
      %bitcast3A_670 = vector.bitcast %get3A_669 : vector<16xf32> to vector<32xbf16>
      %max3A_671 = arith.maximumf %max3A_649, %bitcast3A_670 : vector<32xbf16>
      scf.yield %max3A_660, %max3A_671 : vector<32xbf16>, vector<32xbf16>
    }
    %scan3A_427 = arith.constant 100 : i32
    %swap3A_428 = arith.constant 123 : i32
    %swap3A_429 = arith.index_cast %swap3A_428 : i32 to index
    %swap3A_430 = arith.constant 0 : index
    %swap3A_431 = tpu.vector_load %arg7[%swap3A_429, %swap3A_430] {strides = array<i32>} : memref<128x64xbf16, #tpu.memory_space<vmem>>, vector<32xbf16>,
    tpu.vector_store %arg7[%swap3A_429, %swap3A_430], %scan3A_426#0 {strides = array<i32>} : memref<128x64xbf16, #tpu.memory_space<vmem>>, vector<32xbf16>,
    %swap3A_432 = arith.constant 123 : i32
    %swap3A_433 = arith.index_cast %swap3A_432 : i32 to index
    %swap3A_434 = arith.constant 32 : index
    %swap3A_435 = tpu.vector_load %arg7[%swap3A_433, %swap3A_434] {strides = array<i32>} : memref<128x64xbf16, #tpu.memory_space<vmem>>, vector<32xbf16>,
    tpu.vector_store %arg7[%swap3A_433, %swap3A_434], %scan3A_426#1 {strides = array<i32>} : memref<128x64xbf16, #tpu.memory_space<vmem>>, vector<32xbf16>,
    %dma_wait3A_436 = arith.constant 124 : i32
    %dma_wait3A_437 = arith.constant 0 : i32
    %dma_wait3A_438 = arith.constant 1 : i32
    %dma_wait3A_439 = arith.constant 0 : i32
    %dma_wait3A_440 = arith.constant 0 : i32
    %dma_wait3A_441 = arith.constant 0 : i32
    %dma_wait3A_442 = arith.constant 0 : i32
    %dma_wait3A_443 = tpu.memref_slice %arg6[%dma_wait3A_438, %dma_wait3A_439, %dma_wait3A_440, %dma_wait3A_441, %dma_wait3A_442] : memref<2x4x2x100x32xf32, #tpu.memory_space<vmem>> -> memref<1x1x1x100x32xf32, #tpu.memory_space<vmem>>
    %dma_wait3A_444 = tpu.memref_squeeze %dma_wait3A_443 : memref<1x1x1x100x32xf32, #tpu.memory_space<vmem>> -> memref<100x32xf32, #tpu.memory_space<vmem>>
    %dma_wait3A_445 = arith.constant 0 : i32
    %dma_wait3A_446 = tpu.memref_slice %arg5[%dma_wait3A_436, %dma_wait3A_437, %dma_wait3A_445] : memref<128x2x100xi32, #tpu.memory_space<vmem>> -> memref<1x1x100xi32, #tpu.memory_space<vmem>>
    %dma_wait3A_447 = tpu.memref_squeeze %dma_wait3A_446 : memref<1x1x100xi32, #tpu.memory_space<vmem>> -> memref<100xi32, #tpu.memory_space<vmem>>
    %dma_wait3A_448 = arith.constant 0 : i32
    %dma_wait3A_449 = arith.constant 0 : i32
    %dma_wait3A_450 = tpu.memref_slice %arg3[%dma_wait3A_448, %dma_wait3A_449] : memref<1024000x32xf32, #tpu.memory_space<hbm>> -> memref<1024000x32xf32, #tpu.memory_space<hbm>>
    tpu.wait_indirect_dma semaphore(%arg9 : memref<!tpu.dma_semaphore, #tpu.memory_space<semaphore_mem>>) src(%dma_wait3A_450 : memref<1024000x32xf32, #tpu.memory_space<hbm>>) dst(%dma_wait3A_444 : memref<100x32xf32, #tpu.memory_space<vmem>>)
    %dma_wait3A_451 = arith.constant 124 : i32
    %dma_wait3A_452 = arith.constant 1 : i32
    %dma_wait3A_453 = arith.constant 1 : i32
    %dma_wait3A_454 = arith.constant 0 : i32
    %dma_wait3A_455 = arith.constant 1 : i32
    %dma_wait3A_456 = arith.constant 0 : i32
    %dma_wait3A_457 = arith.constant 0 : i32
    %dma_wait3A_458 = tpu.memref_slice %arg6[%dma_wait3A_453, %dma_wait3A_454, %dma_wait3A_455, %dma_wait3A_456, %dma_wait3A_457] : memref<2x4x2x100x32xf32, #tpu.memory_space<vmem>> -> memref<1x1x1x100x32xf32, #tpu.memory_space<vmem>>
    %dma_wait3A_459 = tpu.memref_squeeze %dma_wait3A_458 : memref<1x1x1x100x32xf32, #tpu.memory_space<vmem>> -> memref<100x32xf32, #tpu.memory_space<vmem>>
    %dma_wait3A_460 = arith.constant 0 : i32
    %dma_wait3A_461 = tpu.memref_slice %arg5[%dma_wait3A_451, %dma_wait3A_452, %dma_wait3A_460] : memref<128x2x100xi32, #tpu.memory_space<vmem>> -> memref<1x1x100xi32, #tpu.memory_space<vmem>>
    %dma_wait3A_462 = tpu.memref_squeeze %dma_wait3A_461 : memref<1x1x100xi32, #tpu.memory_space<vmem>> -> memref<100xi32, #tpu.memory_space<vmem>>
    %dma_wait3A_463 = arith.constant 0 : i32
    %dma_wait3A_464 = arith.constant 0 : i32
    %dma_wait3A_465 = tpu.memref_slice %arg3[%dma_wait3A_463, %dma_wait3A_464] : memref<1024000x32xf32, #tpu.memory_space<hbm>> -> memref<1024000x32xf32, #tpu.memory_space<hbm>>
    tpu.wait_indirect_dma semaphore(%arg9 : memref<!tpu.dma_semaphore, #tpu.memory_space<semaphore_mem>>) src(%dma_wait3A_465 : memref<1024000x32xf32, #tpu.memory_space<hbm>>) dst(%dma_wait3A_459 : memref<100x32xf32, #tpu.memory_space<vmem>>)
    %dma_wait3A_466 = arith.constant 125 : i32
    %dma_wait3A_467 = arith.constant 0 : i32
    %dma_wait3A_468 = arith.constant 1 : i32
    %dma_wait3A_469 = arith.constant 1 : i32
    %dma_wait3A_470 = arith.constant 0 : i32
    %dma_wait3A_471 = arith.constant 0 : i32
    %dma_wait3A_472 = arith.constant 0 : i32
    %dma_wait3A_473 = tpu.memref_slice %arg6[%dma_wait3A_468, %dma_wait3A_469, %dma_wait3A_470, %dma_wait3A_471, %dma_wait3A_472] : memref<2x4x2x100x32xf32, #tpu.memory_space<vmem>> -> memref<1x1x1x100x32xf32, #tpu.memory_space<vmem>>
    %dma_wait3A_474 = tpu.memref_squeeze %dma_wait3A_473 : memref<1x1x1x100x32xf32, #tpu.memory_space<vmem>> -> memref<100x32xf32, #tpu.memory_space<vmem>>
    %dma_wait3A_475 = arith.constant 0 : i32
    %dma_wait3A_476 = tpu.memref_slice %arg5[%dma_wait3A_466, %dma_wait3A_467, %dma_wait3A_475] : memref<128x2x100xi32, #tpu.memory_space<vmem>> -> memref<1x1x100xi32, #tpu.memory_space<vmem>>
    %dma_wait3A_477 = tpu.memref_squeeze %dma_wait3A_476 : memref<1x1x100xi32, #tpu.memory_space<vmem>> -> memref<100xi32, #tpu.memory_space<vmem>>
    %dma_wait3A_478 = arith.constant 0 : i32
    %dma_wait3A_479 = arith.constant 0 : i32
    %dma_wait3A_480 = tpu.memref_slice %arg3[%dma_wait3A_478, %dma_wait3A_479] : memref<1024000x32xf32, #tpu.memory_space<hbm>> -> memref<1024000x32xf32, #tpu.memory_space<hbm>>
    tpu.wait_indirect_dma semaphore(%arg9 : memref<!tpu.dma_semaphore, #tpu.memory_space<semaphore_mem>>) src(%dma_wait3A_480 : memref<1024000x32xf32, #tpu.memory_space<hbm>>) dst(%dma_wait3A_474 : memref<100x32xf32, #tpu.memory_space<vmem>>)
    %dma_wait3A_481 = arith.constant 125 : i32
    %dma_wait3A_482 = arith.constant 1 : i32
    %dma_wait3A_483 = arith.constant 1 : i32
    %dma_wait3A_484 = arith.constant 1 : i32
    %dma_wait3A_485 = arith.constant 1 : i32
    %dma_wait3A_486 = arith.constant 0 : i32
    %dma_wait3A_487 = arith.constant 0 : i32
    %dma_wait3A_488 = tpu.memref_slice %arg6[%dma_wait3A_483, %dma_wait3A_484, %dma_wait3A_485, %dma_wait3A_486, %dma_wait3A_487] : memref<2x4x2x100x32xf32, #tpu.memory_space<vmem>> -> memref<1x1x1x100x32xf32, #tpu.memory_space<vmem>>
    %dma_wait3A_489 = tpu.memref_squeeze %dma_wait3A_488 : memref<1x1x1x100x32xf32, #tpu.memory_space<vmem>> -> memref<100x32xf32, #tpu.memory_space<vmem>>
    %dma_wait3A_490 = arith.constant 0 : i32
    %dma_wait3A_491 = tpu.memref_slice %arg5[%dma_wait3A_481, %dma_wait3A_482, %dma_wait3A_490] : memref<128x2x100xi32, #tpu.memory_space<vmem>> -> memref<1x1x100xi32, #tpu.memory_space<vmem>>
    %dma_wait3A_492 = tpu.memref_squeeze %dma_wait3A_491 : memref<1x1x100xi32, #tpu.memory_space<vmem>> -> memref<100xi32, #tpu.memory_space<vmem>>
    %dma_wait3A_493 = arith.constant 0 : i32
    %dma_wait3A_494 = arith.constant 0 : i32
    %dma_wait3A_495 = tpu.memref_slice %arg3[%dma_wait3A_493, %dma_wait3A_494] : memref<1024000x32xf32, #tpu.memory_space<hbm>> -> memref<1024000x32xf32, #tpu.memory_space<hbm>>
    tpu.wait_indirect_dma semaphore(%arg9 : memref<!tpu.dma_semaphore, #tpu.memory_space<semaphore_mem>>) src(%dma_wait3A_495 : memref<1024000x32xf32, #tpu.memory_space<hbm>>) dst(%dma_wait3A_489 : memref<100x32xf32, #tpu.memory_space<vmem>>)
    %dma_wait3A_496 = arith.constant 126 : i32
    %dma_wait3A_497 = arith.constant 0 : i32
    %dma_wait3A_498 = arith.constant 1 : i32
    %dma_wait3A_499 = arith.constant 2 : i32
    %dma_wait3A_500 = arith.constant 0 : i32
    %dma_wait3A_501 = arith.constant 0 : i32
    %dma_wait3A_502 = arith.constant 0 : i32
    %dma_wait3A_503 = tpu.memref_slice %arg6[%dma_wait3A_498, %dma_wait3A_499, %dma_wait3A_500, %dma_wait3A_501, %dma_wait3A_502] : memref<2x4x2x100x32xf32, #tpu.memory_space<vmem>> -> memref<1x1x1x100x32xf32, #tpu.memory_space<vmem>>
    %dma_wait3A_504 = tpu.memref_squeeze %dma_wait3A_503 : memref<1x1x1x100x32xf32, #tpu.memory_space<vmem>> -> memref<100x32xf32, #tpu.memory_space<vmem>>
    %dma_wait3A_505 = arith.constant 0 : i32
    %dma_wait3A_506 = tpu.memref_slice %arg5[%dma_wait3A_496, %dma_wait3A_497, %dma_wait3A_505] : memref<128x2x100xi32, #tpu.memory_space<vmem>> -> memref<1x1x100xi32, #tpu.memory_space<vmem>>
    %dma_wait3A_507 = tpu.memref_squeeze %dma_wait3A_506 : memref<1x1x100xi32, #tpu.memory_space<vmem>> -> memref<100xi32, #tpu.memory_space<vmem>>
    %dma_wait3A_508 = arith.constant 0 : i32
    %dma_wait3A_509 = arith.constant 0 : i32
    %dma_wait3A_510 = tpu.memref_slice %arg3[%dma_wait3A_508, %dma_wait3A_509] : memref<1024000x32xf32, #tpu.memory_space<hbm>> -> memref<1024000x32xf32, #tpu.memory_space<hbm>>
    tpu.wait_indirect_dma semaphore(%arg9 : memref<!tpu.dma_semaphore, #tpu.memory_space<semaphore_mem>>) src(%dma_wait3A_510 : memref<1024000x32xf32, #tpu.memory_space<hbm>>) dst(%dma_wait3A_504 : memref<100x32xf32, #tpu.memory_space<vmem>>)
    %dma_wait3A_511 = arith.constant 126 : i32
    %dma_wait3A_512 = arith.constant 1 : i32
    %dma_wait3A_513 = arith.constant 1 : i32
    %dma_wait3A_514 = arith.constant 2 : i32
    %dma_wait3A_515 = arith.constant 1 : i32
    %dma_wait3A_516 = arith.constant 0 : i32
    %dma_wait3A_517 = arith.constant 0 : i32
    %dma_wait3A_518 = tpu.memref_slice %arg6[%dma_wait3A_513, %dma_wait3A_514, %dma_wait3A_515, %dma_wait3A_516, %dma_wait3A_517] : memref<2x4x2x100x32xf32, #tpu.memory_space<vmem>> -> memref<1x1x1x100x32xf32, #tpu.memory_space<vmem>>
    %dma_wait3A_519 = tpu.memref_squeeze %dma_wait3A_518 : memref<1x1x1x100x32xf32, #tpu.memory_space<vmem>> -> memref<100x32xf32, #tpu.memory_space<vmem>>
    %dma_wait3A_520 = arith.constant 0 : i32
    %dma_wait3A_521 = tpu.memref_slice %arg5[%dma_wait3A_511, %dma_wait3A_512, %dma_wait3A_520] : memref<128x2x100xi32, #tpu.memory_space<vmem>> -> memref<1x1x100xi32, #tpu.memory_space<vmem>>
    %dma_wait3A_522 = tpu.memref_squeeze %dma_wait3A_521 : memref<1x1x100xi32, #tpu.memory_space<vmem>> -> memref<100xi32, #tpu.memory_space<vmem>>
    %dma_wait3A_523 = arith.constant 0 : i32
    %dma_wait3A_524 = arith.constant 0 : i32
    %dma_wait3A_525 = tpu.memref_slice %arg3[%dma_wait3A_523, %dma_wait3A_524] : memref<1024000x32xf32, #tpu.memory_space<hbm>> -> memref<1024000x32xf32, #tpu.memory_space<hbm>>
    tpu.wait_indirect_dma semaphore(%arg9 : memref<!tpu.dma_semaphore, #tpu.memory_space<semaphore_mem>>) src(%dma_wait3A_525 : memref<1024000x32xf32, #tpu.memory_space<hbm>>) dst(%dma_wait3A_519 : memref<100x32xf32, #tpu.memory_space<vmem>>)
    %dma_wait3A_526 = arith.constant 127 : i32
    %dma_wait3A_527 = arith.constant 0 : i32
    %dma_wait3A_528 = arith.constant 1 : i32
    %dma_wait3A_529 = arith.constant 3 : i32
    %dma_wait3A_530 = arith.constant 0 : i32
    %dma_wait3A_531 = arith.constant 0 : i32
    %dma_wait3A_532 = arith.constant 0 : i32
    %dma_wait3A_533 = tpu.memref_slice %arg6[%dma_wait3A_528, %dma_wait3A_529, %dma_wait3A_530, %dma_wait3A_531, %dma_wait3A_532] : memref<2x4x2x100x32xf32, #tpu.memory_space<vmem>> -> memref<1x1x1x100x32xf32, #tpu.memory_space<vmem>>
    %dma_wait3A_534 = tpu.memref_squeeze %dma_wait3A_533 : memref<1x1x1x100x32xf32, #tpu.memory_space<vmem>> -> memref<100x32xf32, #tpu.memory_space<vmem>>
    %dma_wait3A_535 = arith.constant 0 : i32
    %dma_wait3A_536 = tpu.memref_slice %arg5[%dma_wait3A_526, %dma_wait3A_527, %dma_wait3A_535] : memref<128x2x100xi32, #tpu.memory_space<vmem>> -> memref<1x1x100xi32, #tpu.memory_space<vmem>>
    %dma_wait3A_537 = tpu.memref_squeeze %dma_wait3A_536 : memref<1x1x100xi32, #tpu.memory_space<vmem>> -> memref<100xi32, #tpu.memory_space<vmem>>
    %dma_wait3A_538 = arith.constant 0 : i32
    %dma_wait3A_539 = arith.constant 0 : i32
    %dma_wait3A_540 = tpu.memref_slice %arg3[%dma_wait3A_538, %dma_wait3A_539] : memref<1024000x32xf32, #tpu.memory_space<hbm>> -> memref<1024000x32xf32, #tpu.memory_space<hbm>>
    tpu.wait_indirect_dma semaphore(%arg9 : memref<!tpu.dma_semaphore, #tpu.memory_space<semaphore_mem>>) src(%dma_wait3A_540 : memref<1024000x32xf32, #tpu.memory_space<hbm>>) dst(%dma_wait3A_534 : memref<100x32xf32, #tpu.memory_space<vmem>>)
    %dma_wait3A_541 = arith.constant 127 : i32
    %dma_wait3A_542 = arith.constant 1 : i32
    %dma_wait3A_543 = arith.constant 1 : i32
    %dma_wait3A_544 = arith.constant 3 : i32
    %dma_wait3A_545 = arith.constant 1 : i32
    %dma_wait3A_546 = arith.constant 0 : i32
    %dma_wait3A_547 = arith.constant 0 : i32
    %dma_wait3A_548 = tpu.memref_slice %arg6[%dma_wait3A_543, %dma_wait3A_544, %dma_wait3A_545, %dma_wait3A_546, %dma_wait3A_547] : memref<2x4x2x100x32xf32, #tpu.memory_space<vmem>> -> memref<1x1x1x100x32xf32, #tpu.memory_space<vmem>>
    %dma_wait3A_549 = tpu.memref_squeeze %dma_wait3A_548 : memref<1x1x1x100x32xf32, #tpu.memory_space<vmem>> -> memref<100x32xf32, #tpu.memory_space<vmem>>
    %dma_wait3A_550 = arith.constant 0 : i32
    %dma_wait3A_551 = tpu.memref_slice %arg5[%dma_wait3A_541, %dma_wait3A_542, %dma_wait3A_550] : memref<128x2x100xi32, #tpu.memory_space<vmem>> -> memref<1x1x100xi32, #tpu.memory_space<vmem>>
    %dma_wait3A_552 = tpu.memref_squeeze %dma_wait3A_551 : memref<1x1x100xi32, #tpu.memory_space<vmem>> -> memref<100xi32, #tpu.memory_space<vmem>>
    %dma_wait3A_553 = arith.constant 0 : i32
    %dma_wait3A_554 = arith.constant 0 : i32
    %dma_wait3A_555 = tpu.memref_slice %arg3[%dma_wait3A_553, %dma_wait3A_554] : memref<1024000x32xf32, #tpu.memory_space<hbm>> -> memref<1024000x32xf32, #tpu.memory_space<hbm>>
    tpu.wait_indirect_dma semaphore(%arg9 : memref<!tpu.dma_semaphore, #tpu.memory_space<semaphore_mem>>) src(%dma_wait3A_555 : memref<1024000x32xf32, #tpu.memory_space<hbm>>) dst(%dma_wait3A_549 : memref<100x32xf32, #tpu.memory_space<vmem>>)
    %broadcast_in_dim3A_556 = arith.constant 0xFF80 : bf16
    %broadcast_in_dim3A_557 = vector.broadcast %broadcast_in_dim3A_556 : bf16 to vector<32xbf16>
    %broadcast_in_dim3A_558 = arith.constant 0xFF80 : bf16
    %broadcast_in_dim3A_559 = vector.broadcast %broadcast_in_dim3A_558 : bf16 to vector<32xbf16>
    %scan3A_560 = arith.constant 0 : i32
    %scan3A_561 = arith.constant 100 : i32
    %scan3A_562 = arith.addi %scan3A_560, %scan3A_561 : i32
    %scan3A_563 = arith.constant 1 : i32
    %scan3A_564:2 = scf.for %scan3A_628 = %scan3A_560 to %scan3A_562 step %scan3A_563 iter_args(%scan3A_629 = %broadcast_in_dim3A_557, %scan3A_630 = %broadcast_in_dim3A_559) -> (vector<32xbf16>, vector<32xbf16>)  : i32 {
      %get3A = arith.constant 1 : i32
      %get3A_631 = arith.constant 0 : i32
      %get3A_632 = arith.constant 0 : i32
      %get3A_633 = arith.index_cast %get3A : i32 to index
      %get3A_634 = arith.index_cast %get3A_631 : i32 to index
      %get3A_635 = arith.index_cast %get3A_632 : i32 to index
      %get3A_636 = arith.index_cast %scan3A_628 : i32 to index
      %get3A_637 = arith.constant 0 : index
      %get3A_638 = tpu.vector_load %arg6[%get3A_633, %get3A_634, %get3A_635, %get3A_636, %get3A_637] {strides = array<i32>} : memref<2x4x2x100x32xf32, #tpu.memory_space<vmem>>, vector<16xf32>,
      %bitcast3A = vector.bitcast %get3A_638 : vector<16xf32> to vector<32xbf16>
      %max3A = arith.maximumf %scan3A_629, %bitcast3A : vector<32xbf16>
      %get3A_639 = arith.constant 1 : i32
      %get3A_640 = arith.constant 0 : i32
      %get3A_641 = arith.constant 0 : i32
      %get3A_642 = arith.index_cast %get3A_639 : i32 to index
      %get3A_643 = arith.index_cast %get3A_640 : i32 to index
      %get3A_644 = arith.index_cast %get3A_641 : i32 to index
      %get3A_645 = arith.index_cast %scan3A_628 : i32 to index
      %get3A_646 = arith.constant 16 : index
      %get3A_647 = tpu.vector_load %arg6[%get3A_642, %get3A_643, %get3A_644, %get3A_645, %get3A_646] {strides = array<i32>} : memref<2x4x2x100x32xf32, #tpu.memory_space<vmem>>, vector<16xf32>,
      %bitcast3A_648 = vector.bitcast %get3A_647 : vector<16xf32> to vector<32xbf16>
      %max3A_649 = arith.maximumf %scan3A_630, %bitcast3A_648 : vector<32xbf16>
      %get3A_650 = arith.constant 1 : i32
      %get3A_651 = arith.constant 0 : i32
      %get3A_652 = arith.constant 1 : i32
      %get3A_653 = arith.index_cast %get3A_650 : i32 to index
      %get3A_654 = arith.index_cast %get3A_651 : i32 to index
      %get3A_655 = arith.index_cast %get3A_652 : i32 to index
      %get3A_656 = arith.index_cast %scan3A_628 : i32 to index
      %get3A_657 = arith.constant 0 : index
      %get3A_658 = tpu.vector_load %arg6[%get3A_653, %get3A_654, %get3A_655, %get3A_656, %get3A_657] {strides = array<i32>} : memref<2x4x2x100x32xf32, #tpu.memory_space<vmem>>, vector<16xf32>,
      %bitcast3A_659 = vector.bitcast %get3A_658 : vector<16xf32> to vector<32xbf16>
      %max3A_660 = arith.maximumf %max3A, %bitcast3A_659 : vector<32xbf16>
      %get3A_661 = arith.constant 1 : i32
      %get3A_662 = arith.constant 0 : i32
      %get3A_663 = arith.constant 1 : i32
      %get3A_664 = arith.index_cast %get3A_661 : i32 to index
      %get3A_665 = arith.index_cast %get3A_662 : i32 to index
      %get3A_666 = arith.index_cast %get3A_663 : i32 to index
      %get3A_667 = arith.index_cast %scan3A_628 : i32 to index
      %get3A_668 = arith.constant 16 : index
      %get3A_669 = tpu.vector_load %arg6[%get3A_664, %get3A_665, %get3A_666, %get3A_667, %get3A_668] {strides = array<i32>} : memref<2x4x2x100x32xf32, #tpu.memory_space<vmem>>, vector<16xf32>,
      %bitcast3A_670 = vector.bitcast %get3A_669 : vector<16xf32> to vector<32xbf16>
      %max3A_671 = arith.maximumf %max3A_649, %bitcast3A_670 : vector<32xbf16>
      scf.yield %max3A_660, %max3A_671 : vector<32xbf16>, vector<32xbf16>
    }
    %scan3A_565 = arith.constant 100 : i32
    %swap3A_566 = arith.constant 124 : i32
    %swap3A_567 = arith.index_cast %swap3A_566 : i32 to index
    %swap3A_568 = arith.constant 0 : index
    %swap3A_569 = tpu.vector_load %arg7[%swap3A_567, %swap3A_568] {strides = array<i32>} : memref<128x64xbf16, #tpu.memory_space<vmem>>, vector<32xbf16>,
    tpu.vector_store %arg7[%swap3A_567, %swap3A_568], %scan3A_564#0 {strides = array<i32>} : memref<128x64xbf16, #tpu.memory_space<vmem>>, vector<32xbf16>,
    %swap3A_570 = arith.constant 124 : i32
    %swap3A_571 = arith.index_cast %swap3A_570 : i32 to index
    %swap3A_572 = arith.constant 32 : index
    %swap3A_573 = tpu.vector_load %arg7[%swap3A_571, %swap3A_572] {strides = array<i32>} : memref<128x64xbf16, #tpu.memory_space<vmem>>, vector<32xbf16>,
    tpu.vector_store %arg7[%swap3A_571, %swap3A_572], %scan3A_564#1 {strides = array<i32>} : memref<128x64xbf16, #tpu.memory_space<vmem>>, vector<32xbf16>,
    %broadcast_in_dim3A_574 = arith.constant 0xFF80 : bf16
    %broadcast_in_dim3A_575 = vector.broadcast %broadcast_in_dim3A_574 : bf16 to vector<32xbf16>
    %broadcast_in_dim3A_576 = arith.constant 0xFF80 : bf16
    %broadcast_in_dim3A_577 = vector.broadcast %broadcast_in_dim3A_576 : bf16 to vector<32xbf16>
    %scan3A_578 = arith.constant 0 : i32
    %scan3A_579 = arith.constant 100 : i32
    %scan3A_580 = arith.addi %scan3A_578, %scan3A_579 : i32
    %scan3A_581 = arith.constant 1 : i32
    %scan3A_582:2 = scf.for %scan3A_628 = %scan3A_578 to %scan3A_580 step %scan3A_581 iter_args(%scan3A_629 = %broadcast_in_dim3A_575, %scan3A_630 = %broadcast_in_dim3A_577) -> (vector<32xbf16>, vector<32xbf16>)  : i32 {
      %get3A = arith.constant 1 : i32
      %get3A_631 = arith.constant 1 : i32
      %get3A_632 = arith.constant 0 : i32
      %get3A_633 = arith.index_cast %get3A : i32 to index
      %get3A_634 = arith.index_cast %get3A_631 : i32 to index
      %get3A_635 = arith.index_cast %get3A_632 : i32 to index
      %get3A_636 = arith.index_cast %scan3A_628 : i32 to index
      %get3A_637 = arith.constant 0 : index
      %get3A_638 = tpu.vector_load %arg6[%get3A_633, %get3A_634, %get3A_635, %get3A_636, %get3A_637] {strides = array<i32>} : memref<2x4x2x100x32xf32, #tpu.memory_space<vmem>>, vector<16xf32>,
      %bitcast3A = vector.bitcast %get3A_638 : vector<16xf32> to vector<32xbf16>
      %max3A = arith.maximumf %scan3A_629, %bitcast3A : vector<32xbf16>
      %get3A_639 = arith.constant 1 : i32
      %get3A_640 = arith.constant 1 : i32
      %get3A_641 = arith.constant 0 : i32
      %get3A_642 = arith.index_cast %get3A_639 : i32 to index
      %get3A_643 = arith.index_cast %get3A_640 : i32 to index
      %get3A_644 = arith.index_cast %get3A_641 : i32 to index
      %get3A_645 = arith.index_cast %scan3A_628 : i32 to index
      %get3A_646 = arith.constant 16 : index
      %get3A_647 = tpu.vector_load %arg6[%get3A_642, %get3A_643, %get3A_644, %get3A_645, %get3A_646] {strides = array<i32>} : memref<2x4x2x100x32xf32, #tpu.memory_space<vmem>>, vector<16xf32>,
      %bitcast3A_648 = vector.bitcast %get3A_647 : vector<16xf32> to vector<32xbf16>
      %max3A_649 = arith.maximumf %scan3A_630, %bitcast3A_648 : vector<32xbf16>
      %get3A_650 = arith.constant 1 : i32
      %get3A_651 = arith.constant 1 : i32
      %get3A_652 = arith.constant 1 : i32
      %get3A_653 = arith.index_cast %get3A_650 : i32 to index
      %get3A_654 = arith.index_cast %get3A_651 : i32 to index
      %get3A_655 = arith.index_cast %get3A_652 : i32 to index
      %get3A_656 = arith.index_cast %scan3A_628 : i32 to index
      %get3A_657 = arith.constant 0 : index
      %get3A_658 = tpu.vector_load %arg6[%get3A_653, %get3A_654, %get3A_655, %get3A_656, %get3A_657] {strides = array<i32>} : memref<2x4x2x100x32xf32, #tpu.memory_space<vmem>>, vector<16xf32>,
      %bitcast3A_659 = vector.bitcast %get3A_658 : vector<16xf32> to vector<32xbf16>
      %max3A_660 = arith.maximumf %max3A, %bitcast3A_659 : vector<32xbf16>
      %get3A_661 = arith.constant 1 : i32
      %get3A_662 = arith.constant 1 : i32
      %get3A_663 = arith.constant 1 : i32
      %get3A_664 = arith.index_cast %get3A_661 : i32 to index
      %get3A_665 = arith.index_cast %get3A_662 : i32 to index
      %get3A_666 = arith.index_cast %get3A_663 : i32 to index
      %get3A_667 = arith.index_cast %scan3A_628 : i32 to index
      %get3A_668 = arith.constant 16 : index
      %get3A_669 = tpu.vector_load %arg6[%get3A_664, %get3A_665, %get3A_666, %get3A_667, %get3A_668] {strides = array<i32>} : memref<2x4x2x100x32xf32, #tpu.memory_space<vmem>>, vector<16xf32>,
      %bitcast3A_670 = vector.bitcast %get3A_669 : vector<16xf32> to vector<32xbf16>
      %max3A_671 = arith.maximumf %max3A_649, %bitcast3A_670 : vector<32xbf16>
      scf.yield %max3A_660, %max3A_671 : vector<32xbf16>, vector<32xbf16>
    }
    %scan3A_583 = arith.constant 100 : i32
    %swap3A_584 = arith.constant 125 : i32
    %swap3A_585 = arith.index_cast %swap3A_584 : i32 to index
    %swap3A_586 = arith.constant 0 : index
    %swap3A_587 = tpu.vector_load %arg7[%swap3A_585, %swap3A_586] {strides = array<i32>} : memref<128x64xbf16, #tpu.memory_space<vmem>>, vector<32xbf16>,
    tpu.vector_store %arg7[%swap3A_585, %swap3A_586], %scan3A_582#0 {strides = array<i32>} : memref<128x64xbf16, #tpu.memory_space<vmem>>, vector<32xbf16>,
    %swap3A_588 = arith.constant 125 : i32
    %swap3A_589 = arith.index_cast %swap3A_588 : i32 to index
    %swap3A_590 = arith.constant 32 : index
    %swap3A_591 = tpu.vector_load %arg7[%swap3A_589, %swap3A_590] {strides = array<i32>} : memref<128x64xbf16, #tpu.memory_space<vmem>>, vector<32xbf16>,
    tpu.vector_store %arg7[%swap3A_589, %swap3A_590], %scan3A_582#1 {strides = array<i32>} : memref<128x64xbf16, #tpu.memory_space<vmem>>, vector<32xbf16>,
    %broadcast_in_dim3A_592 = arith.constant 0xFF80 : bf16
    %broadcast_in_dim3A_593 = vector.broadcast %broadcast_in_dim3A_592 : bf16 to vector<32xbf16>
    %broadcast_in_dim3A_594 = arith.constant 0xFF80 : bf16
    %broadcast_in_dim3A_595 = vector.broadcast %broadcast_in_dim3A_594 : bf16 to vector<32xbf16>
    %scan3A_596 = arith.constant 0 : i32
    %scan3A_597 = arith.constant 100 : i32
    %scan3A_598 = arith.addi %scan3A_596, %scan3A_597 : i32
    %scan3A_599 = arith.constant 1 : i32
    %scan3A_600:2 = scf.for %scan3A_628 = %scan3A_596 to %scan3A_598 step %scan3A_599 iter_args(%scan3A_629 = %broadcast_in_dim3A_593, %scan3A_630 = %broadcast_in_dim3A_595) -> (vector<32xbf16>, vector<32xbf16>)  : i32 {
      %get3A = arith.constant 1 : i32
      %get3A_631 = arith.constant 2 : i32
      %get3A_632 = arith.constant 0 : i32
      %get3A_633 = arith.index_cast %get3A : i32 to index
      %get3A_634 = arith.index_cast %get3A_631 : i32 to index
      %get3A_635 = arith.index_cast %get3A_632 : i32 to index
      %get3A_636 = arith.index_cast %scan3A_628 : i32 to index
      %get3A_637 = arith.constant 0 : index
      %get3A_638 = tpu.vector_load %arg6[%get3A_633, %get3A_634, %get3A_635, %get3A_636, %get3A_637] {strides = array<i32>} : memref<2x4x2x100x32xf32, #tpu.memory_space<vmem>>, vector<16xf32>,
      %bitcast3A = vector.bitcast %get3A_638 : vector<16xf32> to vector<32xbf16>
      %max3A = arith.maximumf %scan3A_629, %bitcast3A : vector<32xbf16>
      %get3A_639 = arith.constant 1 : i32
      %get3A_640 = arith.constant 2 : i32
      %get3A_641 = arith.constant 0 : i32
      %get3A_642 = arith.index_cast %get3A_639 : i32 to index
      %get3A_643 = arith.index_cast %get3A_640 : i32 to index
      %get3A_644 = arith.index_cast %get3A_641 : i32 to index
      %get3A_645 = arith.index_cast %scan3A_628 : i32 to index
      %get3A_646 = arith.constant 16 : index
      %get3A_647 = tpu.vector_load %arg6[%get3A_642, %get3A_643, %get3A_644, %get3A_645, %get3A_646] {strides = array<i32>} : memref<2x4x2x100x32xf32, #tpu.memory_space<vmem>>, vector<16xf32>,
      %bitcast3A_648 = vector.bitcast %get3A_647 : vector<16xf32> to vector<32xbf16>
      %max3A_649 = arith.maximumf %scan3A_630, %bitcast3A_648 : vector<32xbf16>
      %get3A_650 = arith.constant 1 : i32
      %get3A_651 = arith.constant 2 : i32
      %get3A_652 = arith.constant 1 : i32
      %get3A_653 = arith.index_cast %get3A_650 : i32 to index
      %get3A_654 = arith.index_cast %get3A_651 : i32 to index
      %get3A_655 = arith.index_cast %get3A_652 : i32 to index
      %get3A_656 = arith.index_cast %scan3A_628 : i32 to index
      %get3A_657 = arith.constant 0 : index
      %get3A_658 = tpu.vector_load %arg6[%get3A_653, %get3A_654, %get3A_655, %get3A_656, %get3A_657] {strides = array<i32>} : memref<2x4x2x100x32xf32, #tpu.memory_space<vmem>>, vector<16xf32>,
      %bitcast3A_659 = vector.bitcast %get3A_658 : vector<16xf32> to vector<32xbf16>
      %max3A_660 = arith.maximumf %max3A, %bitcast3A_659 : vector<32xbf16>
      %get3A_661 = arith.constant 1 : i32
      %get3A_662 = arith.constant 2 : i32
      %get3A_663 = arith.constant 1 : i32
      %get3A_664 = arith.index_cast %get3A_661 : i32 to index
      %get3A_665 = arith.index_cast %get3A_662 : i32 to index
      %get3A_666 = arith.index_cast %get3A_663 : i32 to index
      %get3A_667 = arith.index_cast %scan3A_628 : i32 to index
      %get3A_668 = arith.constant 16 : index
      %get3A_669 = tpu.vector_load %arg6[%get3A_664, %get3A_665, %get3A_666, %get3A_667, %get3A_668] {strides = array<i32>} : memref<2x4x2x100x32xf32, #tpu.memory_space<vmem>>, vector<16xf32>,
      %bitcast3A_670 = vector.bitcast %get3A_669 : vector<16xf32> to vector<32xbf16>
      %max3A_671 = arith.maximumf %max3A_649, %bitcast3A_670 : vector<32xbf16>
      scf.yield %max3A_660, %max3A_671 : vector<32xbf16>, vector<32xbf16>
    }
    %scan3A_601 = arith.constant 100 : i32
    %swap3A_602 = arith.constant 126 : i32
    %swap3A_603 = arith.index_cast %swap3A_602 : i32 to index
    %swap3A_604 = arith.constant 0 : index
    %swap3A_605 = tpu.vector_load %arg7[%swap3A_603, %swap3A_604] {strides = array<i32>} : memref<128x64xbf16, #tpu.memory_space<vmem>>, vector<32xbf16>,
    tpu.vector_store %arg7[%swap3A_603, %swap3A_604], %scan3A_600#0 {strides = array<i32>} : memref<128x64xbf16, #tpu.memory_space<vmem>>, vector<32xbf16>,
    %swap3A_606 = arith.constant 126 : i32
    %swap3A_607 = arith.index_cast %swap3A_606 : i32 to index
    %swap3A_608 = arith.constant 32 : index
    %swap3A_609 = tpu.vector_load %arg7[%swap3A_607, %swap3A_608] {strides = array<i32>} : memref<128x64xbf16, #tpu.memory_space<vmem>>, vector<32xbf16>,
    tpu.vector_store %arg7[%swap3A_607, %swap3A_608], %scan3A_600#1 {strides = array<i32>} : memref<128x64xbf16, #tpu.memory_space<vmem>>, vector<32xbf16>,
    %broadcast_in_dim3A_610 = arith.constant 0xFF80 : bf16
    %broadcast_in_dim3A_611 = vector.broadcast %broadcast_in_dim3A_610 : bf16 to vector<32xbf16>
    %broadcast_in_dim3A_612 = arith.constant 0xFF80 : bf16
    %broadcast_in_dim3A_613 = vector.broadcast %broadcast_in_dim3A_612 : bf16 to vector<32xbf16>
    %scan3A_614 = arith.constant 0 : i32
    %scan3A_615 = arith.constant 100 : i32
    %scan3A_616 = arith.addi %scan3A_614, %scan3A_615 : i32
    %scan3A_617 = arith.constant 1 : i32
    %scan3A_618:2 = scf.for %scan3A_628 = %scan3A_614 to %scan3A_616 step %scan3A_617 iter_args(%scan3A_629 = %broadcast_in_dim3A_611, %scan3A_630 = %broadcast_in_dim3A_613) -> (vector<32xbf16>, vector<32xbf16>)  : i32 {
      %get3A = arith.constant 1 : i32
      %get3A_631 = arith.constant 3 : i32
      %get3A_632 = arith.constant 0 : i32
      %get3A_633 = arith.index_cast %get3A : i32 to index
      %get3A_634 = arith.index_cast %get3A_631 : i32 to index
      %get3A_635 = arith.index_cast %get3A_632 : i32 to index
      %get3A_636 = arith.index_cast %scan3A_628 : i32 to index
      %get3A_637 = arith.constant 0 : index
      %get3A_638 = tpu.vector_load %arg6[%get3A_633, %get3A_634, %get3A_635, %get3A_636, %get3A_637] {strides = array<i32>} : memref<2x4x2x100x32xf32, #tpu.memory_space<vmem>>, vector<16xf32>,
      %bitcast3A = vector.bitcast %get3A_638 : vector<16xf32> to vector<32xbf16>
      %max3A = arith.maximumf %scan3A_629, %bitcast3A : vector<32xbf16>
      %get3A_639 = arith.constant 1 : i32
      %get3A_640 = arith.constant 3 : i32
      %get3A_641 = arith.constant 0 : i32
      %get3A_642 = arith.index_cast %get3A_639 : i32 to index
      %get3A_643 = arith.index_cast %get3A_640 : i32 to index
      %get3A_644 = arith.index_cast %get3A_641 : i32 to index
      %get3A_645 = arith.index_cast %scan3A_628 : i32 to index
      %get3A_646 = arith.constant 16 : index
      %get3A_647 = tpu.vector_load %arg6[%get3A_642, %get3A_643, %get3A_644, %get3A_645, %get3A_646] {strides = array<i32>} : memref<2x4x2x100x32xf32, #tpu.memory_space<vmem>>, vector<16xf32>,
      %bitcast3A_648 = vector.bitcast %get3A_647 : vector<16xf32> to vector<32xbf16>
      %max3A_649 = arith.maximumf %scan3A_630, %bitcast3A_648 : vector<32xbf16>
      %get3A_650 = arith.constant 1 : i32
      %get3A_651 = arith.constant 3 : i32
      %get3A_652 = arith.constant 1 : i32
      %get3A_653 = arith.index_cast %get3A_650 : i32 to index
      %get3A_654 = arith.index_cast %get3A_651 : i32 to index
      %get3A_655 = arith.index_cast %get3A_652 : i32 to index
      %get3A_656 = arith.index_cast %scan3A_628 : i32 to index
      %get3A_657 = arith.constant 0 : index
      %get3A_658 = tpu.vector_load %arg6[%get3A_653, %get3A_654, %get3A_655, %get3A_656, %get3A_657] {strides = array<i32>} : memref<2x4x2x100x32xf32, #tpu.memory_space<vmem>>, vector<16xf32>,
      %bitcast3A_659 = vector.bitcast %get3A_658 : vector<16xf32> to vector<32xbf16>
      %max3A_660 = arith.maximumf %max3A, %bitcast3A_659 : vector<32xbf16>
      %get3A_661 = arith.constant 1 : i32
      %get3A_662 = arith.constant 3 : i32
      %get3A_663 = arith.constant 1 : i32
      %get3A_664 = arith.index_cast %get3A_661 : i32 to index
      %get3A_665 = arith.index_cast %get3A_662 : i32 to index
      %get3A_666 = arith.index_cast %get3A_663 : i32 to index
      %get3A_667 = arith.index_cast %scan3A_628 : i32 to index
      %get3A_668 = arith.constant 16 : index
      %get3A_669 = tpu.vector_load %arg6[%get3A_664, %get3A_665, %get3A_666, %get3A_667, %get3A_668] {strides = array<i32>} : memref<2x4x2x100x32xf32, #tpu.memory_space<vmem>>, vector<16xf32>,
      %bitcast3A_670 = vector.bitcast %get3A_669 : vector<16xf32> to vector<32xbf16>
      %max3A_671 = arith.maximumf %max3A_649, %bitcast3A_670 : vector<32xbf16>
      scf.yield %max3A_660, %max3A_671 : vector<32xbf16>, vector<32xbf16>
    }
    %scan3A_619 = arith.constant 100 : i32
    %swap3A_620 = arith.constant 127 : i32
    %swap3A_621 = arith.index_cast %swap3A_620 : i32 to index
    %swap3A_622 = arith.constant 0 : index
    %swap3A_623 = tpu.vector_load %arg7[%swap3A_621, %swap3A_622] {strides = array<i32>} : memref<128x64xbf16, #tpu.memory_space<vmem>>, vector<32xbf16>,
    tpu.vector_store %arg7[%swap3A_621, %swap3A_622], %scan3A_618#0 {strides = array<i32>} : memref<128x64xbf16, #tpu.memory_space<vmem>>, vector<32xbf16>,
    %swap3A_624 = arith.constant 127 : i32
    %swap3A_625 = arith.index_cast %swap3A_624 : i32 to index
    %swap3A_626 = arith.constant 32 : index
    %swap3A_627 = tpu.vector_load %arg7[%swap3A_625, %swap3A_626] {strides = array<i32>} : memref<128x64xbf16, #tpu.memory_space<vmem>>, vector<32xbf16>,
    tpu.vector_store %arg7[%swap3A_625, %swap3A_626], %scan3A_618#1 {strides = array<i32>} : memref<128x64xbf16, #tpu.memory_space<vmem>>, vector<32xbf16>,
    "tpu.region"() ({
      %run_scoped3A = tpu.sem_alloc : memref<!tpu.dma_semaphore, #tpu.memory_space<semaphore_mem>>
      %dma_start3A_628 = arith.constant 0 : i32
      %dma_start3A_629 = tpu.memref_slice %arg4[%mul3A_2, %dma_start3A_628] : memref<4096x64xbf16, #tpu.memory_space<hbm>> -> memref<128x64xbf16, #tpu.memory_space<hbm>>
      %dma_start3A_630 = arith.constant 0 : i32
      %dma_start3A_631 = tpu.memref_slice %arg4[%mul3A_2, %dma_start3A_630] : memref<4096x64xbf16, #tpu.memory_space<hbm>> -> memref<128x64xbf16, #tpu.memory_space<hbm>>
      tpu.enqueue_dma source(%arg7 : memref<128x64xbf16, #tpu.memory_space<vmem>>) target(%dma_start3A_631 : memref<128x64xbf16, #tpu.memory_space<hbm>>) target_semaphore(%run_scoped3A : memref<!tpu.dma_semaphore, #tpu.memory_space<semaphore_mem>>)
      %dma_wait3A_632 = arith.constant 0 : i32
      %dma_wait3A_633 = tpu.memref_slice %arg4[%mul3A_2, %dma_wait3A_632] : memref<4096x64xbf16, #tpu.memory_space<hbm>> -> memref<128x64xbf16, #tpu.memory_space<hbm>>
      %dma_wait3A_634 = arith.constant 0 : i32
      %dma_wait3A_635 = tpu.memref_slice %arg4[%mul3A_2, %dma_wait3A_634] : memref<4096x64xbf16, #tpu.memory_space<hbm>> -> memref<128x64xbf16, #tpu.memory_space<hbm>>
      tpu.wait_dma2 semaphore(%run_scoped3A : memref<!tpu.dma_semaphore, #tpu.memory_space<semaphore_mem>>) src(%arg7 : memref<128x64xbf16, #tpu.memory_space<vmem>>) dst(%dma_wait3A_635 : memref<128x64xbf16, #tpu.memory_space<hbm>>)
      tpu.yield
    }) : () -> ()
    return
  }
}

module attributes {stable_mosaic.version = 14 : i64} {
  func.func @_transpose_body(%arg0: i32, %arg1: memref<64x6400xf32, #tpu.memory_space<vmem>>, %arg2: memref<64x6400xf32, #tpu.memory_space<vmem>>, %arg3: memref<64x6400xf32, #tpu.memory_space<vmem>>, %arg4: memref<64x6400xf32, #tpu.memory_space<vmem>>, %arg5: memref<6400x128xf32, #tpu.memory_space<vmem>>) attributes {dimension_semantics = [#tpu.dimension_semantics<arbitrary>], iteration_bounds = array<i64: 40>, scalar_prefetch = 0 : i64, scratch_operands = 0 : i64, tpu.core_type = #tpu.core_type<tc>, window_params = [{transform_indices = @transform_0, window_bounds = array<i64: 64, 6400>}, {transform_indices = @transform_1, window_bounds = array<i64: 64, 6400>}, {transform_indices = @transform_2, window_bounds = array<i64: 64, 6400>}, {transform_indices = @transform_3, window_bounds = array<i64: 64, 6400>}, {transform_indices = @transform_4, window_bounds = array<i64: 6400, 128>}]} {
    %get3A = arith.constant 0 : index
    %get3A_0 = arith.constant 0 : index
    %get3A_1 = vector.load %arg1[%get3A, %get3A_0] : memref<64x6400xf32, #tpu.memory_space<vmem>>, vector<64x6400xf32>
    %bitcast_convert_type3A = tpu.bitcast %get3A_1 : vector<64x6400xf32> -> vector<64x6400xi32>
    %shift_right_logical3A = arith.constant 16 : i32
    %shift_right_logical3A_2 = vector.broadcast %shift_right_logical3A : i32 to vector<64x6400xi32>
    %shift_right_logical3A_3 = arith.shrui %bitcast_convert_type3A, %shift_right_logical3A_2 : vector<64x6400xi32>
    %and3A = arith.constant 1 : i32
    %and3A_4 = vector.broadcast %and3A : i32 to vector<64x6400xi32>
    %and3A_5 = arith.andi %shift_right_logical3A_3, %and3A_4 : vector<64x6400xi32>
    %add3A = arith.constant 32767 : i32
    %add3A_6 = vector.broadcast %add3A : i32 to vector<64x6400xi32>
    %add3A_7 = arith.addi %and3A_5, %add3A_6 : vector<64x6400xi32>
    %add3A_8 = arith.addi %bitcast_convert_type3A, %add3A_7 : vector<64x6400xi32>
    %shift_right_logical3A_9 = arith.constant 16 : i32
    %shift_right_logical3A_10 = vector.broadcast %shift_right_logical3A_9 : i32 to vector<64x6400xi32>
    %shift_right_logical3A_11 = arith.shrui %add3A_8, %shift_right_logical3A_10 : vector<64x6400xi32>
    %slice3A = vector.extract_strided_slice %shift_right_logical3A_11 {offsets = [0, 0], sizes = [32, 6400], strides = [1, 1]} : vector<64x6400xi32> to vector<32x6400xi32>
    %slice3A_12 = vector.extract_strided_slice %shift_right_logical3A_11 {offsets = [32, 0], sizes = [32, 6400], strides = [1, 1]} : vector<64x6400xi32> to vector<32x6400xi32>
    %shift_left3A = arith.constant 16 : i32
    %shift_left3A_13 = vector.broadcast %shift_left3A : i32 to vector<32x6400xi32>
    %shift_left3A_14 = arith.shli %slice3A_12, %shift_left3A_13 : vector<32x6400xi32>
    %or3A = arith.ori %slice3A, %shift_left3A_14 : vector<32x6400xi32>
    %bitcast_convert_type3A_15 = tpu.bitcast %or3A : vector<32x6400xi32> -> vector<32x6400xf32>
    %transpose3A = tpu.transpose %bitcast_convert_type3A_15, [1, 0] : vector<32x6400xf32> -> vector<6400x32xf32>
    %swap3A = arith.constant 0 : index
    %swap3A_16 = arith.constant 0 : index
    %swap3A_17 = vector.load %arg5[%swap3A, %swap3A_16] : memref<6400x128xf32, #tpu.memory_space<vmem>>, vector<6400x32xf32>
    tpu.vector_store %arg5[%swap3A, %swap3A_16], %transpose3A {strides = array<i32>} : memref<6400x128xf32, #tpu.memory_space<vmem>>, vector<6400x32xf32>,
    %get3A_18 = arith.constant 0 : index
    %get3A_19 = arith.constant 0 : index
    %get3A_20 = vector.load %arg2[%get3A_18, %get3A_19] : memref<64x6400xf32, #tpu.memory_space<vmem>>, vector<64x6400xf32>
    %bitcast_convert_type3A_21 = tpu.bitcast %get3A_20 : vector<64x6400xf32> -> vector<64x6400xi32>
    %shift_right_logical3A_22 = arith.constant 16 : i32
    %shift_right_logical3A_23 = vector.broadcast %shift_right_logical3A_22 : i32 to vector<64x6400xi32>
    %shift_right_logical3A_24 = arith.shrui %bitcast_convert_type3A_21, %shift_right_logical3A_23 : vector<64x6400xi32>
    %and3A_25 = arith.constant 1 : i32
    %and3A_26 = vector.broadcast %and3A_25 : i32 to vector<64x6400xi32>
    %and3A_27 = arith.andi %shift_right_logical3A_24, %and3A_26 : vector<64x6400xi32>
    %add3A_28 = arith.constant 32767 : i32
    %add3A_29 = vector.broadcast %add3A_28 : i32 to vector<64x6400xi32>
    %add3A_30 = arith.addi %and3A_27, %add3A_29 : vector<64x6400xi32>
    %add3A_31 = arith.addi %bitcast_convert_type3A_21, %add3A_30 : vector<64x6400xi32>
    %shift_right_logical3A_32 = arith.constant 16 : i32
    %shift_right_logical3A_33 = vector.broadcast %shift_right_logical3A_32 : i32 to vector<64x6400xi32>
    %shift_right_logical3A_34 = arith.shrui %add3A_31, %shift_right_logical3A_33 : vector<64x6400xi32>
    %slice3A_35 = vector.extract_strided_slice %shift_right_logical3A_34 {offsets = [0, 0], sizes = [32, 6400], strides = [1, 1]} : vector<64x6400xi32> to vector<32x6400xi32>
    %slice3A_36 = vector.extract_strided_slice %shift_right_logical3A_34 {offsets = [32, 0], sizes = [32, 6400], strides = [1, 1]} : vector<64x6400xi32> to vector<32x6400xi32>
    %shift_left3A_37 = arith.constant 16 : i32
    %shift_left3A_38 = vector.broadcast %shift_left3A_37 : i32 to vector<32x6400xi32>
    %shift_left3A_39 = arith.shli %slice3A_36, %shift_left3A_38 : vector<32x6400xi32>
    %or3A_40 = arith.ori %slice3A_35, %shift_left3A_39 : vector<32x6400xi32>
    %bitcast_convert_type3A_41 = tpu.bitcast %or3A_40 : vector<32x6400xi32> -> vector<32x6400xf32>
    %transpose3A_42 = tpu.transpose %bitcast_convert_type3A_41, [1, 0] : vector<32x6400xf32> -> vector<6400x32xf32>
    %swap3A_43 = arith.constant 0 : index
    %swap3A_44 = arith.constant 32 : index
    %swap3A_45 = vector.load %arg5[%swap3A_43, %swap3A_44] : memref<6400x128xf32, #tpu.memory_space<vmem>>, vector<6400x32xf32>
    tpu.vector_store %arg5[%swap3A_43, %swap3A_44], %transpose3A_42 {strides = array<i32>} : memref<6400x128xf32, #tpu.memory_space<vmem>>, vector<6400x32xf32>,
    %get3A_46 = arith.constant 0 : index
    %get3A_47 = arith.constant 0 : index
    %get3A_48 = vector.load %arg3[%get3A_46, %get3A_47] : memref<64x6400xf32, #tpu.memory_space<vmem>>, vector<64x6400xf32>
    %bitcast_convert_type3A_49 = tpu.bitcast %get3A_48 : vector<64x6400xf32> -> vector<64x6400xi32>
    %shift_right_logical3A_50 = arith.constant 16 : i32
    %shift_right_logical3A_51 = vector.broadcast %shift_right_logical3A_50 : i32 to vector<64x6400xi32>
    %shift_right_logical3A_52 = arith.shrui %bitcast_convert_type3A_49, %shift_right_logical3A_51 : vector<64x6400xi32>
    %and3A_53 = arith.constant 1 : i32
    %and3A_54 = vector.broadcast %and3A_53 : i32 to vector<64x6400xi32>
    %and3A_55 = arith.andi %shift_right_logical3A_52, %and3A_54 : vector<64x6400xi32>
    %add3A_56 = arith.constant 32767 : i32
    %add3A_57 = vector.broadcast %add3A_56 : i32 to vector<64x6400xi32>
    %add3A_58 = arith.addi %and3A_55, %add3A_57 : vector<64x6400xi32>
    %add3A_59 = arith.addi %bitcast_convert_type3A_49, %add3A_58 : vector<64x6400xi32>
    %shift_right_logical3A_60 = arith.constant 16 : i32
    %shift_right_logical3A_61 = vector.broadcast %shift_right_logical3A_60 : i32 to vector<64x6400xi32>
    %shift_right_logical3A_62 = arith.shrui %add3A_59, %shift_right_logical3A_61 : vector<64x6400xi32>
    %slice3A_63 = vector.extract_strided_slice %shift_right_logical3A_62 {offsets = [0, 0], sizes = [32, 6400], strides = [1, 1]} : vector<64x6400xi32> to vector<32x6400xi32>
    %slice3A_64 = vector.extract_strided_slice %shift_right_logical3A_62 {offsets = [32, 0], sizes = [32, 6400], strides = [1, 1]} : vector<64x6400xi32> to vector<32x6400xi32>
    %shift_left3A_65 = arith.constant 16 : i32
    %shift_left3A_66 = vector.broadcast %shift_left3A_65 : i32 to vector<32x6400xi32>
    %shift_left3A_67 = arith.shli %slice3A_64, %shift_left3A_66 : vector<32x6400xi32>
    %or3A_68 = arith.ori %slice3A_63, %shift_left3A_67 : vector<32x6400xi32>
    %bitcast_convert_type3A_69 = tpu.bitcast %or3A_68 : vector<32x6400xi32> -> vector<32x6400xf32>
    %transpose3A_70 = tpu.transpose %bitcast_convert_type3A_69, [1, 0] : vector<32x6400xf32> -> vector<6400x32xf32>
    %swap3A_71 = arith.constant 0 : index
    %swap3A_72 = arith.constant 64 : index
    %swap3A_73 = vector.load %arg5[%swap3A_71, %swap3A_72] : memref<6400x128xf32, #tpu.memory_space<vmem>>, vector<6400x32xf32>
    tpu.vector_store %arg5[%swap3A_71, %swap3A_72], %transpose3A_70 {strides = array<i32>} : memref<6400x128xf32, #tpu.memory_space<vmem>>, vector<6400x32xf32>,
    %get3A_74 = arith.constant 0 : index
    %get3A_75 = arith.constant 0 : index
    %get3A_76 = vector.load %arg4[%get3A_74, %get3A_75] : memref<64x6400xf32, #tpu.memory_space<vmem>>, vector<64x6400xf32>
    %bitcast_convert_type3A_77 = tpu.bitcast %get3A_76 : vector<64x6400xf32> -> vector<64x6400xi32>
    %shift_right_logical3A_78 = arith.constant 16 : i32
    %shift_right_logical3A_79 = vector.broadcast %shift_right_logical3A_78 : i32 to vector<64x6400xi32>
    %shift_right_logical3A_80 = arith.shrui %bitcast_convert_type3A_77, %shift_right_logical3A_79 : vector<64x6400xi32>
    %and3A_81 = arith.constant 1 : i32
    %and3A_82 = vector.broadcast %and3A_81 : i32 to vector<64x6400xi32>
    %and3A_83 = arith.andi %shift_right_logical3A_80, %and3A_82 : vector<64x6400xi32>
    %add3A_84 = arith.constant 32767 : i32
    %add3A_85 = vector.broadcast %add3A_84 : i32 to vector<64x6400xi32>
    %add3A_86 = arith.addi %and3A_83, %add3A_85 : vector<64x6400xi32>
    %add3A_87 = arith.addi %bitcast_convert_type3A_77, %add3A_86 : vector<64x6400xi32>
    %shift_right_logical3A_88 = arith.constant 16 : i32
    %shift_right_logical3A_89 = vector.broadcast %shift_right_logical3A_88 : i32 to vector<64x6400xi32>
    %shift_right_logical3A_90 = arith.shrui %add3A_87, %shift_right_logical3A_89 : vector<64x6400xi32>
    %slice3A_91 = vector.extract_strided_slice %shift_right_logical3A_90 {offsets = [0, 0], sizes = [32, 6400], strides = [1, 1]} : vector<64x6400xi32> to vector<32x6400xi32>
    %slice3A_92 = vector.extract_strided_slice %shift_right_logical3A_90 {offsets = [32, 0], sizes = [32, 6400], strides = [1, 1]} : vector<64x6400xi32> to vector<32x6400xi32>
    %shift_left3A_93 = arith.constant 16 : i32
    %shift_left3A_94 = vector.broadcast %shift_left3A_93 : i32 to vector<32x6400xi32>
    %shift_left3A_95 = arith.shli %slice3A_92, %shift_left3A_94 : vector<32x6400xi32>
    %or3A_96 = arith.ori %slice3A_91, %shift_left3A_95 : vector<32x6400xi32>
    %bitcast_convert_type3A_97 = tpu.bitcast %or3A_96 : vector<32x6400xi32> -> vector<32x6400xf32>
    %transpose3A_98 = tpu.transpose %bitcast_convert_type3A_97, [1, 0] : vector<32x6400xf32> -> vector<6400x32xf32>
    %swap3A_99 = arith.constant 0 : index
    %swap3A_100 = arith.constant 96 : index
    %swap3A_101 = vector.load %arg5[%swap3A_99, %swap3A_100] : memref<6400x128xf32, #tpu.memory_space<vmem>>, vector<6400x32xf32>
    tpu.vector_store %arg5[%swap3A_99, %swap3A_100], %transpose3A_98 {strides = array<i32>} : memref<6400x128xf32, #tpu.memory_space<vmem>>, vector<6400x32xf32>,
    return
  }
  func.func @transform_0(%arg0: i32) -> (i32, i32) {
    %add3A = arith.constant 0 : i32
    %add3A_0 = arith.addi %add3A, %arg0 : i32
    %min3A = arith.constant 156 : i32
    %min3A_1 = arith.minsi %add3A_0, %min3A : i32
    %c0_i32 = arith.constant 0 : i32
    %c0_i32_2 = arith.constant 0 : i32
    return %c0_i32, %min3A_1 : i32, i32
  }
  func.func @transform_1(%arg0: i32) -> (i32, i32) {
    %add3A = arith.constant 40 : i32
    %add3A_0 = arith.addi %add3A, %arg0 : i32
    %min3A = arith.constant 156 : i32
    %min3A_1 = arith.minsi %add3A_0, %min3A : i32
    %c0_i32 = arith.constant 0 : i32
    %c0_i32_2 = arith.constant 0 : i32
    return %c0_i32, %min3A_1 : i32, i32
  }
  func.func @transform_2(%arg0: i32) -> (i32, i32) {
    %add3A = arith.constant 80 : i32
    %add3A_0 = arith.addi %add3A, %arg0 : i32
    %min3A = arith.constant 156 : i32
    %min3A_1 = arith.minsi %add3A_0, %min3A : i32
    %c0_i32 = arith.constant 0 : i32
    %c0_i32_2 = arith.constant 0 : i32
    return %c0_i32, %min3A_1 : i32, i32
  }
  func.func @transform_3(%arg0: i32) -> (i32, i32) {
    %add3A = arith.constant 120 : i32
    %add3A_0 = arith.addi %add3A, %arg0 : i32
    %min3A = arith.constant 156 : i32
    %min3A_1 = arith.minsi %add3A_0, %min3A : i32
    %c0_i32 = arith.constant 0 : i32
    %c0_i32_2 = arith.constant 0 : i32
    return %c0_i32, %min3A_1 : i32, i32
  }
  func.func @transform_4(%arg0: i32) -> (i32, i32) {
    %c0_i32 = arith.constant 0 : i32
    %c0_i32_0 = arith.constant 0 : i32
    return %arg0, %c0_i32 : i32, i32
  }
}

module attributes {stable_mosaic.version = 14 : i64} {
  func.func @_head_body(%arg0: memref<4096x64xbf16, #tpu.memory_space<vmem>>, %arg1: memref<128x64xf32, #tpu.memory_space<vmem>>, %arg2: memref<1x128xf32, #tpu.memory_space<vmem>>, %arg3: memref<4096x128xf32, #tpu.memory_space<vmem>>) attributes {dimension_semantics = [], scalar_prefetch = 0 : i64, scratch_operands = 0 : i64, tpu.core_type = #tpu.core_type<tc>} {
    %get3A = arith.constant 0 : index
    %get3A_0 = arith.constant 0 : index
    %get3A_1 = vector.load %arg0[%get3A, %get3A_0] : memref<4096x64xbf16, #tpu.memory_space<vmem>>, vector<4096x64xbf16>
    %convert_element_type3A = arith.extf %get3A_1 : vector<4096x64xbf16> to vector<4096x64xf32>
    %get3A_2 = arith.constant 0 : index
    %get3A_3 = arith.constant 0 : index
    %get3A_4 = vector.load %arg1[%get3A_2, %get3A_3] : memref<128x64xf32, #tpu.memory_space<vmem>>, vector<128x64xf32>
    %dot_general3A = arith.constant dense<0.000000e+00> : vector<4096x128xf32>
    %dot_general3A_5 = tpu.matmul %convert_element_type3A, %get3A_4, %dot_general3A {dimension_numbers = #tpu.dot_dimension_numbers<[1], [1], [0], [0], [0, 0, 1, 0], [], []>, transpose_lhs_hint = false} : vector<4096x64xf32>, vector<128x64xf32>, vector<4096x128xf32> -> vector<4096x128xf32>
    %get3A_6 = arith.constant 0 : index
    %get3A_7 = arith.constant 0 : index
    %get3A_8 = vector.load %arg2[%get3A_6, %get3A_7] : memref<1x128xf32, #tpu.memory_space<vmem>>, vector<1x128xf32>
    %add3A = vector.broadcast %get3A_8 : vector<1x128xf32> to vector<4096x128xf32>
    %add3A_9 = arith.addf %dot_general3A_5, %add3A : vector<4096x128xf32>
    %mul3A = arith.mulf %add3A_9, %add3A_9 : vector<4096x128xf32>
    %reduce_sum3A = arith.constant dense<0.000000e+00> : vector<4096xf32>
    %reduce_sum3A_10 = vector.multi_reduction <add>, %mul3A, %reduce_sum3A [1] : vector<4096x128xf32> to vector<4096xf32>
    %broadcast_in_dim3A = vector.shape_cast %reduce_sum3A_10 : vector<4096xf32> to vector<4096x1xf32>
    %max3A = arith.constant 1.000000e-24 : f32
    %max3A_11 = vector.broadcast %max3A : f32 to vector<4096x1xf32>
    %max3A_12 = arith.maximumf %broadcast_in_dim3A, %max3A_11 : vector<4096x1xf32>
    %rsqrt3A = math.rsqrt %max3A_12 : vector<4096x1xf32>
    %mul3A_13 = vector.broadcast %rsqrt3A : vector<4096x1xf32> to vector<4096x128xf32>
    %mul3A_14 = arith.mulf %add3A_9, %mul3A_13 : vector<4096x128xf32>
    %swap3A = arith.constant 0 : index
    %swap3A_15 = arith.constant 0 : index
    %swap3A_16 = vector.load %arg3[%swap3A, %swap3A_15] : memref<4096x128xf32, #tpu.memory_space<vmem>>, vector<4096x128xf32>
    tpu.vector_store %arg3[%swap3A, %swap3A_15], %mul3A_14 {strides = array<i32>} : memref<4096x128xf32, #tpu.memory_space<vmem>>, vector<4096x128xf32>,
    return
  }
}

</mosaic_0001>

<sc_bundles>
// kernel: kernel.5.cloned.1.call-start
scs
__scs_entry_jumppad:
0x0: {  	(pc) =	sbr.rel $0x88, $3  }
0x1: {  	(tag) =	ssettag $0x0;
	lr =	simm.s32 $0x1  }
0x2: {  	[smem:$0x3F9D] =	sst lr;
	_ =	strace $0xD0000000  }
0x3: {  	_ = 	snop  }
0x4: {  	_ = 	snop  }
0x5: {  	_ = 	snop  }
0x6: {  	_ = 	snop  }
0x7: {  	_ = 	snop  }
__scs_overlays_trampoline_lowered:
0x8: {  	[smem:$0x3FAC] =	sst s0  }
0x9: {  	[smem:$0x3FAD] =	sst s1  }
0xa: {  	[smem:$0x3FAE] =	sst s2  }
0xb: {  	[smem:$0x3FAF] =	sst s3  }
0xc: {  	[smem:$0x3FB0] =	sst s4  }
0xd: {  	[smem:$0x3FB1] =	sst s5  }
0xe: {  	[smem:$0x3FB2] =	sst s6  }
0xf: {  	[smem:$0x3FB3] =	sst s7  }
0x10: {  	[smem:$0x3FB4] =	sst s8  }
0x11: {  	[smem:$0x3FB5] =	sst s9;
	s0 =	simm.s32 @!p0 $0x0  }
0x12: {  	s1 =	sld [smem:$0x3F9B];
	s0 =	simm.s32 @p0 $0x1  }
0x13: {  	[smem:$0x3FB6] =	sst s0;
	s0 =	simm.s32 @!p1 $0x0  }
0x14: {  	s2 =	sld [smem:$0x3F9A];
	s0 =	simm.s32 @p1 $0x1  }
0x15: {  	[smem:$0x3FB7] =	sst s0;
	s0 =	simm.s32 @!p2 $0x0  }
0x16: {  	s3 =	sld [smem:$0x3FDB];
	s0 =	simm.s32 @p2 $0x1  }
0x17: {  	s4 =	simm.s32 $0x1BF5;
	[smem:$0x3FB9] =	sst s0  }
0x18: {  	s0 =	sld [smem:$0x3F9C];
	_ =	swait.ge [sflag:s4], $0x0  }
0x19: {  	s7 =	sld [smem:$0x3F9D]  }
0x1a: {  	s8 =	sadd.s32 $0xFFFFE003, lr  }
0x1b: {  	s9 =	sadd.s32 $0xFFFFFEF7, lr;
	s5 =	simm.s32 $0xFFFFFFFF;
	p2 =	slt.u32 s8, $0xFFFFF086  }
0x1c: {  	p1 =	slt.u32 s9, $0xF7A;
	s5 =	simm.s32 @!p2 $0x0  }
0x1d: {  	s5 =	simm.s32 @p1 $0x1;
	p0 =	seq.s32 s7, s2  }
0x1e: {  	s7 =	smul.u32 @!p0 $0xF7A, s2;
	p2 =	seq.s32 @!p0 s5, $0x0  }
0x1f: {  	s9 =	smul.u32 $0xF7A, s1;
	s8 =	simm.s32 @!p0 $0x1BF5;
	p2 =	por !p2, p0  }
0x20: {  	[sflag:s8] =	ssyncset.s32 @!p0 $0xFFFFF086;
	s6 =	sadd.s32 @!p0 s3, s7;
	s7 =	simm.s32 @!p0 $0x108  }
0x21: {  	s3 =	sadd.s32 s3, s9;
	s6 =	sadd.s32 @!p0 $0x88, s6;
	s7 =	simm.s32 @p2 $0x1082  }
0x22: {  	[simem:s7], [sflag:s8] =	dma.local @!p0 [hbm:s6], $0xF7A  }
0x23: {  	s9 =	sor.u32 $0xD0000000, s2;
	s6 =	simm.s32 $0x108;
	_ =	swait.ge @!p0 [sflag:s8], $0x0  }
0x24: {  	s3 =	sadd.s32 $0x88, s3;
	s6 =	simm.s32 @!p1 $0x1082;
	[sflag:s4] =	ssyncset.s32 $0xFFFFF086  }
0x25: {  	[simem:s6], [sflag:s4] =	dma.local [hbm:s3], $0xF7A  }
0x26: {  	[smem:$0x3F9D] =	sst s1;
	(tag) =	ssettag s2;
	_ =	strace s9  }
0x27: {  	s1 =	sld [smem:$0x3FAD]  }
0x28: {  	s2 =	sld [smem:$0x3FAE]  }
0x29: {  	s4 =	sld [smem:$0x3FB0]  }
0x2a: {  	p0 =	seq.s32 s5, $0x0;
	s5 =	sld [smem:$0x3FB1]  }
0x2b: {  	s6 =	sld [smem:$0x3FB2]  }
0x2c: {  	s7 =	sld [smem:$0x3FB3]  }
0x2d: {  	s3 =	simm.s32 $0x108;
	s8 =	sld [smem:$0x3FB4]  }
0x2e: {  	s3 =	simm.s32 @!p0 $0x1082;
	s9 =	sld [smem:$0x3FB5]  }
0x2f: {  	lr =	sadd.s32 s0, s3;
	s0 =	sld [smem:$0x3FAC]  }
0x30: {  	s3 =	sld [smem:$0x3FAF]  }
0x31: {  	[smem:$0x3FB8] =	sst s10  }
0x32: {  	s10 =	sld [smem:$0x3FB6];
	_ =	sdelay $0x3  }
0x33: {  	p0 =	seq.s32 s10, $0x1;
	s10 =	sld [smem:$0x3FB8];
	_ =	sdelay $0x3  }
0x34: {  	[smem:$0x3FB8] =	sst s10  }
0x35: {  	s10 =	sld [smem:$0x3FB7];
	_ =	sdelay $0x3  }
0x36: {  	p1 =	seq.s32 s10, $0x1;
	s10 =	sld [smem:$0x3FB8];
	_ =	sdelay $0x3  }
0x37: {  	[smem:$0x3FB8] =	sst s10  }
0x38: {  	s10 =	sld [smem:$0x3FB9]  }
0x39: {  	_ = 	snop;
	(pc) =	sbr.ind lr, $3  }
0x3a: {  	_ = 	snop  }
0x3b: {  	_ = 	snop  }
0x3c: {  	p2 =	seq.s32 s10, $0x1;
	s10 =	sld [smem:$0x3FB8]  }
0x3d: {  	_ =	shalt  }
0x3e: {  	_ =	shalt  }
0x3f: {  	_ =	shalt  }
0x40: {  	_ =	shalt  }
0x41: {  	_ =	shalt  }
0x42: {  	_ =	shalt  }
0x43: {  	_ =	shalt  }
0x44: {  	_ =	shalt  }
0x45: {  	_ =	shalt  }
0x46: {  	_ =	shalt  }
0x47: {  	_ =	shalt  }
0x48: {  	_ =	shalt  }
0x49: {  	_ =	shalt  }
0x4a: {  	_ =	shalt  }
0x4b: {  	_ =	shalt  }
0x4c: {  	_ =	shalt  }
0x4d: {  	_ =	shalt  }
0x4e: {  	_ =	shalt  }
0x4f: {  	_ =	shalt  }
0x50: {  	_ =	shalt  }
0x51: {  	_ =	shalt  }
0x52: {  	_ =	shalt  }
0x53: {  	_ =	shalt  }
0x54: {  	_ =	shalt  }
0x55: {  	_ =	shalt  }
0x56: {  	_ =	shalt  }
0x57: {  	_ =	shalt  }
0x58: {  	_ =	shalt  }
0x59: {  	_ =	shalt  }
0x5a: {  	_ =	shalt  }
0x5b: {  	_ =	shalt  }
0x5c: {  	_ =	shalt  }
0x5d: {  	_ =	shalt  }
0x5e: {  	_ =	shalt  }
0x5f: {  	_ =	shalt  }
0x60: {  	_ =	shalt  }
0x61: {  	_ =	shalt  }
0x62: {  	_ =	shalt  }
0x63: {  	_ =	shalt  }
0x64: {  	_ =	shalt  }
0x65: {  	_ =	shalt  }
0x66: {  	_ =	shalt  }
0x67: {  	_ =	shalt  }
0x68: {  	_ =	shalt  }
0x69: {  	_ =	shalt  }
0x6a: {  	_ =	shalt  }
0x6b: {  	_ =	shalt  }
0x6c: {  	_ =	shalt  }
0x6d: {  	_ =	shalt  }
0x6e: {  	_ =	shalt  }
0x6f: {  	_ =	shalt  }
0x70: {  	_ =	shalt  }
0x71: {  	_ =	shalt  }
0x72: {  	_ =	shalt  }
0x73: {  	_ =	shalt  }
0x74: {  	_ =	shalt  }
0x75: {  	_ =	shalt  }
0x76: {  	_ =	shalt  }
0x77: {  	_ =	shalt  }
0x78: {  	_ =	shalt  }
0x79: {  	_ =	shalt  }
0x7a: {  	_ =	shalt  }
0x7b: {  	_ =	shalt  }
0x7c: {  	_ =	shalt  }
0x7d: {  	_ =	shalt  }
0x7e: {  	_ =	shalt  }
0x7f: {  	_ =	shalt  }
0x80: {  	_ =	shalt  }
0x81: {  	_ =	shalt  }
0x82: {  	_ =	shalt  }
0x83: {  	_ =	shalt  }
0x84: {  	_ =	shalt  }
0x85: {  	_ =	shalt  }
0x86: {  	_ =	shalt  }
0x87: {  	_ =	shalt  }
.Lfunc_end0:
.L_simem_size_0:
called_computation_lowered:
.L_overlay_start_0:
0x88: {  	s2 =	sld [smem:$0x3FD9]  }
0x89: {  	s3 =	sld [smem:$0x3FFE];
	_ =	sdelay $0x1  }
0x8a: {  	s1 =	srdreg.scid  }
0x8b: {  	s0 =	sand.u32 $0x1, s1  }
0x8c: {  	s17 =	sshll.u32 s0, $0xA;
	s2 =	sadd.s32 s3, s2  }
0x8d: {  	s2 =	sadd.s32 s2, s17  }
0x8e: {  	[smem:$0x3FC4] =	sst s2  }
0x8f: {  	_ = 	snop  }
0x90: {  	s2 =	sld [smem:$0x3FD0];
	(tm) =	ssettm $0x1  }
0x91: {  	s18 =	sld [smem:$0x3FFB];
	_ =	sdelay $0x3  }
0x92: {  	_ =	strace s18  }
0x93: {  	s3 =	sld [smem:$0x3FFC];
	_ =	sdelay $0x3  }
0x94: {  	_ =	strace s3  }
0x95: {  	s3 =	sld [smem:$0x3FFD];
	_ =	sdelay $0x3  }
0x96: {  	_ =	strace s3  }
0x97: {  	_ =	strace $0x8FFFFFFF  }
0x98: {  	s19 =	sld [smem:$0x3FDB];
	_ =	sdelay $0x1  }
0x99: {  	s4 =	simm.s32 $_scs_section_size  }
0x9a: {  	s5 =	simm.s32 $_size__tile_overlayer_lowered;
	s6 =	simm.s32 $_tile_overlayer_lowered  }
0x9b: {  	s22 =	simm.s32 $0x1BFF;
	s21 =	sshll.u32 s6, $0x1;
	s3 =	sadd.s32 s4, s19  }
0x9c: {  	s7 =	simm.s32 $0x0;
	s20 =	sshll.u32 s5, $0x1;
	s5 =	sadd.s32 s21, s3  }
0x9d: {  	[timem:s7], [sflag:s22] =	dma.local [hbm:s5], s20  }
0x9e: {  	_ =	swait.ge [sflag:s22], s20  }
0x9f: {  	s4 =	ssub.s32 $0x0, s20;
	[sflag:s22] =	ssyncset.done $0x0  }
0xa0: {  	[sflag:s22] =	ssyncadd.s32 s4;
	_ =	sdelay $0x1  }
0xa1: {  	s23 =	simm.s32 $0x1B8B  }
0xa2: {  	_ =	swait.ge [sflag:s23], $0x1  }
0xa3: {  	[sflag:s23] =	ssyncset.done $0x0  }
0xa4: {  	s25 =	simm.s32 $0x1B8E;
	s24 =	sld [smem:$0x3FFE];
	[sflag:s23] =	ssyncadd.s32 $0xFFFFFFFF  }
0xa5: {  	s26 =	simm.s32 $execute0_lowered;
	[smem:$0x3FD2] =	sst s25  }
0xa6: {  	s5 =	sshll.u32 s26, $0x1;
	_ =	strace $0x80000046;
	[dreg:$0x1] =	wrdreg $0xFFFFFFFF  }
0xa7: {  	s28 =	simm.s32 $_size_execute0_lowered;
	s3 =	sadd.s32 s3, s5;
	[dreg:$0x0] =	wrdreg $0x0  }
0xa8: {  	s5 =	sshll.u32 s28, $0x1;
	[dreg:$0x2] =	wrdreg s3  }
0xa9: {  	[dreg:$0x3] =	wrdreg s5  }
0xaa: {  	[dreg:$0x4] =	wrdreg $0xC0  }
0xab: {  	_ =	task [dreg:s7], $0x5FFFF  }
0xac: {  	[dreg:$0x1] =	wrdreg $0xFFFFFFFF  }
0xad: {  	[dreg:$0x0] =	wrdreg $0x60  }
0xae: {  	[dreg:$0x2] =	wrdreg s24  }
0xaf: {  	[dreg:$0x3] =	wrdreg s2  }
0xb0: {  	[dreg:$0x4] =	wrdreg $0x9  }
0xb1: {  	_ =	task.clear_ibuf [dreg:s7], $0x5FFFF;
	_ =	strace $0x90000046  }
0xb2: {  	s29 =	simm.s32 $0x9;
	_ =	strace $0x80000048  }
0xb3: {  	_ =	swait.ge [sflag:s29], $0x1  }
0xb4: {  	[sflag:s29] =	ssyncadd.s32 $0xFFFFFFFF  }
0xb5: {  	_ =	strace $0x90000048  }
0xb6: {  	_ =	sfence  }
0xb7: {  	s30 =	sld [smem:$0x0];
	_ =	sdelay $0x2  }
0xb8: {  	s31 =	sshll.u32 s1, $0xD;
	s1 =	sshrl.u32 s1, $0x2  }
0xb9: {  	s3 =	sand.u32 $0x4000, s31;
	s1 =	sadd.s32 s1, s30  }
0xba: {  	s0 =	sor.u32 s3, s0;
	s1 =	sshll.u32 s1, $0x11  }
0xbb: {  	s0 =	sor.u32 s1, s0  }
0xbc: {  	s0 =	sadd.s32 $0x8F2B, s0  }
0xbd: {  	[sflag:s0] =	ssyncadd.remote.s32 $0x1  }
0xbe: {  	_ =	sfence.sel $0xFFFF  }
0xbf: {  	[dreg:$0x0] =	wrdreg $0xFFFFFFFF;
	(pc) =	sbr.abs _section_cstart, $3  }
0xc0: {  	[dreg:$0x1] =	wrdreg $0xFFFFFFFF  }
0xc1: {  	_ =	task.clear_ibuf [dreg:s7], $0x2FFFF;
	_ =	strace $0x9FFFFFFF  }
0xc2: {  	(tm) =	ssettm $0x7FFFFFFF  }
0xc3: {  	_ =	shalt  }
tec
execute0_lowered:
.L_overlay_start_1:
0x0: {  	(tag) =	ssettag $0x1  }
0x1: {  	s0 =	srdreg.scid  }
0x2: {  	s1 =	rddreg [dreg:$0x0];
	s2 =	stileid.u32  }
0x3: {  	s5 =	rddreg [dreg:$0x1];
	s7 =	simm.s32 $0x3;
	s8 =	simm.s32 $0x64  }
0x4: {  	s9 =	simm.s32 $0x6800;
	s11 =	simm.s32 $0x7480;
	s13 =	simm.s32 $0x8100  }
0x5: {  	s15 =	simm.s32 $0x8D80;
	s17 =	simm.s32 $0x9A00;
	s19 =	simm.s32 $0xA680  }
0x6: {  	s21 =	simm.s32 $0xB300;
	s23 =	simm.s32 $0xBF80;
	s28 =	simm.s32 $0xD880  }
0x7: {  	s30 =	simm.s32 $0xE500;
	s10 =	simm.s32 $0xFE00;
	s14 =	simm.s32 $0x10A80  }
0x8: {  	s18 =	simm.s32 $0x11700;
	s22 =	simm.s32 $0x12380;
	s24 =	simm.s32 $0x1  }
0x9: {  	s0 =	sand.u32 $0x1, s0;
	s3 =	sshll.u32 s2, $0x8;
	s2 =	simm.s32 $0x0  }
0xa: {  	s31 =	simm.s32 $0x0;
	s4 =	sshll.u32 s0, $0x7;
	[smem:$0x7FF] =	sst s2  }
0xb: {  	s0 =	ssub.s32 $0x2, s0;
	s6 =	sor.u32 s4, s3;
	_ =	strace $0x80000047  }
0xc: {  	s26 =	sshrl.u32 s0, $0x1;
	s3 =	smul.u32 $0x1A, s6;
	s29 =	sshll.u32 s6, $0x2  }
0xd: {  	s0 =	ssub.s32 s0, s26;
	s26 =	simm.s32 $0x2;
	s5 =	sadd.s32 s5, s29  }
0xe: {  	s6 =	smax.u32 s0, $0x1;
	s25 =	sadd.s32 s3, s1;
	s3 =	sadd.s32 $0x1A800, s1  }
0xf: {  	s1 =	simm.s32 $0xF180;
	s4 =	sadd.s32 $0x800, s25;
	s25 =	simm.s32 $0xCC00  }
.LBB2_1:
0x10: {  	[tilespmem:s2], [sflag:$0x3] =	stream.linear.gather [hbm4b:s4+s2], $0x6800, $0x38;
	[tilespmem:$0x14000] =	vst v63  }
0x11: {  	_ =	swait.ge [sflag:s7], $0x6800  }
0x12: {  	[sflag:s7] =	ssyncset.done $0x0  }
0x13: {  	[sflag:s7] =	ssyncadd.s32 $0xFFFF9800  }
0x14: {  	[tilespmem:s9], [sflag:$0x1] =	stream.indirect.gather [hbm4b:s3+s8], $0x20, s2, s8, $0xb8;
	[tilespmem:$0x14000] =	vst v63  }
0x15: {  	s0 =	simm.s32 $0x68  }
0x16: {  	[tilespmem:s11], [sflag:$0x1] =	stream.indirect.gather [hbm4b:s3+s8], $0x20, s0, s8, $0xb8;
	[tilespmem:$0x14000] =	vst v63  }
0x17: {  	s20 =	simm.s32 $0xD0  }
0x18: {  	[tilespmem:s13], [sflag:$0x1] =	stream.indirect.gather [hbm4b:s3+s8], $0x20, s20, s8, $0xb8;
	[tilespmem:$0x14000] =	vst v63  }
0x19: {  	s29 =	simm.s32 $0x138  }
0x1a: {  	[tilespmem:s15], [sflag:$0x1] =	stream.indirect.gather [hbm4b:s3+s8], $0x20, s29, s8, $0xb8;
	[tilespmem:$0x14000] =	vst v63  }
0x1b: {  	s12 =	simm.s32 $0x1A0  }
0x1c: {  	[tilespmem:s17], [sflag:$0x1] =	stream.indirect.gather [hbm4b:s3+s8], $0x20, s12, s8, $0xb8;
	[tilespmem:$0x14000] =	vst v63  }
0x1d: {  	s16 =	simm.s32 $0x208  }
0x1e: {  	[tilespmem:s19], [sflag:$0x1] =	stream.indirect.gather [hbm4b:s3+s8], $0x20, s16, s8, $0xb8;
	[tilespmem:$0x14000] =	vst v63  }
0x1f: {  	s20 =	simm.s32 $0x270  }
0x20: {  	[tilespmem:s21], [sflag:$0x1] =	stream.indirect.gather [hbm4b:s3+s8], $0x20, s20, s8, $0xb8;
	[tilespmem:$0x14000] =	vst v63  }
0x21: {  	s29 =	simm.s32 $0x2D8  }
0x22: {  	[tilespmem:s23], [sflag:$0x1] =	stream.indirect.gather [hbm4b:s3+s8], $0x20, s29, s8, $0xb8;
	[tilespmem:$0x14000] =	vst v63  }
0x23: {  	s12 =	simm.s32 $0x340  }
0x24: {  	[tilespmem:s25], [sflag:$0x2] =	stream.indirect.gather [hbm4b:s3+s8], $0x20, s12, s8, $0xb8;
	[tilespmem:$0x14000] =	vst v63  }
0x25: {  	s16 =	simm.s32 $0x3A8  }
0x26: {  	[tilespmem:s28], [sflag:$0x2] =	stream.indirect.gather [hbm4b:s3+s8], $0x20, s16, s8, $0xb8;
	[tilespmem:$0x14000] =	vst v63  }
0x27: {  	s20 =	simm.s32 $0x410  }
0x28: {  	[tilespmem:s30], [sflag:$0x2] =	stream.indirect.gather [hbm4b:s3+s8], $0x20, s20, s8, $0xb8;
	[tilespmem:$0x14000] =	vst v63  }
0x29: {  	s29 =	simm.s32 $0x478  }
0x2a: {  	[tilespmem:s1], [sflag:$0x2] =	stream.indirect.gather [hbm4b:s3+s8], $0x20, s29, s8, $0xb8;
	[tilespmem:$0x14000] =	vst v63  }
0x2b: {  	s12 =	simm.s32 $0x4E0  }
0x2c: {  	[tilespmem:s10], [sflag:$0x2] =	stream.indirect.gather [hbm4b:s3+s8], $0x20, s12, s8, $0xb8;
	[tilespmem:$0x14000] =	vst v63  }
0x2d: {  	s16 =	simm.s32 $0x548  }
0x2e: {  	[tilespmem:s14], [sflag:$0x2] =	stream.indirect.gather [hbm4b:s3+s8], $0x20, s16, s8, $0xb8;
	[tilespmem:$0x14000] =	vst v63  }
0x2f: {  	s20 =	simm.s32 $0x5B0  }
0x30: {  	[tilespmem:s18], [sflag:$0x2] =	stream.indirect.gather [hbm4b:s3+s8], $0x20, s20, s8, $0xb8;
	[tilespmem:$0x14000] =	vst v63  }
0x31: {  	s0 =	simm.s32 $0x0;
	s29 =	simm.s32 $0x618  }
0x32: {  	[tilespmem:s22], [sflag:$0x2] =	stream.indirect.gather [hbm4b:s3+s8], $0x20, s29, s8, $0xb8;
	[tilespmem:$0x14000] =	vst v63  }
.LBB2_2:
0x33: {  	_ =	swait.ge [sflag:s24], $0xC80  }
0x34: {  	[sflag:s24] =	ssyncset.done $0x0  }
0x35: {  	[sflag:s24] =	ssyncadd.s32 $0xFFFFF380  }
0x36: {  	_ =	swait.ge [sflag:s24], $0xC80  }
0x37: {  	[sflag:s24] =	ssyncset.done $0x0  }
0x38: {  	[sflag:s24] =	ssyncadd.s32 $0xFFFFF380  }
0x39: {  	_ =	swait.ge [sflag:s24], $0xC80  }
0x3a: {  	[sflag:s24] =	ssyncset.done $0x0  }
0x3b: {  	[sflag:s24] =	ssyncadd.s32 $0xFFFFF380  }
0x3c: {  	_ =	swait.ge [sflag:s24], $0xC80  }
0x3d: {  	[sflag:s24] =	ssyncset.done $0x0  }
0x3e: {  	[sflag:s24] =	ssyncadd.s32 $0xFFFFF380  }
0x3f: {  	_ =	swait.ge [sflag:s24], $0xC80  }
0x40: {  	[sflag:s24] =	ssyncset.done $0x0  }
0x41: {  	[sflag:s24] =	ssyncadd.s32 $0xFFFFF380  }
0x42: {  	_ =	swait.ge [sflag:s24], $0xC80  }
0x43: {  	[sflag:s24] =	ssyncset.done $0x0  }
0x44: {  	[sflag:s24] =	ssyncadd.s32 $0xFFFFF380  }
0x45: {  	_ =	swait.ge [sflag:s24], $0xC80  }
0x46: {  	[sflag:s24] =	ssyncset.done $0x0  }
0x47: {  	[sflag:s24] =	ssyncadd.s32 $0xFFFFF380  }
0x48: {  	_ =	swait.ge [sflag:s24], $0xC80  }
0x49: {  	[sflag:s24] =	ssyncset.done $0x0  }
0x4a: {  	s16 =	simm.s32 $0x0;
	[sflag:s24] =	ssyncadd.s32 $0xFFFFF380  }
0x4b: {  	v0 =	vld [tilespmem:s16+$0x7480]  }
0x4c: {  	v1 =	vld [tilespmem:s16+$0x6800]  }
0x4d: {  	v2 =	vld [tilespmem:s16+$0x6810]  }
0x4e: {  	v4 =	vimm.bf16 $-Inf;
	s12 =	simm.s32 $0x80;
	v5 =	vimm.bf16 $-Inf;
	v3 =	vld [tilespmem:s16+$0x7490]  }
.LBB2_3:
0x4f: {  	p0 =	sne.s32 s12, $0x3180  }
.Ltmp0:
0x50: {  	s16 =	sshra.s32 s12, $0x2;
	v6 =	vmov v0;
	(pc) =	sbr.rel @p0 .LBB2_3-.Ltmp0, $4  }
0x51: {  	v0 =	vld [tilespmem:s16+$0x7480]  }
0x52: {  	s12 =	sadd.s32 $0x80, s12;
	v4 =	vmax.bf16 v4, v1;
	v1 =	vld [tilespmem:s16+$0x6800];
	v5 =	vmax.bf16 v5, v2  }
0x53: {  	v4 =	vmax.bf16 v4, v6;
	v2 =	vld [tilespmem:s16+$0x6810];
	v5 =	vmax.bf16 v5, v3  }
0x54: {  	v3 =	vld [tilespmem:s16+$0x7490]  }
0x55: {  	_ =	sdelay $0x1  }
0x56: {  	s12 =	sshll.u32 s0, $0xA;
	v1 =	vmax.bf16 v4, v1  }
0x57: {  	s12 =	sshra.s32 s12, $0x2;
	v2 =	vmax.bf16 v5, v2;
	v0 =	vmax.bf16 v1, v0  }
0x58: {  	v1 =	vmax.bf16 v2, v3;
	[tilespmem:s12+$0x13000] =	vst v0  }
0x59: {  	s20 =	simm.s32 $0x0;
	[tilespmem:s12+$0x13010] =	vst v1  }
0x5a: {  	v0 =	vld [tilespmem:s20+$0x8D80]  }
0x5b: {  	v1 =	vld [tilespmem:s20+$0x8100]  }
0x5c: {  	v2 =	vld [tilespmem:s20+$0x8110]  }
0x5d: {  	s16 =	simm.s32 $0x80;
	v4 =	vimm.bf16 $-Inf;
	v5 =	vimm.bf16 $-Inf;
	v3 =	vld [tilespmem:s20+$0x8D90]  }
.LBB2_5:
0x5e: {  	p0 =	sne.s32 s16, $0x3180  }
.Ltmp1:
0x5f: {  	s20 =	sshra.s32 s16, $0x2;
	v6 =	vmov v0;
	(pc) =	sbr.rel @p0 .LBB2_5-.Ltmp1, $4  }
0x60: {  	v0 =	vld [tilespmem:s20+$0x8D80]  }
0x61: {  	s16 =	sadd.s32 $0x80, s16;
	v4 =	vmax.bf16 v4, v1;
	v1 =	vld [tilespmem:s20+$0x8100];
	v5 =	vmax.bf16 v5, v2  }
0x62: {  	v4 =	vmax.bf16 v4, v6;
	v2 =	vld [tilespmem:s20+$0x8110];
	v5 =	vmax.bf16 v5, v3  }
0x63: {  	v3 =	vld [tilespmem:s20+$0x8D90]  }
0x64: {  	_ =	sdelay $0x1  }
0x65: {  	v1 =	vmax.bf16 v4, v1  }
0x66: {  	v2 =	vmax.bf16 v5, v2;
	v0 =	vmax.bf16 v1, v0  }
0x67: {  	v1 =	vmax.bf16 v2, v3;
	[tilespmem:s12+$0x13020] =	vst v0  }
0x68: {  	s20 =	simm.s32 $0x0;
	[tilespmem:s12+$0x13030] =	vst v1  }
0x69: {  	v0 =	vld [tilespmem:s20+$0xA680]  }
0x6a: {  	v1 =	vld [tilespmem:s20+$0x9A00]  }
0x6b: {  	v2 =	vld [tilespmem:s20+$0x9A10]  }
0x6c: {  	s16 =	simm.s32 $0x80;
	v4 =	vimm.bf16 $-Inf;
	v5 =	vimm.bf16 $-Inf;
	v3 =	vld [tilespmem:s20+$0xA690]  }
.LBB2_7:
0x6d: {  	p0 =	sne.s32 s16, $0x3180  }
.Ltmp2:
0x6e: {  	s20 =	sshra.s32 s16, $0x2;
	v6 =	vmov v0;
	(pc) =	sbr.rel @p0 .LBB2_7-.Ltmp2, $4  }
0x6f: {  	v0 =	vld [tilespmem:s20+$0xA680]  }
0x70: {  	s16 =	sadd.s32 $0x80, s16;
	v4 =	vmax.bf16 v4, v1;
	v1 =	vld [tilespmem:s20+$0x9A00];
	v5 =	vmax.bf16 v5, v2  }
0x71: {  	v4 =	vmax.bf16 v4, v6;
	v2 =	vld [tilespmem:s20+$0x9A10];
	v5 =	vmax.bf16 v5, v3  }
0x72: {  	v3 =	vld [tilespmem:s20+$0xA690]  }
0x73: {  	_ =	sdelay $0x1  }
0x74: {  	v1 =	vmax.bf16 v4, v1  }
0x75: {  	v2 =	vmax.bf16 v5, v2;
	v0 =	vmax.bf16 v1, v0  }
0x76: {  	v1 =	vmax.bf16 v2, v3;
	[tilespmem:s12+$0x13040] =	vst v0  }
0x77: {  	s20 =	simm.s32 $0x0;
	[tilespmem:s12+$0x13050] =	vst v1  }
0x78: {  	v0 =	vld [tilespmem:s20+$0xBF80]  }
0x79: {  	v1 =	vld [tilespmem:s20+$0xB300]  }
0x7a: {  	v2 =	vld [tilespmem:s20+$0xB310]  }
0x7b: {  	s16 =	simm.s32 $0x80;
	v4 =	vimm.bf16 $-Inf;
	v5 =	vimm.bf16 $-Inf;
	v3 =	vld [tilespmem:s20+$0xBF90]  }
.LBB2_9:
0x7c: {  	p0 =	sne.s32 s16, $0x3180  }
.Ltmp3:
0x7d: {  	s20 =	sshra.s32 s16, $0x2;
	v6 =	vmov v0;
	(pc) =	sbr.rel @p0 .LBB2_9-.Ltmp3, $4  }
0x7e: {  	v0 =	vld [tilespmem:s20+$0xBF80]  }
0x7f: {  	s16 =	sadd.s32 $0x80, s16;
	v4 =	vmax.bf16 v4, v1;
	v1 =	vld [tilespmem:s20+$0xB300];
	v5 =	vmax.bf16 v5, v2  }
0x80: {  	v4 =	vmax.bf16 v4, v6;
	v2 =	vld [tilespmem:s20+$0xB310];
	v5 =	vmax.bf16 v5, v3  }
0x81: {  	v3 =	vld [tilespmem:s20+$0xBF90]  }
0x82: {  	_ =	sdelay $0x1  }
0x83: {  	s16 =	smul.u32 $0x1A00, s0;
	v1 =	vmax.bf16 v4, v1  }
0x84: {  	v2 =	vmax.bf16 v5, v2;
	v0 =	vmax.bf16 v1, v0  }
0x85: {  	s16 =	sshra.s32 s16, $0x2;
	v1 =	vmax.bf16 v2, v3;
	[tilespmem:s12+$0x13060] =	vst v0  }
0x86: {  	s20 =	sadd.s32 $0x680, s16;
	[tilespmem:s12+$0x13070] =	vst v1  }
0x87: {  	[tilespmem:s9], [sflag:$0x1] =	stream.indirect.gather [hbm4b:s3+s8], $0x20, s20, s8, $0xb8;
	[tilespmem:$0x14000] =	vst v63  }
0x88: {  	s29 =	sadd.s32 $0x6E8, s16  }
0x89: {  	[tilespmem:s11], [sflag:$0x1] =	stream.indirect.gather [hbm4b:s3+s8], $0x20, s29, s8, $0xb8;
	[tilespmem:$0x14000] =	vst v63  }
0x8a: {  	s29 =	sadd.s32 $0x750, s16  }
0x8b: {  	[tilespmem:s13], [sflag:$0x1] =	stream.indirect.gather [hbm4b:s3+s8], $0x20, s29, s8, $0xb8;
	[tilespmem:$0x14000] =	vst v63  }
0x8c: {  	s29 =	sadd.s32 $0x7B8, s16  }
0x8d: {  	[tilespmem:s15], [sflag:$0x1] =	stream.indirect.gather [hbm4b:s3+s8], $0x20, s29, s8, $0xb8;
	[tilespmem:$0x14000] =	vst v63  }
0x8e: {  	s29 =	sadd.s32 $0x820, s16  }
0x8f: {  	[tilespmem:s17], [sflag:$0x1] =	stream.indirect.gather [hbm4b:s3+s8], $0x20, s29, s8, $0xb8;
	[tilespmem:$0x14000] =	vst v63  }
0x90: {  	s29 =	sadd.s32 $0x888, s16  }
0x91: {  	[tilespmem:s19], [sflag:$0x1] =	stream.indirect.gather [hbm4b:s3+s8], $0x20, s29, s8, $0xb8;
	[tilespmem:$0x14000] =	vst v63  }
0x92: {  	s29 =	sadd.s32 $0x8F0, s16  }
0x93: {  	[tilespmem:s21], [sflag:$0x1] =	stream.indirect.gather [hbm4b:s3+s8], $0x20, s29, s8, $0xb8;
	[tilespmem:$0x14000] =	vst v63  }
0x94: {  	s29 =	sadd.s32 $0x958, s16  }
0x95: {  	[tilespmem:s23], [sflag:$0x1] =	stream.indirect.gather [hbm4b:s3+s8], $0x20, s29, s8, $0xb8;
	[tilespmem:$0x14000] =	vst v63  }
0x96: {  	_ =	swait.ge [sflag:s26], $0xC80  }
0x97: {  	[sflag:s26] =	ssyncset.done $0x0  }
0x98: {  	[sflag:s26] =	ssyncadd.s32 $0xFFFFF380  }
0x99: {  	_ =	swait.ge [sflag:s26], $0xC80  }
0x9a: {  	[sflag:s26] =	ssyncset.done $0x0  }
0x9b: {  	[sflag:s26] =	ssyncadd.s32 $0xFFFFF380  }
0x9c: {  	_ =	swait.ge [sflag:s26], $0xC80  }
0x9d: {  	[sflag:s26] =	ssyncset.done $0x0  }
0x9e: {  	[sflag:s26] =	ssyncadd.s32 $0xFFFFF380  }
0x9f: {  	_ =	swait.ge [sflag:s26], $0xC80  }
0xa0: {  	[sflag:s26] =	ssyncset.done $0x0  }
0xa1: {  	[sflag:s26] =	ssyncadd.s32 $0xFFFFF380  }
0xa2: {  	_ =	swait.ge [sflag:s26], $0xC80  }
0xa3: {  	[sflag:s26] =	ssyncset.done $0x0  }
0xa4: {  	[sflag:s26] =	ssyncadd.s32 $0xFFFFF380  }
0xa5: {  	_ =	swait.ge [sflag:s26], $0xC80  }
0xa6: {  	[sflag:s26] =	ssyncset.done $0x0  }
0xa7: {  	[sflag:s26] =	ssyncadd.s32 $0xFFFFF380  }
0xa8: {  	_ =	swait.ge [sflag:s26], $0xC80  }
0xa9: {  	[sflag:s26] =	ssyncset.done $0x0  }
0xaa: {  	[sflag:s26] =	ssyncadd.s32 $0xFFFFF380  }
0xab: {  	_ =	swait.ge [sflag:s26], $0xC80  }
0xac: {  	[sflag:s26] =	ssyncset.done $0x0  }
0xad: {  	s29 =	simm.s32 $0x0;
	[sflag:s26] =	ssyncadd.s32 $0xFFFFF380  }
0xae: {  	v0 =	vld [tilespmem:s29+$0xD880]  }
0xaf: {  	v1 =	vld [tilespmem:s29+$0xCC00]  }
0xb0: {  	v2 =	vld [tilespmem:s29+$0xCC10]  }
0xb1: {  	v4 =	vimm.bf16 $-Inf;
	v5 =	vimm.bf16 $-Inf;
	s20 =	simm.s32 $0x80;
	v3 =	vld [tilespmem:s29+$0xD890]  }
.LBB2_11:
0xb2: {  	p0 =	sne.s32 s20, $0x3180  }
.Ltmp4:
0xb3: {  	s29 =	sshra.s32 s20, $0x2;
	v6 =	vmov v0;
	(pc) =	sbr.rel @p0 .LBB2_11-.Ltmp4, $4  }
0xb4: {  	v0 =	vld [tilespmem:s29+$0xD880]  }
0xb5: {  	s20 =	sadd.s32 $0x80, s20;
	v4 =	vmax.bf16 v4, v1;
	v1 =	vld [tilespmem:s29+$0xCC00];
	v5 =	vmax.bf16 v5, v2  }
0xb6: {  	v4 =	vmax.bf16 v4, v6;
	v2 =	vld [tilespmem:s29+$0xCC10];
	v5 =	vmax.bf16 v5, v3  }
0xb7: {  	v3 =	vld [tilespmem:s29+$0xD890]  }
0xb8: {  	_ =	sdelay $0x1  }
0xb9: {  	v1 =	vmax.bf16 v4, v1  }
0xba: {  	v2 =	vmax.bf16 v5, v2;
	v0 =	vmax.bf16 v1, v0  }
0xbb: {  	v1 =	vmax.bf16 v2, v3;
	[tilespmem:s12+$0x13080] =	vst v0  }
0xbc: {  	s29 =	simm.s32 $0x0;
	[tilespmem:s12+$0x13090] =	vst v1  }
0xbd: {  	v0 =	vld [tilespmem:s29+$0xF180]  }
0xbe: {  	v1 =	vld [tilespmem:s29+$0xE500]  }
0xbf: {  	v2 =	vld [tilespmem:s29+$0xE510]  }
0xc0: {  	s20 =	simm.s32 $0x80;
	v4 =	vimm.bf16 $-Inf;
	v5 =	vimm.bf16 $-Inf;
	v3 =	vld [tilespmem:s29+$0xF190]  }
.LBB2_13:
0xc1: {  	p0 =	sne.s32 s20, $0x3180  }
.Ltmp5:
0xc2: {  	s29 =	sshra.s32 s20, $0x2;
	v6 =	vmov v0;
	(pc) =	sbr.rel @p0 .LBB2_13-.Ltmp5, $4  }
0xc3: {  	v0 =	vld [tilespmem:s29+$0xF180]  }
0xc4: {  	s20 =	sadd.s32 $0x80, s20;
	v4 =	vmax.bf16 v4, v1;
	v1 =	vld [tilespmem:s29+$0xE500];
	v5 =	vmax.bf16 v5, v2  }
0xc5: {  	v4 =	vmax.bf16 v4, v6;
	v2 =	vld [tilespmem:s29+$0xE510];
	v5 =	vmax.bf16 v5, v3  }
0xc6: {  	v3 =	vld [tilespmem:s29+$0xF190]  }
0xc7: {  	_ =	sdelay $0x1  }
0xc8: {  	v1 =	vmax.bf16 v4, v1  }
0xc9: {  	v2 =	vmax.bf16 v5, v2;
	v0 =	vmax.bf16 v1, v0  }
0xca: {  	v1 =	vmax.bf16 v2, v3;
	[tilespmem:s12+$0x130A0] =	vst v0  }
0xcb: {  	s29 =	simm.s32 $0x0;
	[tilespmem:s12+$0x130B0] =	vst v1  }
0xcc: {  	v0 =	vld [tilespmem:s29+$0x10A80]  }
0xcd: {  	v1 =	vld [tilespmem:s29+$0xFE00]  }
0xce: {  	v2 =	vld [tilespmem:s29+$0xFE10]  }
0xcf: {  	s20 =	simm.s32 $0x80;
	v4 =	vimm.bf16 $-Inf;
	v5 =	vimm.bf16 $-Inf;
	v3 =	vld [tilespmem:s29+$0x10A90]  }
.LBB2_15:
0xd0: {  	p0 =	sne.s32 s20, $0x3180  }
.Ltmp6:
0xd1: {  	s29 =	sshra.s32 s20, $0x2;
	v6 =	vmov v0;
	(pc) =	sbr.rel @p0 .LBB2_15-.Ltmp6, $4  }
0xd2: {  	v0 =	vld [tilespmem:s29+$0x10A80]  }
0xd3: {  	s20 =	sadd.s32 $0x80, s20;
	v4 =	vmax.bf16 v4, v1;
	v1 =	vld [tilespmem:s29+$0xFE00];
	v5 =	vmax.bf16 v5, v2  }
0xd4: {  	v4 =	vmax.bf16 v4, v6;
	v2 =	vld [tilespmem:s29+$0xFE10];
	v5 =	vmax.bf16 v5, v3  }
0xd5: {  	v3 =	vld [tilespmem:s29+$0x10A90]  }
0xd6: {  	_ =	sdelay $0x1  }
0xd7: {  	v1 =	vmax.bf16 v4, v1  }
0xd8: {  	v2 =	vmax.bf16 v5, v2;
	v0 =	vmax.bf16 v1, v0  }
0xd9: {  	v1 =	vmax.bf16 v2, v3;
	[tilespmem:s12+$0x130C0] =	vst v0  }
0xda: {  	s29 =	simm.s32 $0x0;
	[tilespmem:s12+$0x130D0] =	vst v1  }
0xdb: {  	v0 =	vld [tilespmem:s29+$0x12380]  }
0xdc: {  	v1 =	vld [tilespmem:s29+$0x11700]  }
0xdd: {  	v2 =	vld [tilespmem:s29+$0x11710]  }
0xde: {  	s20 =	simm.s32 $0x80;
	v4 =	vimm.bf16 $-Inf;
	v5 =	vimm.bf16 $-Inf;
	v3 =	vld [tilespmem:s29+$0x12390]  }
.LBB2_17:
0xdf: {  	p0 =	sne.s32 s20, $0x3180  }
.Ltmp7:
0xe0: {  	s29 =	sshra.s32 s20, $0x2;
	v6 =	vmov v0;
	(pc) =	sbr.rel @p0 .LBB2_17-.Ltmp7, $4  }
0xe1: {  	v0 =	vld [tilespmem:s29+$0x12380]  }
0xe2: {  	s20 =	sadd.s32 $0x80, s20;
	v4 =	vmax.bf16 v4, v1;
	v1 =	vld [tilespmem:s29+$0x11700];
	v5 =	vmax.bf16 v5, v2  }
0xe3: {  	v4 =	vmax.bf16 v4, v6;
	v2 =	vld [tilespmem:s29+$0x11710];
	v5 =	vmax.bf16 v5, v3  }
0xe4: {  	v3 =	vld [tilespmem:s29+$0x12390]  }
0xe5: {  	_ =	sdelay $0x1  }
0xe6: {  	v1 =	vmax.bf16 v4, v1  }
0xe7: {  	v2 =	vmax.bf16 v5, v2;
	v0 =	vmax.bf16 v1, v0  }
0xe8: {  	v63 =	vmax.bf16 v2, v3;
	[tilespmem:s12+$0x130E0] =	vst v0  }
0xe9: {  	s20 =	sadd.s32 $0x9C0, s16;
	[tilespmem:s12+$0x130F0] =	vst v63  }
0xea: {  	[tilespmem:s25], [sflag:$0x2] =	stream.indirect.gather [hbm4b:s3+s8], $0x20, s20, s8, $0xb8;
	[tilespmem:$0x14000] =	vst v63  }
0xeb: {  	s29 =	sadd.s32 $0xA28, s16  }
0xec: {  	[tilespmem:s28], [sflag:$0x2] =	stream.indirect.gather [hbm4b:s3+s8], $0x20, s29, s8, $0xb8;
	[tilespmem:$0x14000] =	vst v63  }
0xed: {  	s20 =	sadd.s32 $0xA90, s16  }
0xee: {  	[tilespmem:s30], [sflag:$0x2] =	stream.indirect.gather [hbm4b:s3+s8], $0x20, s20, s8, $0xb8;
	[tilespmem:$0x14000] =	vst v63  }
0xef: {  	s29 =	sadd.s32 $0xAF8, s16  }
0xf0: {  	[tilespmem:s1], [sflag:$0x2] =	stream.indirect.gather [hbm4b:s3+s8], $0x20, s29, s8, $0xb8;
	[tilespmem:$0x14000] =	vst v63  }
0xf1: {  	s0 =	sadd.s32 $0x1, s0;
	s20 =	sadd.s32 $0xB60, s16  }
0xf2: {  	[tilespmem:s10], [sflag:$0x2] =	stream.indirect.gather [hbm4b:s3+s8], $0x20, s20, s8, $0xb8;
	[tilespmem:$0x14000] =	vst v63  }
0xf3: {  	p0 =	sne.s32 s0, $0xF;
	s29 =	sadd.s32 $0xBC8, s16  }
0xf4: {  	[tilespmem:s14], [sflag:$0x2] =	stream.indirect.gather [hbm4b:s3+s8], $0x20, s29, s8, $0xb8;
	[tilespmem:$0x14000] =	vst v63  }
.Ltmp8:
0xf5: {  	_ = 	snop;
	(pc) =	sbr.rel @p0 .LBB2_2-.Ltmp8, $4  }
0xf6: {  	s20 =	sadd.s32 $0xC30, s16  }
0xf7: {  	[tilespmem:s18], [sflag:$0x2] =	stream.indirect.gather [hbm4b:s3+s8], $0x20, s20, s8, $0xb8;
	[tilespmem:$0x14000] =	vst v63  }
0xf8: {  	s29 =	sadd.s32 $0xC98, s16  }
0xf9: {  	[tilespmem:s22], [sflag:$0x2] =	stream.indirect.gather [hbm4b:s3+s8], $0x20, s29, s8, $0xb8;
	[tilespmem:$0x14000] =	vst v63  }
0xfa: {  	_ =	swait.ge [sflag:s24], $0xC80  }
0xfb: {  	[sflag:s24] =	ssyncset.done $0x0  }
0xfc: {  	[sflag:s24] =	ssyncadd.s32 $0xFFFFF380  }
0xfd: {  	_ =	swait.ge [sflag:s24], $0xC80  }
0xfe: {  	[sflag:s24] =	ssyncset.done $0x0  }
0xff: {  	[sflag:s24] =	ssyncadd.s32 $0xFFFFF380  }
0x100: {  	_ =	swait.ge [sflag:s24], $0xC80  }
0x101: {  	[sflag:s24] =	ssyncset.done $0x0  }
0x102: {  	[sflag:s24] =	ssyncadd.s32 $0xFFFFF380  }
0x103: {  	_ =	swait.ge [sflag:s24], $0xC80  }
0x104: {  	[sflag:s24] =	ssyncset.done $0x0  }
0x105: {  	[sflag:s24] =	ssyncadd.s32 $0xFFFFF380  }
0x106: {  	_ =	swait.ge [sflag:s24], $0xC80  }
0x107: {  	[sflag:s24] =	ssyncset.done $0x0  }
0x108: {  	[sflag:s24] =	ssyncadd.s32 $0xFFFFF380  }
0x109: {  	_ =	swait.ge [sflag:s24], $0xC80  }
0x10a: {  	[sflag:s24] =	ssyncset.done $0x0  }
0x10b: {  	[sflag:s24] =	ssyncadd.s32 $0xFFFFF380  }
0x10c: {  	_ =	swait.ge [sflag:s24], $0xC80  }
0x10d: {  	[sflag:s24] =	ssyncset.done $0x0  }
0x10e: {  	[sflag:s24] =	ssyncadd.s32 $0xFFFFF380  }
0x10f: {  	_ =	swait.ge [sflag:s24], $0xC80  }
0x110: {  	[sflag:s24] =	ssyncset.done $0x0  }
0x111: {  	s12 =	simm.s32 $0x0;
	[sflag:s24] =	ssyncadd.s32 $0xFFFFF380  }
0x112: {  	v0 =	vld [tilespmem:s12+$0x7480]  }
0x113: {  	v1 =	vld [tilespmem:s12+$0x6800]  }
0x114: {  	v2 =	vld [tilespmem:s12+$0x6810]  }
0x115: {  	v4 =	vimm.bf16 $-Inf;
	s0 =	simm.s32 $0x80;
	v5 =	vimm.bf16 $-Inf;
	v3 =	vld [tilespmem:s12+$0x7490]  }
.LBB2_20:
0x116: {  	p0 =	sne.s32 s0, $0x3180  }
.Ltmp9:
0x117: {  	s12 =	sshra.s32 s0, $0x2;
	v6 =	vmov v0;
	(pc) =	sbr.rel @p0 .LBB2_20-.Ltmp9, $4  }
0x118: {  	v0 =	vld [tilespmem:s12+$0x7480]  }
0x119: {  	s0 =	sadd.s32 $0x80, s0;
	v4 =	vmax.bf16 v4, v1;
	v1 =	vld [tilespmem:s12+$0x6800];
	v5 =	vmax.bf16 v5, v2  }
0x11a: {  	v4 =	vmax.bf16 v4, v6;
	v2 =	vld [tilespmem:s12+$0x6810];
	v5 =	vmax.bf16 v5, v3  }
0x11b: {  	v3 =	vld [tilespmem:s12+$0x7490]  }
0x11c: {  	_ =	sdelay $0x1  }
0x11d: {  	v1 =	vmax.bf16 v4, v1  }
0x11e: {  	v2 =	vmax.bf16 v5, v2;
	v0 =	vmax.bf16 v1, v0  }
0x11f: {  	v1 =	vmax.bf16 v2, v3;
	[tilespmem:$0x13F00] =	vst v0  }
0x120: {  	s12 =	simm.s32 $0x0;
	[tilespmem:$0x13F10] =	vst v1  }
0x121: {  	v0 =	vld [tilespmem:s12+$0x8D80]  }
0x122: {  	v1 =	vld [tilespmem:s12+$0x8100]  }
0x123: {  	v2 =	vld [tilespmem:s12+$0x8110]  }
0x124: {  	s0 =	simm.s32 $0x80;
	v4 =	vimm.bf16 $-Inf;
	v5 =	vimm.bf16 $-Inf;
	v3 =	vld [tilespmem:s12+$0x8D90]  }
.LBB2_22:
0x125: {  	p0 =	sne.s32 s0, $0x3180  }
.Ltmp10:
0x126: {  	s12 =	sshra.s32 s0, $0x2;
	v6 =	vmov v0;
	(pc) =	sbr.rel @p0 .LBB2_22-.Ltmp10, $4  }
0x127: {  	v0 =	vld [tilespmem:s12+$0x8D80]  }
0x128: {  	s0 =	sadd.s32 $0x80, s0;
	v4 =	vmax.bf16 v4, v1;
	v1 =	vld [tilespmem:s12+$0x8100];
	v5 =	vmax.bf16 v5, v2  }
0x129: {  	v4 =	vmax.bf16 v4, v6;
	v2 =	vld [tilespmem:s12+$0x8110];
	v5 =	vmax.bf16 v5, v3  }
0x12a: {  	v3 =	vld [tilespmem:s12+$0x8D90]  }
0x12b: {  	_ =	sdelay $0x1  }
0x12c: {  	v1 =	vmax.bf16 v4, v1  }
0x12d: {  	v2 =	vmax.bf16 v5, v2;
	v0 =	vmax.bf16 v1, v0  }
0x12e: {  	v1 =	vmax.bf16 v2, v3;
	[tilespmem:$0x13F20] =	vst v0  }
0x12f: {  	s12 =	simm.s32 $0x0;
	[tilespmem:$0x13F30] =	vst v1  }
0x130: {  	v0 =	vld [tilespmem:s12+$0xA680]  }
0x131: {  	v1 =	vld [tilespmem:s12+$0x9A00]  }
0x132: {  	v2 =	vld [tilespmem:s12+$0x9A10]  }
0x133: {  	s0 =	simm.s32 $0x80;
	v4 =	vimm.bf16 $-Inf;
	v5 =	vimm.bf16 $-Inf;
	v3 =	vld [tilespmem:s12+$0xA690]  }
.LBB2_24:
0x134: {  	p0 =	sne.s32 s0, $0x3180  }
.Ltmp11:
0x135: {  	s12 =	sshra.s32 s0, $0x2;
	v6 =	vmov v0;
	(pc) =	sbr.rel @p0 .LBB2_24-.Ltmp11, $4  }
0x136: {  	v0 =	vld [tilespmem:s12+$0xA680]  }
0x137: {  	s0 =	sadd.s32 $0x80, s0;
	v4 =	vmax.bf16 v4, v1;
	v1 =	vld [tilespmem:s12+$0x9A00];
	v5 =	vmax.bf16 v5, v2  }
0x138: {  	v4 =	vmax.bf16 v4, v6;
	v2 =	vld [tilespmem:s12+$0x9A10];
	v5 =	vmax.bf16 v5, v3  }
0x139: {  	v3 =	vld [tilespmem:s12+$0xA690]  }
0x13a: {  	_ =	sdelay $0x1  }
0x13b: {  	v1 =	vmax.bf16 v4, v1  }
0x13c: {  	v2 =	vmax.bf16 v5, v2;
	v0 =	vmax.bf16 v1, v0  }
0x13d: {  	v1 =	vmax.bf16 v2, v3;
	[tilespmem:$0x13F40] =	vst v0  }
0x13e: {  	s12 =	simm.s32 $0x0;
	[tilespmem:$0x13F50] =	vst v1  }
0x13f: {  	v0 =	vld [tilespmem:s12+$0xBF80]  }
0x140: {  	v1 =	vld [tilespmem:s12+$0xB300]  }
0x141: {  	v2 =	vld [tilespmem:s12+$0xB310]  }
0x142: {  	s0 =	simm.s32 $0x80;
	v4 =	vimm.bf16 $-Inf;
	v5 =	vimm.bf16 $-Inf;
	v3 =	vld [tilespmem:s12+$0xBF90]  }
.LBB2_26:
0x143: {  	p0 =	sne.s32 s0, $0x3180  }
.Ltmp12:
0x144: {  	s12 =	sshra.s32 s0, $0x2;
	v6 =	vmov v0;
	(pc) =	sbr.rel @p0 .LBB2_26-.Ltmp12, $4  }
0x145: {  	v0 =	vld [tilespmem:s12+$0xBF80]  }
0x146: {  	s0 =	sadd.s32 $0x80, s0;
	v4 =	vmax.bf16 v4, v1;
	v1 =	vld [tilespmem:s12+$0xB300];
	v5 =	vmax.bf16 v5, v2  }
0x147: {  	v4 =	vmax.bf16 v4, v6;
	v2 =	vld [tilespmem:s12+$0xB310];
	v5 =	vmax.bf16 v5, v3  }
0x148: {  	v3 =	vld [tilespmem:s12+$0xBF90]  }
0x149: {  	_ =	sdelay $0x1  }
0x14a: {  	v1 =	vmax.bf16 v4, v1  }
0x14b: {  	v2 =	vmax.bf16 v5, v2;
	v0 =	vmax.bf16 v1, v0  }
0x14c: {  	v1 =	vmax.bf16 v2, v3;
	[tilespmem:$0x13F60] =	vst v0  }
0x14d: {  	[tilespmem:$0x13F70] =	vst v1  }
0x14e: {  	_ =	swait.ge [sflag:s26], $0xC80  }
0x14f: {  	[sflag:s26] =	ssyncset.done $0x0  }
0x150: {  	[sflag:s26] =	ssyncadd.s32 $0xFFFFF380  }
0x151: {  	_ =	swait.ge [sflag:s26], $0xC80  }
0x152: {  	[sflag:s26] =	ssyncset.done $0x0  }
0x153: {  	[sflag:s26] =	ssyncadd.s32 $0xFFFFF380  }
0x154: {  	_ =	swait.ge [sflag:s26], $0xC80  }
0x155: {  	[sflag:s26] =	ssyncset.done $0x0  }
0x156: {  	[sflag:s26] =	ssyncadd.s32 $0xFFFFF380  }
0x157: {  	_ =	swait.ge [sflag:s26], $0xC80  }
0x158: {  	[sflag:s26] =	ssyncset.done $0x0  }
0x159: {  	[sflag:s26] =	ssyncadd.s32 $0xFFFFF380  }
0x15a: {  	_ =	swait.ge [sflag:s26], $0xC80  }
0x15b: {  	[sflag:s26] =	ssyncset.done $0x0  }
0x15c: {  	[sflag:s26] =	ssyncadd.s32 $0xFFFFF380  }
0x15d: {  	_ =	swait.ge [sflag:s26], $0xC80  }
0x15e: {  	[sflag:s26] =	ssyncset.done $0x0  }
0x15f: {  	[sflag:s26] =	ssyncadd.s32 $0xFFFFF380  }
0x160: {  	_ =	swait.ge [sflag:s26], $0xC80  }
0x161: {  	[sflag:s26] =	ssyncset.done $0x0  }
0x162: {  	[sflag:s26] =	ssyncadd.s32 $0xFFFFF380  }
0x163: {  	_ =	swait.ge [sflag:s26], $0xC80  }
0x164: {  	[sflag:s26] =	ssyncset.done $0x0  }
0x165: {  	s12 =	simm.s32 $0x0;
	[sflag:s26] =	ssyncadd.s32 $0xFFFFF380  }
0x166: {  	v0 =	vld [tilespmem:s12+$0xD880]  }
0x167: {  	v1 =	vld [tilespmem:s12+$0xCC00]  }
0x168: {  	v2 =	vld [tilespmem:s12+$0xCC10]  }
0x169: {  	s0 =	simm.s32 $0x80;
	v4 =	vimm.bf16 $-Inf;
	v5 =	vimm.bf16 $-Inf;
	v3 =	vld [tilespmem:s12+$0xD890]  }
.LBB2_28:
0x16a: {  	p0 =	sne.s32 s0, $0x3180  }
.Ltmp13:
0x16b: {  	s12 =	sshra.s32 s0, $0x2;
	v6 =	vmov v0;
	(pc) =	sbr.rel @p0 .LBB2_28-.Ltmp13, $4  }
0x16c: {  	v0 =	vld [tilespmem:s12+$0xD880]  }
0x16d: {  	s0 =	sadd.s32 $0x80, s0;
	v4 =	vmax.bf16 v4, v1;
	v1 =	vld [tilespmem:s12+$0xCC00];
	v5 =	vmax.bf16 v5, v2  }
0x16e: {  	v4 =	vmax.bf16 v4, v6;
	v2 =	vld [tilespmem:s12+$0xCC10];
	v5 =	vmax.bf16 v5, v3  }
0x16f: {  	v3 =	vld [tilespmem:s12+$0xD890]  }
0x170: {  	_ =	sdelay $0x1  }
0x171: {  	v1 =	vmax.bf16 v4, v1  }
0x172: {  	v2 =	vmax.bf16 v5, v2;
	v0 =	vmax.bf16 v1, v0  }
0x173: {  	v1 =	vmax.bf16 v2, v3;
	[tilespmem:$0x13F80] =	vst v0  }
0x174: {  	s12 =	simm.s32 $0x0;
	[tilespmem:$0x13F90] =	vst v1  }
0x175: {  	v0 =	vld [tilespmem:s12+$0xF180]  }
0x176: {  	v1 =	vld [tilespmem:s12+$0xE500]  }
0x177: {  	v2 =	vld [tilespmem:s12+$0xE510]  }
0x178: {  	s0 =	simm.s32 $0x80;
	v4 =	vimm.bf16 $-Inf;
	v5 =	vimm.bf16 $-Inf;
	v3 =	vld [tilespmem:s12+$0xF190]  }
.LBB2_30:
0x179: {  	p0 =	sne.s32 s0, $0x3180  }
.Ltmp14:
0x17a: {  	s12 =	sshra.s32 s0, $0x2;
	v6 =	vmov v0;
	(pc) =	sbr.rel @p0 .LBB2_30-.Ltmp14, $4  }
0x17b: {  	v0 =	vld [tilespmem:s12+$0xF180]  }
0x17c: {  	s0 =	sadd.s32 $0x80, s0;
	v4 =	vmax.bf16 v4, v1;
	v1 =	vld [tilespmem:s12+$0xE500];
	v5 =	vmax.bf16 v5, v2  }
0x17d: {  	v4 =	vmax.bf16 v4, v6;
	v2 =	vld [tilespmem:s12+$0xE510];
	v5 =	vmax.bf16 v5, v3  }
0x17e: {  	v3 =	vld [tilespmem:s12+$0xF190]  }
0x17f: {  	_ =	sdelay $0x1  }
0x180: {  	v1 =	vmax.bf16 v4, v1  }
0x181: {  	v2 =	vmax.bf16 v5, v2;
	v0 =	vmax.bf16 v1, v0  }
0x182: {  	v1 =	vmax.bf16 v2, v3;
	[tilespmem:$0x13FA0] =	vst v0  }
0x183: {  	s12 =	simm.s32 $0x0;
	[tilespmem:$0x13FB0] =	vst v1  }
0x184: {  	v0 =	vld [tilespmem:s12+$0x10A80]  }
0x185: {  	v1 =	vld [tilespmem:s12+$0xFE00]  }
0x186: {  	v2 =	vld [tilespmem:s12+$0xFE10]  }
0x187: {  	s0 =	simm.s32 $0x80;
	v4 =	vimm.bf16 $-Inf;
	v5 =	vimm.bf16 $-Inf;
	v3 =	vld [tilespmem:s12+$0x10A90]  }
.LBB2_32:
0x188: {  	p0 =	sne.s32 s0, $0x3180  }
.Ltmp15:
0x189: {  	s12 =	sshra.s32 s0, $0x2;
	v6 =	vmov v0;
	(pc) =	sbr.rel @p0 .LBB2_32-.Ltmp15, $4  }
0x18a: {  	v0 =	vld [tilespmem:s12+$0x10A80]  }
0x18b: {  	s0 =	sadd.s32 $0x80, s0;
	v4 =	vmax.bf16 v4, v1;
	v1 =	vld [tilespmem:s12+$0xFE00];
	v5 =	vmax.bf16 v5, v2  }
0x18c: {  	v4 =	vmax.bf16 v4, v6;
	v2 =	vld [tilespmem:s12+$0xFE10];
	v5 =	vmax.bf16 v5, v3  }
0x18d: {  	v3 =	vld [tilespmem:s12+$0x10A90]  }
0x18e: {  	_ =	sdelay $0x1  }
0x18f: {  	v1 =	vmax.bf16 v4, v1  }
0x190: {  	v2 =	vmax.bf16 v5, v2;
	v0 =	vmax.bf16 v1, v0  }
0x191: {  	v1 =	vmax.bf16 v2, v3;
	[tilespmem:$0x13FC0] =	vst v0  }
0x192: {  	s12 =	simm.s32 $0x0;
	[tilespmem:$0x13FD0] =	vst v1  }
0x193: {  	v0 =	vld [tilespmem:s12+$0x12380]  }
0x194: {  	v1 =	vld [tilespmem:s12+$0x11700]  }
0x195: {  	v2 =	vld [tilespmem:s12+$0x11710]  }
0x196: {  	s0 =	simm.s32 $0x80;
	v4 =	vimm.bf16 $-Inf;
	v5 =	vimm.bf16 $-Inf;
	v3 =	vld [tilespmem:s12+$0x12390]  }
.LBB2_34:
0x197: {  	p0 =	sne.s32 s0, $0x3180  }
.Ltmp16:
0x198: {  	s12 =	sshra.s32 s0, $0x2;
	v6 =	vmov v0;
	(pc) =	sbr.rel @p0 .LBB2_34-.Ltmp16, $4  }
0x199: {  	v0 =	vld [tilespmem:s12+$0x12380]  }
0x19a: {  	s0 =	sadd.s32 $0x80, s0;
	v4 =	vmax.bf16 v4, v1;
	v1 =	vld [tilespmem:s12+$0x11700];
	v5 =	vmax.bf16 v5, v2  }
0x19b: {  	v4 =	vmax.bf16 v4, v6;
	v2 =	vld [tilespmem:s12+$0x11710];
	v5 =	vmax.bf16 v5, v3  }
0x19c: {  	v3 =	vld [tilespmem:s12+$0x12390]  }
0x19d: {  	_ =	sdelay $0x1  }
0x19e: {  	v1 =	vmax.bf16 v4, v1  }
0x19f: {  	s31 =	sadd.s32 $0x1, s31;
	v2 =	vmax.bf16 v5, v2;
	v0 =	vmax.bf16 v1, v0  }
0x1a0: {  	p0 =	sne.s32 s31, s6;
	v63 =	vmax.bf16 v2, v3;
	[tilespmem:$0x13FE0] =	vst v0  }
.Ltmp17:
0x1a1: {  	s0 =	simm.s32 $0x13000;
	[tilespmem:$0x13FF0] =	vst v63;
	(pc) =	sbr.rel @p0 .LBB2_1-.Ltmp17, $4  }
0x1a2: {  	[hbm4b:s5+s2] =	stream.linear.scatter [tilespmem:s0], [sflag:$0x3], $0x1000, $0x38;
	[tilespmem:$0x14000] =	vst v63  }
0x1a3: {  	_ =	swait.ge [sflag:s7], $0x1000  }
0x1a4: {  	[sflag:s7] =	ssyncset.done $0x0  }
0x1a5: {  	[sflag:s7] =	ssyncadd.s32 $0xFFFFF000  }
0x1a6: {  	_ =	sfence.sel $0x180000  }
0x1a7: {  	[bflag:$0x0] =	sbarrier.arrive $0xFFFF  }
0x1a8: {  	_ =	strace $0x90000047  }
0x1a9: {  	s0 =	stileid.u32;
	[bflag:$0x2] =	sbarrier.arrive $0xFFFF  }
0x1aa: {  	p0 =	sne.s32 s0, $0x0;
	s0 =	rddreg [dreg:$0x2]  }
0x1ab: {  	s0 =	sadd.s32 @!p0 $0x100000, s0  }
0x1ac: {  	[sflag:s0] =	ssyncadd.tile.s32 @!p0 $0x1;
	_ =	shalt  }
.Lfunc_end2:
_tile_overlayer_lowered:
.L_overlay_start_2:
0x1ad: {  	(tag) =	ssettag $0x2  }
0x1ae: {  	s0 =	rddreg [dreg:$0x0];
	s2 =	stileid.u32  }
0x1af: {  	s1 =	rddreg [dreg:$0x1];
	p0 =	sne.s32 s2, $0x0  }
0x1b0: {  	s3 =	rddreg [dreg:$0x2];
	[bflag:$0x3] =	sbarrier.arrive $0xFFFF;
	s2 =	simm.s32 @!p0 $0x1C03  }
0x1b1: {  	[timem:s3], [sflag:s2] =	dma.local @!p0 [hbm:s0], s1  }
0x1b2: {  	s0 =	simm.s32 @!p0 $0x3  }
0x1b3: {  	_ =	swait.ge @!p0 [sflag:s0], s1  }
0x1b4: {  	s1 =	ssub.s32 @!p0 $0x0, s1;
	[sflag:s0] =	ssyncset.done @!p0 $0x0  }
0x1b5: {  	[sflag:s0] =	ssyncadd.s32 @!p0 s1  }
0x1b6: {  	[bflag:$0x3] =	sbarrier.arrive $0xFFFF  }
0x1b7: {  	_ =	shalt  }

</sc_bundles>
